<compile_context>
chip_gen: v7x
topology: tpu7x:2x2x1
jax: 0.10.2.dev20260603
libtpu: 0.0.44.dev20260713+nightly
codegen_flags: <defaults>
</compile_context>

<pallas_src>
import functools

import jax
import jax.numpy as jnp
from jax import lax
from jax.experimental import pallas as pl
from jax.experimental.pallas import tpu as pltpu
from jax.experimental.pallas import tpu_sc as plsc

V = 100000
D = 64
B = 16384
L = 20

NC = 2
NS = 16
NW = NC * NS
NB = B // NW
CB = 16
NCHUNK = NB // CB
ROWS = CB * L
GROWS = 80
GCALLS = ROWS // GROWS


def _sc_body(target_hbm, ctx_hbm, neg_hbm, w_hbm, c_hbm,
             pos_out, neg_out,
             cidx, nidx, tidx, cbuf, nbuf, tbuf, pstage, nstage, sems):
  wid = lax.axis_index("s") * NC + lax.axis_index("c")

  def slot_refs(s):
    return (cidx[s], nidx[s], tidx[s], cbuf[s], nbuf[s], tbuf[s],
            pstage[s], nstage[s], sems[s])

  def gather_copies(s, _g):
    ci, ni, ti, cb, nb, tb, _, _, sem = slot_refs(s)
    cps = []
    for j in range(GCALLS):
      sl = pl.ds(j * GROWS, GROWS)
      cps.append(pltpu.make_async_copy(c_hbm.at[ci.at[sl]], cb.at[sl], sem))
      cps.append(pltpu.make_async_copy(c_hbm.at[ni.at[sl]], nb.at[sl], sem))
    cps.append(pltpu.make_async_copy(w_hbm.at[ti], tb, sem))
    return cps

  def issue(s, g):
    ci, ni, ti, _, _, _, _, _, _ = slot_refs(s)
    base = wid * NB + g * CB
    pltpu.sync_copy(ctx_hbm.at[pl.ds(base * L, ROWS)], ci)
    pltpu.sync_copy(neg_hbm.at[pl.ds(base * L, ROWS)], ni)
    pltpu.sync_copy(target_hbm.at[pl.ds(base, CB)], ti)
    for cp in gather_copies(s, g):
      cp.start()

  def compute(s, g):
    _, _, _, cb, nb, tb, ps, ns, _ = slot_refs(s)
    base = wid * NB + g * CB
    for cp in gather_copies(s, g):
      cp.wait()

    def elem_body(b, _):
      r0 = b * L
      pvec = jnp.zeros((16,), jnp.float32)
      nvec = jnp.zeros((16,), jnp.float32)
      for j in range(D // 16):
        sl = pl.ds(j * 16, 16)
        ca = cb[r0, sl]
        na = nb[r0, sl]
        for l in range(1, L):
          ca = ca + cb[r0 + l, sl]
          na = na + nb[r0 + l, sl]
        t = tb[b, sl]
        pvec = pvec + t * ca
        nvec = nvec + t * na
      ps[b, :] = pvec
      ns[b, :] = nvec
      return 0

    lax.fori_loop(0, CB, elem_body, 0)
    pltpu.sync_copy(ps, pos_out.at[pl.ds(base, CB)])
    pltpu.sync_copy(ns, neg_out.at[pl.ds(base, CB)])

  issue(0, 0)
  issue(1, 1)

  def pair_body(i, _):
    g0 = 2 * i
    compute(0, g0)

    @pl.when(i < NCHUNK // 2 - 1)
    def _():
      issue(0, g0 + 2)

    compute(1, g0 + 1)

    @pl.when(i < NCHUNK // 2 - 1)
    def _():
      issue(1, g0 + 3)

    return 0

  lax.fori_loop(0, NCHUNK // 2, pair_body, 0)


_sc_call = functools.partial(
    pl.kernel,
    out_type=[jax.ShapeDtypeStruct((B, 16), jnp.float32),
              jax.ShapeDtypeStruct((B, 16), jnp.float32)],
    mesh=plsc.VectorSubcoreMesh(core_axis_name="c", subcore_axis_name="s"),
    compiler_params=pltpu.CompilerParams(use_tc_tiling_on_sc=False),
    scratch_types=[
        [pltpu.VMEM((ROWS,), jnp.int32)] * 2,
        [pltpu.VMEM((ROWS,), jnp.int32)] * 2,
        [pltpu.VMEM((CB,), jnp.int32)] * 2,
        [pltpu.VMEM((ROWS, D), jnp.float32)] * 2,
        [pltpu.VMEM((ROWS, D), jnp.float32)] * 2,
        [pltpu.VMEM((CB, D), jnp.float32)] * 2,
        [pltpu.VMEM((CB, 16), jnp.float32)] * 2,
        [pltpu.VMEM((CB, 16), jnp.float32)] * 2,
        [pltpu.SemaphoreType.DMA] * 2,
    ],
)(_sc_body)


def _tc_body(p_ref, n_ref, o_ref):
  pos = jnp.sum(p_ref[...], axis=1, keepdims=True)
  neg = jnp.sum(n_ref[...], axis=1, keepdims=True)
  pos = jnp.clip(pos, -10.0, 10.0)
  neg = jnp.clip(neg, -10.0, 10.0)
  loss = jnp.log1p(jnp.exp(-pos)) + jnp.log1p(jnp.exp(neg))
  o_ref[...] = (jnp.sum(loss) / B).reshape(1, 1)


_tc_call = pl.pallas_call(
    _tc_body,
    out_shape=jax.ShapeDtypeStruct((1, 1), jnp.float32),
)


@jax.jit
def kernel(target, contexts, negatives, w_emb, C_emb):
  target = jnp.asarray(target, jnp.int32)
  ctx_flat = jnp.asarray(contexts, jnp.int32).reshape(B * L)
  neg_flat = jnp.asarray(negatives, jnp.int32).reshape(B * L)
  pos_part, neg_part = _sc_call(target, ctx_flat, neg_flat, w_emb, C_emb)
  return _tc_call(pos_part, neg_part)[0, 0]

# --- scband reference (transcript-rebuilt; emitter-appended) ---
"""Pipeline reference for scband-word2-vec-18245021073622 (READ-ONLY COPY).

The authoritative reference and input builder live on the scoring server;
editing this copy changes nothing except your own understanding.
"""

import jax, jax.numpy as jnp
import numpy as np

V = 100000
D = 64
B = 16384
L = 20


def setup_inputs(seed: int = 0) -> dict:
    key = jax.random.key(seed)
    k1, k2, k3, k4, k5 = jax.random.split(key, 5)
    target = jax.random.randint(k1, (B,), 0, V)
    contexts = jax.random.randint(k2, (B, L), 0, V)
    negatives = jax.random.randint(k3, (B, L), 0, V)
    d = 1.0 / D
    # w_embeddings: uniform(-1/embed_size, 1/embed_size) as in the torch module
    w_emb = jax.random.uniform(k4, (V, D), minval=-d, maxval=d, dtype=jnp.float32)
    # C_embeddings is init'd to 0 in the torch module, which makes the forward output
    # a degenerate constant; use a small uniform init instead so outputs are nontrivial.
    C_emb = jax.random.uniform(k5, (V, D), minval=-d, maxval=d, dtype=jnp.float32)
    return {"target": target, "contexts": contexts, "negatives": negatives,
            "w_emb": w_emb, "C_emb": C_emb}


def reference(target, contexts, negatives, w_emb, C_emb):
    # embedding lookups (gathers)
    t = jnp.take(w_emb, target, axis=0)          # [B, D]
    c = jnp.take(C_emb, contexts, axis=0)        # [B, L, D]
    n = jnp.take(C_emb, negatives, axis=0)       # [B, L, D]
    # bmm(target[:, None, :], context.permute(0,2,1)).squeeze() -> [B, L]; then sum(dim=1)
    pos_sim = jnp.einsum('bd,bld->bl', t, c).sum(axis=1)  # [B]
    neg_sim = jnp.einsum('bd,bld->bl', t, n).sum(axis=1)  # [B]
    pos_sim = jnp.clip(pos_sim, -10.0, 10.0)
    neg_sim = jnp.clip(neg_sim, -10.0, 10.0)
    loss_pos = -jax.nn.log_sigmoid(pos_sim)
    loss_neg = -jax.nn.log_sigmoid(-neg_sim)
    return jnp.mean(loss_pos + loss_neg)

if __name__ == "__main__":
    import jax
    _d = setup_inputs()
    print(jax.jit(kernel)(*tuple(_d.values())))

</pallas_src>

<mosaic_0001>
#map = affine_map<(d0, d1) -> (0)>
#map1 = affine_map<(d0, d1) -> (0, 0)>
module attributes {stable_mosaic.version = 14 : i64} {
  func.func @_sc_body(%arg0: i32, %arg1: i32, %arg2: memref<16384xi32, #tpu.memory_space<hbm>>, %arg3: memref<327680xi32, #tpu.memory_space<hbm>>, %arg4: memref<327680xi32, #tpu.memory_space<hbm>>, %arg5: memref<100000x64xf32, #tpu.memory_space<hbm>>, %arg6: memref<100000x64xf32, #tpu.memory_space<hbm>>, %arg7: memref<16384x16xf32, #tpu.memory_space<hbm>>, %arg8: memref<16384x16xf32, #tpu.memory_space<hbm>>, %arg9: memref<320xi32, #tpu.memory_space<vmem>>, %arg10: memref<320xi32, #tpu.memory_space<vmem>>, %arg11: memref<320xi32, #tpu.memory_space<vmem>>, %arg12: memref<320xi32, #tpu.memory_space<vmem>>, %arg13: memref<16xi32, #tpu.memory_space<vmem>>, %arg14: memref<16xi32, #tpu.memory_space<vmem>>, %arg15: memref<320x64xf32, #tpu.memory_space<vmem>>, %arg16: memref<320x64xf32, #tpu.memory_space<vmem>>, %arg17: memref<320x64xf32, #tpu.memory_space<vmem>>, %arg18: memref<320x64xf32, #tpu.memory_space<vmem>>, %arg19: memref<16x64xf32, #tpu.memory_space<vmem>>, %arg20: memref<16x64xf32, #tpu.memory_space<vmem>>, %arg21: memref<16x16xf32, #tpu.memory_space<vmem>>, %arg22: memref<16x16xf32, #tpu.memory_space<vmem>>, %arg23: memref<16x16xf32, #tpu.memory_space<vmem>>, %arg24: memref<16x16xf32, #tpu.memory_space<vmem>>, %arg25: memref<!tpu.dma_semaphore, #tpu.memory_space<semaphore_mem>>, %arg26: memref<!tpu.dma_semaphore, #tpu.memory_space<semaphore_mem>>) attributes {dimension_semantics = [#tpu.dimension_semantics<core_parallel>, #tpu.dimension_semantics<subcore_parallel>], iteration_bounds = array<i64: 2, 16>, scalar_prefetch = 0 : i64, scratch_operands = 18 : i64, tpu.core_type = #tpu.core_type<sc_vector_subcore>, window_params = [{transform_indices = #map}, {transform_indices = #map}, {transform_indices = #map}, {transform_indices = #map1}, {transform_indices = #map1}, {transform_indices = #map1}, {transform_indices = #map1}]} {
    %mul3A = arith.constant 2 : i32
    %mul3A_0 = arith.muli %arg1, %mul3A : i32
    %add3A = arith.addi %mul3A_0, %arg0 : i32
    %mul3A_1 = arith.constant 512 : i32
    %mul3A_2 = arith.muli %add3A, %mul3A_1 : i32
    %add3A_3 = arith.constant 0 : i32
    %add3A_4 = arith.addi %mul3A_2, %add3A_3 : i32
    %mul3A_5 = arith.constant 20 : i32
    %mul3A_6 = arith.muli %add3A_4, %mul3A_5 : i32
    "tpu.region"() ({
      %run_scoped3A = tpu.sem_alloc : memref<!tpu.dma_semaphore, #tpu.memory_space<semaphore_mem>>
      %dma_start3A_156 = tpu.memref_slice %arg3[%mul3A_6] : memref<327680xi32, #tpu.memory_space<hbm>> -> memref<320xi32, #tpu.memory_space<hbm>>
      %dma_start3A_157 = tpu.memref_slice %arg3[%mul3A_6] : memref<327680xi32, #tpu.memory_space<hbm>> -> memref<320xi32, #tpu.memory_space<hbm>>
      tpu.enqueue_dma source(%dma_start3A_157 : memref<320xi32, #tpu.memory_space<hbm>>) target(%arg9 : memref<320xi32, #tpu.memory_space<vmem>>) target_semaphore(%run_scoped3A : memref<!tpu.dma_semaphore, #tpu.memory_space<semaphore_mem>>)
      %dma_wait3A = tpu.memref_slice %arg3[%mul3A_6] : memref<327680xi32, #tpu.memory_space<hbm>> -> memref<320xi32, #tpu.memory_space<hbm>>
      %dma_wait3A_158 = tpu.memref_slice %arg3[%mul3A_6] : memref<327680xi32, #tpu.memory_space<hbm>> -> memref<320xi32, #tpu.memory_space<hbm>>
      tpu.wait_dma2 semaphore(%run_scoped3A : memref<!tpu.dma_semaphore, #tpu.memory_space<semaphore_mem>>) src(%dma_wait3A_158 : memref<320xi32, #tpu.memory_space<hbm>>) dst(%arg9 : memref<320xi32, #tpu.memory_space<vmem>>)
      tpu.yield
    }) : () -> ()
    %mul3A_7 = arith.constant 20 : i32
    %mul3A_8 = arith.muli %add3A_4, %mul3A_7 : i32
    "tpu.region"() ({
      %run_scoped3A = tpu.sem_alloc : memref<!tpu.dma_semaphore, #tpu.memory_space<semaphore_mem>>
      %dma_start3A_156 = tpu.memref_slice %arg4[%mul3A_8] : memref<327680xi32, #tpu.memory_space<hbm>> -> memref<320xi32, #tpu.memory_space<hbm>>
      %dma_start3A_157 = tpu.memref_slice %arg4[%mul3A_8] : memref<327680xi32, #tpu.memory_space<hbm>> -> memref<320xi32, #tpu.memory_space<hbm>>
      tpu.enqueue_dma source(%dma_start3A_157 : memref<320xi32, #tpu.memory_space<hbm>>) target(%arg11 : memref<320xi32, #tpu.memory_space<vmem>>) target_semaphore(%run_scoped3A : memref<!tpu.dma_semaphore, #tpu.memory_space<semaphore_mem>>)
      %dma_wait3A = tpu.memref_slice %arg4[%mul3A_8] : memref<327680xi32, #tpu.memory_space<hbm>> -> memref<320xi32, #tpu.memory_space<hbm>>
      %dma_wait3A_158 = tpu.memref_slice %arg4[%mul3A_8] : memref<327680xi32, #tpu.memory_space<hbm>> -> memref<320xi32, #tpu.memory_space<hbm>>
      tpu.wait_dma2 semaphore(%run_scoped3A : memref<!tpu.dma_semaphore, #tpu.memory_space<semaphore_mem>>) src(%dma_wait3A_158 : memref<320xi32, #tpu.memory_space<hbm>>) dst(%arg11 : memref<320xi32, #tpu.memory_space<vmem>>)
      tpu.yield
    }) : () -> ()
    "tpu.region"() ({
      %run_scoped3A = tpu.sem_alloc : memref<!tpu.dma_semaphore, #tpu.memory_space<semaphore_mem>>
      %dma_start3A_156 = tpu.memref_slice %arg2[%add3A_4] : memref<16384xi32, #tpu.memory_space<hbm>> -> memref<16xi32, #tpu.memory_space<hbm>>
      %dma_start3A_157 = tpu.memref_slice %arg2[%add3A_4] : memref<16384xi32, #tpu.memory_space<hbm>> -> memref<16xi32, #tpu.memory_space<hbm>>
      tpu.enqueue_dma source(%dma_start3A_157 : memref<16xi32, #tpu.memory_space<hbm>>) target(%arg13 : memref<16xi32, #tpu.memory_space<vmem>>) target_semaphore(%run_scoped3A : memref<!tpu.dma_semaphore, #tpu.memory_space<semaphore_mem>>)
      %dma_wait3A = tpu.memref_slice %arg2[%add3A_4] : memref<16384xi32, #tpu.memory_space<hbm>> -> memref<16xi32, #tpu.memory_space<hbm>>
      %dma_wait3A_158 = tpu.memref_slice %arg2[%add3A_4] : memref<16384xi32, #tpu.memory_space<hbm>> -> memref<16xi32, #tpu.memory_space<hbm>>
      tpu.wait_dma2 semaphore(%run_scoped3A : memref<!tpu.dma_semaphore, #tpu.memory_space<semaphore_mem>>) src(%dma_wait3A_158 : memref<16xi32, #tpu.memory_space<hbm>>) dst(%arg13 : memref<16xi32, #tpu.memory_space<vmem>>)
      tpu.yield
    }) : () -> ()
    %dma_start3A = arith.constant 0 : i32
    %dma_start3A_9 = arith.constant 0 : i32
    %dma_start3A_10 = tpu.memref_slice %arg15[%dma_start3A, %dma_start3A_9] : memref<320x64xf32, #tpu.memory_space<vmem>> -> memref<80x64xf32, #tpu.memory_space<vmem>>
    %dma_start3A_11 = arith.constant 0 : i32
    %dma_start3A_12 = tpu.memref_slice %arg9[%dma_start3A_11] : memref<320xi32, #tpu.memory_space<vmem>> -> memref<80xi32, #tpu.memory_space<vmem>>
    %dma_start3A_13 = arith.constant 0 : i32
    %dma_start3A_14 = arith.constant 0 : i32
    %dma_start3A_15 = tpu.memref_slice %arg6[%dma_start3A_13, %dma_start3A_14] : memref<100000x64xf32, #tpu.memory_space<hbm>> -> memref<100000x64xf32, #tpu.memory_space<hbm>>
    tpu.enqueue_indirect_dma source(%dma_start3A_15 : memref<100000x64xf32, #tpu.memory_space<hbm>>) target(%dma_start3A_10 : memref<80x64xf32, #tpu.memory_space<vmem>>) offsets(%dma_start3A_12 : memref<80xi32, #tpu.memory_space<vmem>>) semaphore(%arg25 : memref<!tpu.dma_semaphore, #tpu.memory_space<semaphore_mem>>)
    %dma_start3A_16 = arith.constant 0 : i32
    %dma_start3A_17 = arith.constant 0 : i32
    %dma_start3A_18 = tpu.memref_slice %arg17[%dma_start3A_16, %dma_start3A_17] : memref<320x64xf32, #tpu.memory_space<vmem>> -> memref<80x64xf32, #tpu.memory_space<vmem>>
    %dma_start3A_19 = arith.constant 0 : i32
    %dma_start3A_20 = tpu.memref_slice %arg11[%dma_start3A_19] : memref<320xi32, #tpu.memory_space<vmem>> -> memref<80xi32, #tpu.memory_space<vmem>>
    %dma_start3A_21 = arith.constant 0 : i32
    %dma_start3A_22 = arith.constant 0 : i32
    %dma_start3A_23 = tpu.memref_slice %arg6[%dma_start3A_21, %dma_start3A_22] : memref<100000x64xf32, #tpu.memory_space<hbm>> -> memref<100000x64xf32, #tpu.memory_space<hbm>>
    tpu.enqueue_indirect_dma source(%dma_start3A_23 : memref<100000x64xf32, #tpu.memory_space<hbm>>) target(%dma_start3A_18 : memref<80x64xf32, #tpu.memory_space<vmem>>) offsets(%dma_start3A_20 : memref<80xi32, #tpu.memory_space<vmem>>) semaphore(%arg25 : memref<!tpu.dma_semaphore, #tpu.memory_space<semaphore_mem>>)
    %dma_start3A_24 = arith.constant 80 : i32
    %dma_start3A_25 = arith.constant 0 : i32
    %dma_start3A_26 = tpu.memref_slice %arg15[%dma_start3A_24, %dma_start3A_25] : memref<320x64xf32, #tpu.memory_space<vmem>> -> memref<80x64xf32, #tpu.memory_space<vmem>>
    %dma_start3A_27 = arith.constant 80 : i32
    %dma_start3A_28 = tpu.memref_slice %arg9[%dma_start3A_27] : memref<320xi32, #tpu.memory_space<vmem>> -> memref<80xi32, #tpu.memory_space<vmem>>
    %dma_start3A_29 = arith.constant 0 : i32
    %dma_start3A_30 = arith.constant 0 : i32
    %dma_start3A_31 = tpu.memref_slice %arg6[%dma_start3A_29, %dma_start3A_30] : memref<100000x64xf32, #tpu.memory_space<hbm>> -> memref<100000x64xf32, #tpu.memory_space<hbm>>
    tpu.enqueue_indirect_dma source(%dma_start3A_31 : memref<100000x64xf32, #tpu.memory_space<hbm>>) target(%dma_start3A_26 : memref<80x64xf32, #tpu.memory_space<vmem>>) offsets(%dma_start3A_28 : memref<80xi32, #tpu.memory_space<vmem>>) semaphore(%arg25 : memref<!tpu.dma_semaphore, #tpu.memory_space<semaphore_mem>>)
    %dma_start3A_32 = arith.constant 80 : i32
    %dma_start3A_33 = arith.constant 0 : i32
    %dma_start3A_34 = tpu.memref_slice %arg17[%dma_start3A_32, %dma_start3A_33] : memref<320x64xf32, #tpu.memory_space<vmem>> -> memref<80x64xf32, #tpu.memory_space<vmem>>
    %dma_start3A_35 = arith.constant 80 : i32
    %dma_start3A_36 = tpu.memref_slice %arg11[%dma_start3A_35] : memref<320xi32, #tpu.memory_space<vmem>> -> memref<80xi32, #tpu.memory_space<vmem>>
    %dma_start3A_37 = arith.constant 0 : i32
    %dma_start3A_38 = arith.constant 0 : i32
    %dma_start3A_39 = tpu.memref_slice %arg6[%dma_start3A_37, %dma_start3A_38] : memref<100000x64xf32, #tpu.memory_space<hbm>> -> memref<100000x64xf32, #tpu.memory_space<hbm>>
    tpu.enqueue_indirect_dma source(%dma_start3A_39 : memref<100000x64xf32, #tpu.memory_space<hbm>>) target(%dma_start3A_34 : memref<80x64xf32, #tpu.memory_space<vmem>>) offsets(%dma_start3A_36 : memref<80xi32, #tpu.memory_space<vmem>>) semaphore(%arg25 : memref<!tpu.dma_semaphore, #tpu.memory_space<semaphore_mem>>)
    %dma_start3A_40 = arith.constant 160 : i32
    %dma_start3A_41 = arith.constant 0 : i32
    %dma_start3A_42 = tpu.memref_slice %arg15[%dma_start3A_40, %dma_start3A_41] : memref<320x64xf32, #tpu.memory_space<vmem>> -> memref<80x64xf32, #tpu.memory_space<vmem>>
    %dma_start3A_43 = arith.constant 160 : i32
    %dma_start3A_44 = tpu.memref_slice %arg9[%dma_start3A_43] : memref<320xi32, #tpu.memory_space<vmem>> -> memref<80xi32, #tpu.memory_space<vmem>>
    %dma_start3A_45 = arith.constant 0 : i32
    %dma_start3A_46 = arith.constant 0 : i32
    %dma_start3A_47 = tpu.memref_slice %arg6[%dma_start3A_45, %dma_start3A_46] : memref<100000x64xf32, #tpu.memory_space<hbm>> -> memref<100000x64xf32, #tpu.memory_space<hbm>>
    tpu.enqueue_indirect_dma source(%dma_start3A_47 : memref<100000x64xf32, #tpu.memory_space<hbm>>) target(%dma_start3A_42 : memref<80x64xf32, #tpu.memory_space<vmem>>) offsets(%dma_start3A_44 : memref<80xi32, #tpu.memory_space<vmem>>) semaphore(%arg25 : memref<!tpu.dma_semaphore, #tpu.memory_space<semaphore_mem>>)
    %dma_start3A_48 = arith.constant 160 : i32
    %dma_start3A_49 = arith.constant 0 : i32
    %dma_start3A_50 = tpu.memref_slice %arg17[%dma_start3A_48, %dma_start3A_49] : memref<320x64xf32, #tpu.memory_space<vmem>> -> memref<80x64xf32, #tpu.memory_space<vmem>>
    %dma_start3A_51 = arith.constant 160 : i32
    %dma_start3A_52 = tpu.memref_slice %arg11[%dma_start3A_51] : memref<320xi32, #tpu.memory_space<vmem>> -> memref<80xi32, #tpu.memory_space<vmem>>
    %dma_start3A_53 = arith.constant 0 : i32
    %dma_start3A_54 = arith.constant 0 : i32
    %dma_start3A_55 = tpu.memref_slice %arg6[%dma_start3A_53, %dma_start3A_54] : memref<100000x64xf32, #tpu.memory_space<hbm>> -> memref<100000x64xf32, #tpu.memory_space<hbm>>
    tpu.enqueue_indirect_dma source(%dma_start3A_55 : memref<100000x64xf32, #tpu.memory_space<hbm>>) target(%dma_start3A_50 : memref<80x64xf32, #tpu.memory_space<vmem>>) offsets(%dma_start3A_52 : memref<80xi32, #tpu.memory_space<vmem>>) semaphore(%arg25 : memref<!tpu.dma_semaphore, #tpu.memory_space<semaphore_mem>>)
    %dma_start3A_56 = arith.constant 240 : i32
    %dma_start3A_57 = arith.constant 0 : i32
    %dma_start3A_58 = tpu.memref_slice %arg15[%dma_start3A_56, %dma_start3A_57] : memref<320x64xf32, #tpu.memory_space<vmem>> -> memref<80x64xf32, #tpu.memory_space<vmem>>
    %dma_start3A_59 = arith.constant 240 : i32
    %dma_start3A_60 = tpu.memref_slice %arg9[%dma_start3A_59] : memref<320xi32, #tpu.memory_space<vmem>> -> memref<80xi32, #tpu.memory_space<vmem>>
    %dma_start3A_61 = arith.constant 0 : i32
    %dma_start3A_62 = arith.constant 0 : i32
    %dma_start3A_63 = tpu.memref_slice %arg6[%dma_start3A_61, %dma_start3A_62] : memref<100000x64xf32, #tpu.memory_space<hbm>> -> memref<100000x64xf32, #tpu.memory_space<hbm>>
    tpu.enqueue_indirect_dma source(%dma_start3A_63 : memref<100000x64xf32, #tpu.memory_space<hbm>>) target(%dma_start3A_58 : memref<80x64xf32, #tpu.memory_space<vmem>>) offsets(%dma_start3A_60 : memref<80xi32, #tpu.memory_space<vmem>>) semaphore(%arg25 : memref<!tpu.dma_semaphore, #tpu.memory_space<semaphore_mem>>)
    %dma_start3A_64 = arith.constant 240 : i32
    %dma_start3A_65 = arith.constant 0 : i32
    %dma_start3A_66 = tpu.memref_slice %arg17[%dma_start3A_64, %dma_start3A_65] : memref<320x64xf32, #tpu.memory_space<vmem>> -> memref<80x64xf32, #tpu.memory_space<vmem>>
    %dma_start3A_67 = arith.constant 240 : i32
    %dma_start3A_68 = tpu.memref_slice %arg11[%dma_start3A_67] : memref<320xi32, #tpu.memory_space<vmem>> -> memref<80xi32, #tpu.memory_space<vmem>>
    %dma_start3A_69 = arith.constant 0 : i32
    %dma_start3A_70 = arith.constant 0 : i32
    %dma_start3A_71 = tpu.memref_slice %arg6[%dma_start3A_69, %dma_start3A_70] : memref<100000x64xf32, #tpu.memory_space<hbm>> -> memref<100000x64xf32, #tpu.memory_space<hbm>>
    tpu.enqueue_indirect_dma source(%dma_start3A_71 : memref<100000x64xf32, #tpu.memory_space<hbm>>) target(%dma_start3A_66 : memref<80x64xf32, #tpu.memory_space<vmem>>) offsets(%dma_start3A_68 : memref<80xi32, #tpu.memory_space<vmem>>) semaphore(%arg25 : memref<!tpu.dma_semaphore, #tpu.memory_space<semaphore_mem>>)
    %dma_start3A_72 = arith.constant 0 : i32
    %dma_start3A_73 = arith.constant 0 : i32
    %dma_start3A_74 = tpu.memref_slice %arg5[%dma_start3A_72, %dma_start3A_73] : memref<100000x64xf32, #tpu.memory_space<hbm>> -> memref<100000x64xf32, #tpu.memory_space<hbm>>
    tpu.enqueue_indirect_dma source(%dma_start3A_74 : memref<100000x64xf32, #tpu.memory_space<hbm>>) target(%arg19 : memref<16x64xf32, #tpu.memory_space<vmem>>) offsets(%arg13 : memref<16xi32, #tpu.memory_space<vmem>>) semaphore(%arg25 : memref<!tpu.dma_semaphore, #tpu.memory_space<semaphore_mem>>)
    %mul3A_75 = arith.constant 512 : i32
    %mul3A_76 = arith.muli %add3A, %mul3A_75 : i32
    %add3A_77 = arith.constant 16 : i32
    %add3A_78 = arith.addi %mul3A_76, %add3A_77 : i32
    %mul3A_79 = arith.constant 20 : i32
    %mul3A_80 = arith.muli %add3A_78, %mul3A_79 : i32
    "tpu.region"() ({
      %run_scoped3A = tpu.sem_alloc : memref<!tpu.dma_semaphore, #tpu.memory_space<semaphore_mem>>
      %dma_start3A_156 = tpu.memref_slice %arg3[%mul3A_80] : memref<327680xi32, #tpu.memory_space<hbm>> -> memref<320xi32, #tpu.memory_space<hbm>>
      %dma_start3A_157 = tpu.memref_slice %arg3[%mul3A_80] : memref<327680xi32, #tpu.memory_space<hbm>> -> memref<320xi32, #tpu.memory_space<hbm>>
      tpu.enqueue_dma source(%dma_start3A_157 : memref<320xi32, #tpu.memory_space<hbm>>) target(%arg10 : memref<320xi32, #tpu.memory_space<vmem>>) target_semaphore(%run_scoped3A : memref<!tpu.dma_semaphore, #tpu.memory_space<semaphore_mem>>)
      %dma_wait3A = tpu.memref_slice %arg3[%mul3A_80] : memref<327680xi32, #tpu.memory_space<hbm>> -> memref<320xi32, #tpu.memory_space<hbm>>
      %dma_wait3A_158 = tpu.memref_slice %arg3[%mul3A_80] : memref<327680xi32, #tpu.memory_space<hbm>> -> memref<320xi32, #tpu.memory_space<hbm>>
      tpu.wait_dma2 semaphore(%run_scoped3A : memref<!tpu.dma_semaphore, #tpu.memory_space<semaphore_mem>>) src(%dma_wait3A_158 : memref<320xi32, #tpu.memory_space<hbm>>) dst(%arg10 : memref<320xi32, #tpu.memory_space<vmem>>)
      tpu.yield
    }) : () -> ()
    %mul3A_81 = arith.constant 20 : i32
    %mul3A_82 = arith.muli %add3A_78, %mul3A_81 : i32
    "tpu.region"() ({
      %run_scoped3A = tpu.sem_alloc : memref<!tpu.dma_semaphore, #tpu.memory_space<semaphore_mem>>
      %dma_start3A_156 = tpu.memref_slice %arg4[%mul3A_82] : memref<327680xi32, #tpu.memory_space<hbm>> -> memref<320xi32, #tpu.memory_space<hbm>>
      %dma_start3A_157 = tpu.memref_slice %arg4[%mul3A_82] : memref<327680xi32, #tpu.memory_space<hbm>> -> memref<320xi32, #tpu.memory_space<hbm>>
      tpu.enqueue_dma source(%dma_start3A_157 : memref<320xi32, #tpu.memory_space<hbm>>) target(%arg12 : memref<320xi32, #tpu.memory_space<vmem>>) target_semaphore(%run_scoped3A : memref<!tpu.dma_semaphore, #tpu.memory_space<semaphore_mem>>)
      %dma_wait3A = tpu.memref_slice %arg4[%mul3A_82] : memref<327680xi32, #tpu.memory_space<hbm>> -> memref<320xi32, #tpu.memory_space<hbm>>
      %dma_wait3A_158 = tpu.memref_slice %arg4[%mul3A_82] : memref<327680xi32, #tpu.memory_space<hbm>> -> memref<320xi32, #tpu.memory_space<hbm>>
      tpu.wait_dma2 semaphore(%run_scoped3A : memref<!tpu.dma_semaphore, #tpu.memory_space<semaphore_mem>>) src(%dma_wait3A_158 : memref<320xi32, #tpu.memory_space<hbm>>) dst(%arg12 : memref<320xi32, #tpu.memory_space<vmem>>)
      tpu.yield
    }) : () -> ()
    "tpu.region"() ({
      %run_scoped3A = tpu.sem_alloc : memref<!tpu.dma_semaphore, #tpu.memory_space<semaphore_mem>>
      %dma_start3A_156 = tpu.memref_slice %arg2[%add3A_78] : memref<16384xi32, #tpu.memory_space<hbm>> -> memref<16xi32, #tpu.memory_space<hbm>>
      %dma_start3A_157 = tpu.memref_slice %arg2[%add3A_78] : memref<16384xi32, #tpu.memory_space<hbm>> -> memref<16xi32, #tpu.memory_space<hbm>>
      tpu.enqueue_dma source(%dma_start3A_157 : memref<16xi32, #tpu.memory_space<hbm>>) target(%arg14 : memref<16xi32, #tpu.memory_space<vmem>>) target_semaphore(%run_scoped3A : memref<!tpu.dma_semaphore, #tpu.memory_space<semaphore_mem>>)
      %dma_wait3A = tpu.memref_slice %arg2[%add3A_78] : memref<16384xi32, #tpu.memory_space<hbm>> -> memref<16xi32, #tpu.memory_space<hbm>>
      %dma_wait3A_158 = tpu.memref_slice %arg2[%add3A_78] : memref<16384xi32, #tpu.memory_space<hbm>> -> memref<16xi32, #tpu.memory_space<hbm>>
      tpu.wait_dma2 semaphore(%run_scoped3A : memref<!tpu.dma_semaphore, #tpu.memory_space<semaphore_mem>>) src(%dma_wait3A_158 : memref<16xi32, #tpu.memory_space<hbm>>) dst(%arg14 : memref<16xi32, #tpu.memory_space<vmem>>)
      tpu.yield
    }) : () -> ()
    %dma_start3A_83 = arith.constant 0 : i32
    %dma_start3A_84 = arith.constant 0 : i32
    %dma_start3A_85 = tpu.memref_slice %arg16[%dma_start3A_83, %dma_start3A_84] : memref<320x64xf32, #tpu.memory_space<vmem>> -> memref<80x64xf32, #tpu.memory_space<vmem>>
    %dma_start3A_86 = arith.constant 0 : i32
    %dma_start3A_87 = tpu.memref_slice %arg10[%dma_start3A_86] : memref<320xi32, #tpu.memory_space<vmem>> -> memref<80xi32, #tpu.memory_space<vmem>>
    %dma_start3A_88 = arith.constant 0 : i32
    %dma_start3A_89 = arith.constant 0 : i32
    %dma_start3A_90 = tpu.memref_slice %arg6[%dma_start3A_88, %dma_start3A_89] : memref<100000x64xf32, #tpu.memory_space<hbm>> -> memref<100000x64xf32, #tpu.memory_space<hbm>>
    tpu.enqueue_indirect_dma source(%dma_start3A_90 : memref<100000x64xf32, #tpu.memory_space<hbm>>) target(%dma_start3A_85 : memref<80x64xf32, #tpu.memory_space<vmem>>) offsets(%dma_start3A_87 : memref<80xi32, #tpu.memory_space<vmem>>) semaphore(%arg26 : memref<!tpu.dma_semaphore, #tpu.memory_space<semaphore_mem>>)
    %dma_start3A_91 = arith.constant 0 : i32
    %dma_start3A_92 = arith.constant 0 : i32
    %dma_start3A_93 = tpu.memref_slice %arg18[%dma_start3A_91, %dma_start3A_92] : memref<320x64xf32, #tpu.memory_space<vmem>> -> memref<80x64xf32, #tpu.memory_space<vmem>>
    %dma_start3A_94 = arith.constant 0 : i32
    %dma_start3A_95 = tpu.memref_slice %arg12[%dma_start3A_94] : memref<320xi32, #tpu.memory_space<vmem>> -> memref<80xi32, #tpu.memory_space<vmem>>
    %dma_start3A_96 = arith.constant 0 : i32
    %dma_start3A_97 = arith.constant 0 : i32
    %dma_start3A_98 = tpu.memref_slice %arg6[%dma_start3A_96, %dma_start3A_97] : memref<100000x64xf32, #tpu.memory_space<hbm>> -> memref<100000x64xf32, #tpu.memory_space<hbm>>
    tpu.enqueue_indirect_dma source(%dma_start3A_98 : memref<100000x64xf32, #tpu.memory_space<hbm>>) target(%dma_start3A_93 : memref<80x64xf32, #tpu.memory_space<vmem>>) offsets(%dma_start3A_95 : memref<80xi32, #tpu.memory_space<vmem>>) semaphore(%arg26 : memref<!tpu.dma_semaphore, #tpu.memory_space<semaphore_mem>>)
    %dma_start3A_99 = arith.constant 80 : i32
    %dma_start3A_100 = arith.constant 0 : i32
    %dma_start3A_101 = tpu.memref_slice %arg16[%dma_start3A_99, %dma_start3A_100] : memref<320x64xf32, #tpu.memory_space<vmem>> -> memref<80x64xf32, #tpu.memory_space<vmem>>
    %dma_start3A_102 = arith.constant 80 : i32
    %dma_start3A_103 = tpu.memref_slice %arg10[%dma_start3A_102] : memref<320xi32, #tpu.memory_space<vmem>> -> memref<80xi32, #tpu.memory_space<vmem>>
    %dma_start3A_104 = arith.constant 0 : i32
    %dma_start3A_105 = arith.constant 0 : i32
    %dma_start3A_106 = tpu.memref_slice %arg6[%dma_start3A_104, %dma_start3A_105] : memref<100000x64xf32, #tpu.memory_space<hbm>> -> memref<100000x64xf32, #tpu.memory_space<hbm>>
    tpu.enqueue_indirect_dma source(%dma_start3A_106 : memref<100000x64xf32, #tpu.memory_space<hbm>>) target(%dma_start3A_101 : memref<80x64xf32, #tpu.memory_space<vmem>>) offsets(%dma_start3A_103 : memref<80xi32, #tpu.memory_space<vmem>>) semaphore(%arg26 : memref<!tpu.dma_semaphore, #tpu.memory_space<semaphore_mem>>)
    %dma_start3A_107 = arith.constant 80 : i32
    %dma_start3A_108 = arith.constant 0 : i32
    %dma_start3A_109 = tpu.memref_slice %arg18[%dma_start3A_107, %dma_start3A_108] : memref<320x64xf32, #tpu.memory_space<vmem>> -> memref<80x64xf32, #tpu.memory_space<vmem>>
    %dma_start3A_110 = arith.constant 80 : i32
    %dma_start3A_111 = tpu.memref_slice %arg12[%dma_start3A_110] : memref<320xi32, #tpu.memory_space<vmem>> -> memref<80xi32, #tpu.memory_space<vmem>>
    %dma_start3A_112 = arith.constant 0 : i32
    %dma_start3A_113 = arith.constant 0 : i32
    %dma_start3A_114 = tpu.memref_slice %arg6[%dma_start3A_112, %dma_start3A_113] : memref<100000x64xf32, #tpu.memory_space<hbm>> -> memref<100000x64xf32, #tpu.memory_space<hbm>>
    tpu.enqueue_indirect_dma source(%dma_start3A_114 : memref<100000x64xf32, #tpu.memory_space<hbm>>) target(%dma_start3A_109 : memref<80x64xf32, #tpu.memory_space<vmem>>) offsets(%dma_start3A_111 : memref<80xi32, #tpu.memory_space<vmem>>) semaphore(%arg26 : memref<!tpu.dma_semaphore, #tpu.memory_space<semaphore_mem>>)
    %dma_start3A_115 = arith.constant 160 : i32
    %dma_start3A_116 = arith.constant 0 : i32
    %dma_start3A_117 = tpu.memref_slice %arg16[%dma_start3A_115, %dma_start3A_116] : memref<320x64xf32, #tpu.memory_space<vmem>> -> memref<80x64xf32, #tpu.memory_space<vmem>>
    %dma_start3A_118 = arith.constant 160 : i32
    %dma_start3A_119 = tpu.memref_slice %arg10[%dma_start3A_118] : memref<320xi32, #tpu.memory_space<vmem>> -> memref<80xi32, #tpu.memory_space<vmem>>
    %dma_start3A_120 = arith.constant 0 : i32
    %dma_start3A_121 = arith.constant 0 : i32
    %dma_start3A_122 = tpu.memref_slice %arg6[%dma_start3A_120, %dma_start3A_121] : memref<100000x64xf32, #tpu.memory_space<hbm>> -> memref<100000x64xf32, #tpu.memory_space<hbm>>
    tpu.enqueue_indirect_dma source(%dma_start3A_122 : memref<100000x64xf32, #tpu.memory_space<hbm>>) target(%dma_start3A_117 : memref<80x64xf32, #tpu.memory_space<vmem>>) offsets(%dma_start3A_119 : memref<80xi32, #tpu.memory_space<vmem>>) semaphore(%arg26 : memref<!tpu.dma_semaphore, #tpu.memory_space<semaphore_mem>>)
    %dma_start3A_123 = arith.constant 160 : i32
    %dma_start3A_124 = arith.constant 0 : i32
    %dma_start3A_125 = tpu.memref_slice %arg18[%dma_start3A_123, %dma_start3A_124] : memref<320x64xf32, #tpu.memory_space<vmem>> -> memref<80x64xf32, #tpu.memory_space<vmem>>
    %dma_start3A_126 = arith.constant 160 : i32
    %dma_start3A_127 = tpu.memref_slice %arg12[%dma_start3A_126] : memref<320xi32, #tpu.memory_space<vmem>> -> memref<80xi32, #tpu.memory_space<vmem>>
    %dma_start3A_128 = arith.constant 0 : i32
    %dma_start3A_129 = arith.constant 0 : i32
    %dma_start3A_130 = tpu.memref_slice %arg6[%dma_start3A_128, %dma_start3A_129] : memref<100000x64xf32, #tpu.memory_space<hbm>> -> memref<100000x64xf32, #tpu.memory_space<hbm>>
    tpu.enqueue_indirect_dma source(%dma_start3A_130 : memref<100000x64xf32, #tpu.memory_space<hbm>>) target(%dma_start3A_125 : memref<80x64xf32, #tpu.memory_space<vmem>>) offsets(%dma_start3A_127 : memref<80xi32, #tpu.memory_space<vmem>>) semaphore(%arg26 : memref<!tpu.dma_semaphore, #tpu.memory_space<semaphore_mem>>)
    %dma_start3A_131 = arith.constant 240 : i32
    %dma_start3A_132 = arith.constant 0 : i32
    %dma_start3A_133 = tpu.memref_slice %arg16[%dma_start3A_131, %dma_start3A_132] : memref<320x64xf32, #tpu.memory_space<vmem>> -> memref<80x64xf32, #tpu.memory_space<vmem>>
    %dma_start3A_134 = arith.constant 240 : i32
    %dma_start3A_135 = tpu.memref_slice %arg10[%dma_start3A_134] : memref<320xi32, #tpu.memory_space<vmem>> -> memref<80xi32, #tpu.memory_space<vmem>>
    %dma_start3A_136 = arith.constant 0 : i32
    %dma_start3A_137 = arith.constant 0 : i32
    %dma_start3A_138 = tpu.memref_slice %arg6[%dma_start3A_136, %dma_start3A_137] : memref<100000x64xf32, #tpu.memory_space<hbm>> -> memref<100000x64xf32, #tpu.memory_space<hbm>>
    tpu.enqueue_indirect_dma source(%dma_start3A_138 : memref<100000x64xf32, #tpu.memory_space<hbm>>) target(%dma_start3A_133 : memref<80x64xf32, #tpu.memory_space<vmem>>) offsets(%dma_start3A_135 : memref<80xi32, #tpu.memory_space<vmem>>) semaphore(%arg26 : memref<!tpu.dma_semaphore, #tpu.memory_space<semaphore_mem>>)
    %dma_start3A_139 = arith.constant 240 : i32
    %dma_start3A_140 = arith.constant 0 : i32
    %dma_start3A_141 = tpu.memref_slice %arg18[%dma_start3A_139, %dma_start3A_140] : memref<320x64xf32, #tpu.memory_space<vmem>> -> memref<80x64xf32, #tpu.memory_space<vmem>>
    %dma_start3A_142 = arith.constant 240 : i32
    %dma_start3A_143 = tpu.memref_slice %arg12[%dma_start3A_142] : memref<320xi32, #tpu.memory_space<vmem>> -> memref<80xi32, #tpu.memory_space<vmem>>
    %dma_start3A_144 = arith.constant 0 : i32
    %dma_start3A_145 = arith.constant 0 : i32
    %dma_start3A_146 = tpu.memref_slice %arg6[%dma_start3A_144, %dma_start3A_145] : memref<100000x64xf32, #tpu.memory_space<hbm>> -> memref<100000x64xf32, #tpu.memory_space<hbm>>
    tpu.enqueue_indirect_dma source(%dma_start3A_146 : memref<100000x64xf32, #tpu.memory_space<hbm>>) target(%dma_start3A_141 : memref<80x64xf32, #tpu.memory_space<vmem>>) offsets(%dma_start3A_143 : memref<80xi32, #tpu.memory_space<vmem>>) semaphore(%arg26 : memref<!tpu.dma_semaphore, #tpu.memory_space<semaphore_mem>>)
    %dma_start3A_147 = arith.constant 0 : i32
    %dma_start3A_148 = arith.constant 0 : i32
    %dma_start3A_149 = tpu.memref_slice %arg5[%dma_start3A_147, %dma_start3A_148] : memref<100000x64xf32, #tpu.memory_space<hbm>> -> memref<100000x64xf32, #tpu.memory_space<hbm>>
    tpu.enqueue_indirect_dma source(%dma_start3A_149 : memref<100000x64xf32, #tpu.memory_space<hbm>>) target(%arg20 : memref<16x64xf32, #tpu.memory_space<vmem>>) offsets(%arg14 : memref<16xi32, #tpu.memory_space<vmem>>) semaphore(%arg26 : memref<!tpu.dma_semaphore, #tpu.memory_space<semaphore_mem>>)
    %scan3A = arith.constant 0 : i32
    %scan3A_150 = arith.constant 0 : i32
    %scan3A_151 = arith.constant 16 : i32
    %scan3A_152 = arith.addi %scan3A_150, %scan3A_151 : i32
    %scan3A_153 = arith.constant 1 : i32
    %scan3A_154 = scf.for %scan3A_156 = %scan3A_150 to %scan3A_152 step %scan3A_153 iter_args(%scan3A_157 = %scan3A) -> (i32)  : i32 {
      %mul3A_158 = arith.constant 2 : i32
      %mul3A_159 = arith.muli %mul3A_158, %scan3A_156 : i32
      %mul3A_160 = arith.constant 512 : i32
      %mul3A_161 = arith.muli %add3A, %mul3A_160 : i32
      %mul3A_162 = arith.constant 16 : i32
      %mul3A_163 = arith.muli %mul3A_159, %mul3A_162 : i32
      %add3A_164 = arith.addi %mul3A_161, %mul3A_163 : i32
      %dma_wait3A = arith.constant 0 : i32
      %dma_wait3A_165 = arith.constant 0 : i32
      %dma_wait3A_166 = tpu.memref_slice %arg15[%dma_wait3A, %dma_wait3A_165] : memref<320x64xf32, #tpu.memory_space<vmem>> -> memref<80x64xf32, #tpu.memory_space<vmem>>
      %dma_wait3A_167 = arith.constant 0 : i32
      %dma_wait3A_168 = tpu.memref_slice %arg9[%dma_wait3A_167] : memref<320xi32, #tpu.memory_space<vmem>> -> memref<80xi32, #tpu.memory_space<vmem>>
      %dma_wait3A_169 = arith.constant 0 : i32
      %dma_wait3A_170 = arith.constant 0 : i32
      %dma_wait3A_171 = tpu.memref_slice %arg6[%dma_wait3A_169, %dma_wait3A_170] : memref<100000x64xf32, #tpu.memory_space<hbm>> -> memref<100000x64xf32, #tpu.memory_space<hbm>>
      tpu.wait_indirect_dma semaphore(%arg25 : memref<!tpu.dma_semaphore, #tpu.memory_space<semaphore_mem>>) src(%dma_wait3A_171 : memref<100000x64xf32, #tpu.memory_space<hbm>>) dst(%dma_wait3A_166 : memref<80x64xf32, #tpu.memory_space<vmem>>)
      %dma_wait3A_172 = arith.constant 0 : i32
      %dma_wait3A_173 = arith.constant 0 : i32
      %dma_wait3A_174 = tpu.memref_slice %arg17[%dma_wait3A_172, %dma_wait3A_173] : memref<320x64xf32, #tpu.memory_space<vmem>> -> memref<80x64xf32, #tpu.memory_space<vmem>>
      %dma_wait3A_175 = arith.constant 0 : i32
      %dma_wait3A_176 = tpu.memref_slice %arg11[%dma_wait3A_175] : memref<320xi32, #tpu.memory_space<vmem>> -> memref<80xi32, #tpu.memory_space<vmem>>
      %dma_wait3A_177 = arith.constant 0 : i32
      %dma_wait3A_178 = arith.constant 0 : i32
      %dma_wait3A_179 = tpu.memref_slice %arg6[%dma_wait3A_177, %dma_wait3A_178] : memref<100000x64xf32, #tpu.memory_space<hbm>> -> memref<100000x64xf32, #tpu.memory_space<hbm>>
      tpu.wait_indirect_dma semaphore(%arg25 : memref<!tpu.dma_semaphore, #tpu.memory_space<semaphore_mem>>) src(%dma_wait3A_179 : memref<100000x64xf32, #tpu.memory_space<hbm>>) dst(%dma_wait3A_174 : memref<80x64xf32, #tpu.memory_space<vmem>>)
      %dma_wait3A_180 = arith.constant 80 : i32
      %dma_wait3A_181 = arith.constant 0 : i32
      %dma_wait3A_182 = tpu.memref_slice %arg15[%dma_wait3A_180, %dma_wait3A_181] : memref<320x64xf32, #tpu.memory_space<vmem>> -> memref<80x64xf32, #tpu.memory_space<vmem>>
      %dma_wait3A_183 = arith.constant 80 : i32
      %dma_wait3A_184 = tpu.memref_slice %arg9[%dma_wait3A_183] : memref<320xi32, #tpu.memory_space<vmem>> -> memref<80xi32, #tpu.memory_space<vmem>>
      %dma_wait3A_185 = arith.constant 0 : i32
      %dma_wait3A_186 = arith.constant 0 : i32
      %dma_wait3A_187 = tpu.memref_slice %arg6[%dma_wait3A_185, %dma_wait3A_186] : memref<100000x64xf32, #tpu.memory_space<hbm>> -> memref<100000x64xf32, #tpu.memory_space<hbm>>
      tpu.wait_indirect_dma semaphore(%arg25 : memref<!tpu.dma_semaphore, #tpu.memory_space<semaphore_mem>>) src(%dma_wait3A_187 : memref<100000x64xf32, #tpu.memory_space<hbm>>) dst(%dma_wait3A_182 : memref<80x64xf32, #tpu.memory_space<vmem>>)
      %dma_wait3A_188 = arith.constant 80 : i32
      %dma_wait3A_189 = arith.constant 0 : i32
      %dma_wait3A_190 = tpu.memref_slice %arg17[%dma_wait3A_188, %dma_wait3A_189] : memref<320x64xf32, #tpu.memory_space<vmem>> -> memref<80x64xf32, #tpu.memory_space<vmem>>
      %dma_wait3A_191 = arith.constant 80 : i32
      %dma_wait3A_192 = tpu.memref_slice %arg11[%dma_wait3A_191] : memref<320xi32, #tpu.memory_space<vmem>> -> memref<80xi32, #tpu.memory_space<vmem>>
      %dma_wait3A_193 = arith.constant 0 : i32
      %dma_wait3A_194 = arith.constant 0 : i32
      %dma_wait3A_195 = tpu.memref_slice %arg6[%dma_wait3A_193, %dma_wait3A_194] : memref<100000x64xf32, #tpu.memory_space<hbm>> -> memref<100000x64xf32, #tpu.memory_space<hbm>>
      tpu.wait_indirect_dma semaphore(%arg25 : memref<!tpu.dma_semaphore, #tpu.memory_space<semaphore_mem>>) src(%dma_wait3A_195 : memref<100000x64xf32, #tpu.memory_space<hbm>>) dst(%dma_wait3A_190 : memref<80x64xf32, #tpu.memory_space<vmem>>)
      %dma_wait3A_196 = arith.constant 160 : i32
      %dma_wait3A_197 = arith.constant 0 : i32
      %dma_wait3A_198 = tpu.memref_slice %arg15[%dma_wait3A_196, %dma_wait3A_197] : memref<320x64xf32, #tpu.memory_space<vmem>> -> memref<80x64xf32, #tpu.memory_space<vmem>>
      %dma_wait3A_199 = arith.constant 160 : i32
      %dma_wait3A_200 = tpu.memref_slice %arg9[%dma_wait3A_199] : memref<320xi32, #tpu.memory_space<vmem>> -> memref<80xi32, #tpu.memory_space<vmem>>
      %dma_wait3A_201 = arith.constant 0 : i32
      %dma_wait3A_202 = arith.constant 0 : i32
      %dma_wait3A_203 = tpu.memref_slice %arg6[%dma_wait3A_201, %dma_wait3A_202] : memref<100000x64xf32, #tpu.memory_space<hbm>> -> memref<100000x64xf32, #tpu.memory_space<hbm>>
      tpu.wait_indirect_dma semaphore(%arg25 : memref<!tpu.dma_semaphore, #tpu.memory_space<semaphore_mem>>) src(%dma_wait3A_203 : memref<100000x64xf32, #tpu.memory_space<hbm>>) dst(%dma_wait3A_198 : memref<80x64xf32, #tpu.memory_space<vmem>>)
      %dma_wait3A_204 = arith.constant 160 : i32
      %dma_wait3A_205 = arith.constant 0 : i32
      %dma_wait3A_206 = tpu.memref_slice %arg17[%dma_wait3A_204, %dma_wait3A_205] : memref<320x64xf32, #tpu.memory_space<vmem>> -> memref<80x64xf32, #tpu.memory_space<vmem>>
      %dma_wait3A_207 = arith.constant 160 : i32
      %dma_wait3A_208 = tpu.memref_slice %arg11[%dma_wait3A_207] : memref<320xi32, #tpu.memory_space<vmem>> -> memref<80xi32, #tpu.memory_space<vmem>>
      %dma_wait3A_209 = arith.constant 0 : i32
      %dma_wait3A_210 = arith.constant 0 : i32
      %dma_wait3A_211 = tpu.memref_slice %arg6[%dma_wait3A_209, %dma_wait3A_210] : memref<100000x64xf32, #tpu.memory_space<hbm>> -> memref<100000x64xf32, #tpu.memory_space<hbm>>
      tpu.wait_indirect_dma semaphore(%arg25 : memref<!tpu.dma_semaphore, #tpu.memory_space<semaphore_mem>>) src(%dma_wait3A_211 : memref<100000x64xf32, #tpu.memory_space<hbm>>) dst(%dma_wait3A_206 : memref<80x64xf32, #tpu.memory_space<vmem>>)
      %dma_wait3A_212 = arith.constant 240 : i32
      %dma_wait3A_213 = arith.constant 0 : i32
      %dma_wait3A_214 = tpu.memref_slice %arg15[%dma_wait3A_212, %dma_wait3A_213] : memref<320x64xf32, #tpu.memory_space<vmem>> -> memref<80x64xf32, #tpu.memory_space<vmem>>
      %dma_wait3A_215 = arith.constant 240 : i32
      %dma_wait3A_216 = tpu.memref_slice %arg9[%dma_wait3A_215] : memref<320xi32, #tpu.memory_space<vmem>> -> memref<80xi32, #tpu.memory_space<vmem>>
      %dma_wait3A_217 = arith.constant 0 : i32
      %dma_wait3A_218 = arith.constant 0 : i32
      %dma_wait3A_219 = tpu.memref_slice %arg6[%dma_wait3A_217, %dma_wait3A_218] : memref<100000x64xf32, #tpu.memory_space<hbm>> -> memref<100000x64xf32, #tpu.memory_space<hbm>>
      tpu.wait_indirect_dma semaphore(%arg25 : memref<!tpu.dma_semaphore, #tpu.memory_space<semaphore_mem>>) src(%dma_wait3A_219 : memref<100000x64xf32, #tpu.memory_space<hbm>>) dst(%dma_wait3A_214 : memref<80x64xf32, #tpu.memory_space<vmem>>)
      %dma_wait3A_220 = arith.constant 240 : i32
      %dma_wait3A_221 = arith.constant 0 : i32
      %dma_wait3A_222 = tpu.memref_slice %arg17[%dma_wait3A_220, %dma_wait3A_221] : memref<320x64xf32, #tpu.memory_space<vmem>> -> memref<80x64xf32, #tpu.memory_space<vmem>>
      %dma_wait3A_223 = arith.constant 240 : i32
      %dma_wait3A_224 = tpu.memref_slice %arg11[%dma_wait3A_223] : memref<320xi32, #tpu.memory_space<vmem>> -> memref<80xi32, #tpu.memory_space<vmem>>
      %dma_wait3A_225 = arith.constant 0 : i32
      %dma_wait3A_226 = arith.constant 0 : i32
      %dma_wait3A_227 = tpu.memref_slice %arg6[%dma_wait3A_225, %dma_wait3A_226] : memref<100000x64xf32, #tpu.memory_space<hbm>> -> memref<100000x64xf32, #tpu.memory_space<hbm>>
      tpu.wait_indirect_dma semaphore(%arg25 : memref<!tpu.dma_semaphore, #tpu.memory_space<semaphore_mem>>) src(%dma_wait3A_227 : memref<100000x64xf32, #tpu.memory_space<hbm>>) dst(%dma_wait3A_222 : memref<80x64xf32, #tpu.memory_space<vmem>>)
      %dma_wait3A_228 = arith.constant 0 : i32
      %dma_wait3A_229 = arith.constant 0 : i32
      %dma_wait3A_230 = tpu.memref_slice %arg5[%dma_wait3A_228, %dma_wait3A_229] : memref<100000x64xf32, #tpu.memory_space<hbm>> -> memref<100000x64xf32, #tpu.memory_space<hbm>>
      tpu.wait_indirect_dma semaphore(%arg25 : memref<!tpu.dma_semaphore, #tpu.memory_space<semaphore_mem>>) src(%dma_wait3A_230 : memref<100000x64xf32, #tpu.memory_space<hbm>>) dst(%arg19 : memref<16x64xf32, #tpu.memory_space<vmem>>)
      %scan3A_231 = arith.constant 0 : i32
      %scan3A_232 = arith.constant 0 : i32
      %scan3A_233 = arith.constant 16 : i32
      %scan3A_234 = arith.addi %scan3A_232, %scan3A_233 : i32
      %scan3A_235 = arith.constant 1 : i32
      %scan3A_236 = scf.for %scan3A_327 = %scan3A_232 to %scan3A_234 step %scan3A_235 iter_args(%scan3A_328 = %scan3A_231) -> (i32)  : i32 {
        %mul3A_329 = arith.constant 20 : i32
        %mul3A_330 = arith.muli %scan3A_327, %mul3A_329 : i32
        %broadcast_in_dim3A = arith.constant 0.000000e+00 : f32
        %broadcast_in_dim3A_331 = vector.broadcast %broadcast_in_dim3A : f32 to vector<16xf32>
        %broadcast_in_dim3A_332 = arith.constant 0.000000e+00 : f32
        %broadcast_in_dim3A_333 = vector.broadcast %broadcast_in_dim3A_332 : f32 to vector<16xf32>
        %get3A = arith.index_cast %mul3A_330 : i32 to index
        %get3A_334 = arith.constant 0 : index
        %get3A_335 = tpu.vector_load %arg15[%get3A, %get3A_334] {strides = array<i32>} : memref<320x64xf32, #tpu.memory_space<vmem>>, vector<1x16xf32>,
        %get3A_336 = vector.shape_cast %get3A_335 : vector<1x16xf32> to vector<16xf32>
        %get3A_337 = arith.index_cast %mul3A_330 : i32 to index
        %get3A_338 = arith.constant 0 : index
        %get3A_339 = tpu.vector_load %arg17[%get3A_337, %get3A_338] {strides = array<i32>} : memref<320x64xf32, #tpu.memory_space<vmem>>, vector<1x16xf32>,
        %get3A_340 = vector.shape_cast %get3A_339 : vector<1x16xf32> to vector<16xf32>
        %add3A_341 = arith.constant 1 : i32
        %add3A_342 = arith.addi %mul3A_330, %add3A_341 : i32
        %get3A_343 = arith.index_cast %add3A_342 : i32 to index
        %get3A_344 = arith.constant 0 : index
        %get3A_345 = tpu.vector_load %arg15[%get3A_343, %get3A_344] {strides = array<i32>} : memref<320x64xf32, #tpu.memory_space<vmem>>, vector<1x16xf32>,
        %get3A_346 = vector.shape_cast %get3A_345 : vector<1x16xf32> to vector<16xf32>
        %add3A_347 = arith.addf %get3A_336, %get3A_346 : vector<16xf32>
        %add3A_348 = arith.constant 1 : i32
        %add3A_349 = arith.addi %mul3A_330, %add3A_348 : i32
        %get3A_350 = arith.index_cast %add3A_349 : i32 to index
        %get3A_351 = arith.constant 0 : index
        %get3A_352 = tpu.vector_load %arg17[%get3A_350, %get3A_351] {strides = array<i32>} : memref<320x64xf32, #tpu.memory_space<vmem>>, vector<1x16xf32>,
        %get3A_353 = vector.shape_cast %get3A_352 : vector<1x16xf32> to vector<16xf32>
        %add3A_354 = arith.addf %get3A_340, %get3A_353 : vector<16xf32>
        %add3A_355 = arith.constant 2 : i32
        %add3A_356 = arith.addi %mul3A_330, %add3A_355 : i32
        %get3A_357 = arith.index_cast %add3A_356 : i32 to index
        %get3A_358 = arith.constant 0 : index
        %get3A_359 = tpu.vector_load %arg15[%get3A_357, %get3A_358] {strides = array<i32>} : memref<320x64xf32, #tpu.memory_space<vmem>>, vector<1x16xf32>,
        %get3A_360 = vector.shape_cast %get3A_359 : vector<1x16xf32> to vector<16xf32>
        %add3A_361 = arith.addf %add3A_347, %get3A_360 : vector<16xf32>
        %add3A_362 = arith.constant 2 : i32
        %add3A_363 = arith.addi %mul3A_330, %add3A_362 : i32
        %get3A_364 = arith.index_cast %add3A_363 : i32 to index
        %get3A_365 = arith.constant 0 : index
        %get3A_366 = tpu.vector_load %arg17[%get3A_364, %get3A_365] {strides = array<i32>} : memref<320x64xf32, #tpu.memory_space<vmem>>, vector<1x16xf32>,
        %get3A_367 = vector.shape_cast %get3A_366 : vector<1x16xf32> to vector<16xf32>
        %add3A_368 = arith.addf %add3A_354, %get3A_367 : vector<16xf32>
        %add3A_369 = arith.constant 3 : i32
        %add3A_370 = arith.addi %mul3A_330, %add3A_369 : i32
        %get3A_371 = arith.index_cast %add3A_370 : i32 to index
        %get3A_372 = arith.constant 0 : index
        %get3A_373 = tpu.vector_load %arg15[%get3A_371, %get3A_372] {strides = array<i32>} : memref<320x64xf32, #tpu.memory_space<vmem>>, vector<1x16xf32>,
        %get3A_374 = vector.shape_cast %get3A_373 : vector<1x16xf32> to vector<16xf32>
        %add3A_375 = arith.addf %add3A_361, %get3A_374 : vector<16xf32>
        %add3A_376 = arith.constant 3 : i32
        %add3A_377 = arith.addi %mul3A_330, %add3A_376 : i32
        %get3A_378 = arith.index_cast %add3A_377 : i32 to index
        %get3A_379 = arith.constant 0 : index
        %get3A_380 = tpu.vector_load %arg17[%get3A_378, %get3A_379] {strides = array<i32>} : memref<320x64xf32, #tpu.memory_space<vmem>>, vector<1x16xf32>,
        %get3A_381 = vector.shape_cast %get3A_380 : vector<1x16xf32> to vector<16xf32>
        %add3A_382 = arith.addf %add3A_368, %get3A_381 : vector<16xf32>
        %add3A_383 = arith.constant 4 : i32
        %add3A_384 = arith.addi %mul3A_330, %add3A_383 : i32
        %get3A_385 = arith.index_cast %add3A_384 : i32 to index
        %get3A_386 = arith.constant 0 : index
        %get3A_387 = tpu.vector_load %arg15[%get3A_385, %get3A_386] {strides = array<i32>} : memref<320x64xf32, #tpu.memory_space<vmem>>, vector<1x16xf32>,
        %get3A_388 = vector.shape_cast %get3A_387 : vector<1x16xf32> to vector<16xf32>
        %add3A_389 = arith.addf %add3A_375, %get3A_388 : vector<16xf32>
        %add3A_390 = arith.constant 4 : i32
        %add3A_391 = arith.addi %mul3A_330, %add3A_390 : i32
        %get3A_392 = arith.index_cast %add3A_391 : i32 to index
        %get3A_393 = arith.constant 0 : index
        %get3A_394 = tpu.vector_load %arg17[%get3A_392, %get3A_393] {strides = array<i32>} : memref<320x64xf32, #tpu.memory_space<vmem>>, vector<1x16xf32>,
        %get3A_395 = vector.shape_cast %get3A_394 : vector<1x16xf32> to vector<16xf32>
        %add3A_396 = arith.addf %add3A_382, %get3A_395 : vector<16xf32>
        %add3A_397 = arith.constant 5 : i32
        %add3A_398 = arith.addi %mul3A_330, %add3A_397 : i32
        %get3A_399 = arith.index_cast %add3A_398 : i32 to index
        %get3A_400 = arith.constant 0 : index
        %get3A_401 = tpu.vector_load %arg15[%get3A_399, %get3A_400] {strides = array<i32>} : memref<320x64xf32, #tpu.memory_space<vmem>>, vector<1x16xf32>,
        %get3A_402 = vector.shape_cast %get3A_401 : vector<1x16xf32> to vector<16xf32>
        %add3A_403 = arith.addf %add3A_389, %get3A_402 : vector<16xf32>
        %add3A_404 = arith.constant 5 : i32
        %add3A_405 = arith.addi %mul3A_330, %add3A_404 : i32
        %get3A_406 = arith.index_cast %add3A_405 : i32 to index
        %get3A_407 = arith.constant 0 : index
        %get3A_408 = tpu.vector_load %arg17[%get3A_406, %get3A_407] {strides = array<i32>} : memref<320x64xf32, #tpu.memory_space<vmem>>, vector<1x16xf32>,
        %get3A_409 = vector.shape_cast %get3A_408 : vector<1x16xf32> to vector<16xf32>
        %add3A_410 = arith.addf %add3A_396, %get3A_409 : vector<16xf32>
        %add3A_411 = arith.constant 6 : i32
        %add3A_412 = arith.addi %mul3A_330, %add3A_411 : i32
        %get3A_413 = arith.index_cast %add3A_412 : i32 to index
        %get3A_414 = arith.constant 0 : index
        %get3A_415 = tpu.vector_load %arg15[%get3A_413, %get3A_414] {strides = array<i32>} : memref<320x64xf32, #tpu.memory_space<vmem>>, vector<1x16xf32>,
        %get3A_416 = vector.shape_cast %get3A_415 : vector<1x16xf32> to vector<16xf32>
        %add3A_417 = arith.addf %add3A_403, %get3A_416 : vector<16xf32>
        %add3A_418 = arith.constant 6 : i32
        %add3A_419 = arith.addi %mul3A_330, %add3A_418 : i32
        %get3A_420 = arith.index_cast %add3A_419 : i32 to index
        %get3A_421 = arith.constant 0 : index
        %get3A_422 = tpu.vector_load %arg17[%get3A_420, %get3A_421] {strides = array<i32>} : memref<320x64xf32, #tpu.memory_space<vmem>>, vector<1x16xf32>,
        %get3A_423 = vector.shape_cast %get3A_422 : vector<1x16xf32> to vector<16xf32>
        %add3A_424 = arith.addf %add3A_410, %get3A_423 : vector<16xf32>
        %add3A_425 = arith.constant 7 : i32
        %add3A_426 = arith.addi %mul3A_330, %add3A_425 : i32
        %get3A_427 = arith.index_cast %add3A_426 : i32 to index
        %get3A_428 = arith.constant 0 : index
        %get3A_429 = tpu.vector_load %arg15[%get3A_427, %get3A_428] {strides = array<i32>} : memref<320x64xf32, #tpu.memory_space<vmem>>, vector<1x16xf32>,
        %get3A_430 = vector.shape_cast %get3A_429 : vector<1x16xf32> to vector<16xf32>
        %add3A_431 = arith.addf %add3A_417, %get3A_430 : vector<16xf32>
        %add3A_432 = arith.constant 7 : i32
        %add3A_433 = arith.addi %mul3A_330, %add3A_432 : i32
        %get3A_434 = arith.index_cast %add3A_433 : i32 to index
        %get3A_435 = arith.constant 0 : index
        %get3A_436 = tpu.vector_load %arg17[%get3A_434, %get3A_435] {strides = array<i32>} : memref<320x64xf32, #tpu.memory_space<vmem>>, vector<1x16xf32>,
        %get3A_437 = vector.shape_cast %get3A_436 : vector<1x16xf32> to vector<16xf32>
        %add3A_438 = arith.addf %add3A_424, %get3A_437 : vector<16xf32>
        %add3A_439 = arith.constant 8 : i32
        %add3A_440 = arith.addi %mul3A_330, %add3A_439 : i32
        %get3A_441 = arith.index_cast %add3A_440 : i32 to index
        %get3A_442 = arith.constant 0 : index
        %get3A_443 = tpu.vector_load %arg15[%get3A_441, %get3A_442] {strides = array<i32>} : memref<320x64xf32, #tpu.memory_space<vmem>>, vector<1x16xf32>,
        %get3A_444 = vector.shape_cast %get3A_443 : vector<1x16xf32> to vector<16xf32>
        %add3A_445 = arith.addf %add3A_431, %get3A_444 : vector<16xf32>
        %add3A_446 = arith.constant 8 : i32
        %add3A_447 = arith.addi %mul3A_330, %add3A_446 : i32
        %get3A_448 = arith.index_cast %add3A_447 : i32 to index
        %get3A_449 = arith.constant 0 : index
        %get3A_450 = tpu.vector_load %arg17[%get3A_448, %get3A_449] {strides = array<i32>} : memref<320x64xf32, #tpu.memory_space<vmem>>, vector<1x16xf32>,
        %get3A_451 = vector.shape_cast %get3A_450 : vector<1x16xf32> to vector<16xf32>
        %add3A_452 = arith.addf %add3A_438, %get3A_451 : vector<16xf32>
        %add3A_453 = arith.constant 9 : i32
        %add3A_454 = arith.addi %mul3A_330, %add3A_453 : i32
        %get3A_455 = arith.index_cast %add3A_454 : i32 to index
        %get3A_456 = arith.constant 0 : index
        %get3A_457 = tpu.vector_load %arg15[%get3A_455, %get3A_456] {strides = array<i32>} : memref<320x64xf32, #tpu.memory_space<vmem>>, vector<1x16xf32>,
        %get3A_458 = vector.shape_cast %get3A_457 : vector<1x16xf32> to vector<16xf32>
        %add3A_459 = arith.addf %add3A_445, %get3A_458 : vector<16xf32>
        %add3A_460 = arith.constant 9 : i32
        %add3A_461 = arith.addi %mul3A_330, %add3A_460 : i32
        %get3A_462 = arith.index_cast %add3A_461 : i32 to index
        %get3A_463 = arith.constant 0 : index
        %get3A_464 = tpu.vector_load %arg17[%get3A_462, %get3A_463] {strides = array<i32>} : memref<320x64xf32, #tpu.memory_space<vmem>>, vector<1x16xf32>,
        %get3A_465 = vector.shape_cast %get3A_464 : vector<1x16xf32> to vector<16xf32>
        %add3A_466 = arith.addf %add3A_452, %get3A_465 : vector<16xf32>
        %add3A_467 = arith.constant 10 : i32
        %add3A_468 = arith.addi %mul3A_330, %add3A_467 : i32
        %get3A_469 = arith.index_cast %add3A_468 : i32 to index
        %get3A_470 = arith.constant 0 : index
        %get3A_471 = tpu.vector_load %arg15[%get3A_469, %get3A_470] {strides = array<i32>} : memref<320x64xf32, #tpu.memory_space<vmem>>, vector<1x16xf32>,
        %get3A_472 = vector.shape_cast %get3A_471 : vector<1x16xf32> to vector<16xf32>
        %add3A_473 = arith.addf %add3A_459, %get3A_472 : vector<16xf32>
        %add3A_474 = arith.constant 10 : i32
        %add3A_475 = arith.addi %mul3A_330, %add3A_474 : i32
        %get3A_476 = arith.index_cast %add3A_475 : i32 to index
        %get3A_477 = arith.constant 0 : index
        %get3A_478 = tpu.vector_load %arg17[%get3A_476, %get3A_477] {strides = array<i32>} : memref<320x64xf32, #tpu.memory_space<vmem>>, vector<1x16xf32>,
        %get3A_479 = vector.shape_cast %get3A_478 : vector<1x16xf32> to vector<16xf32>
        %add3A_480 = arith.addf %add3A_466, %get3A_479 : vector<16xf32>
        %add3A_481 = arith.constant 11 : i32
        %add3A_482 = arith.addi %mul3A_330, %add3A_481 : i32
        %get3A_483 = arith.index_cast %add3A_482 : i32 to index
        %get3A_484 = arith.constant 0 : index
        %get3A_485 = tpu.vector_load %arg15[%get3A_483, %get3A_484] {strides = array<i32>} : memref<320x64xf32, #tpu.memory_space<vmem>>, vector<1x16xf32>,
        %get3A_486 = vector.shape_cast %get3A_485 : vector<1x16xf32> to vector<16xf32>
        %add3A_487 = arith.addf %add3A_473, %get3A_486 : vector<16xf32>
        %add3A_488 = arith.constant 11 : i32
        %add3A_489 = arith.addi %mul3A_330, %add3A_488 : i32
        %get3A_490 = arith.index_cast %add3A_489 : i32 to index
        %get3A_491 = arith.constant 0 : index
        %get3A_492 = tpu.vector_load %arg17[%get3A_490, %get3A_491] {strides = array<i32>} : memref<320x64xf32, #tpu.memory_space<vmem>>, vector<1x16xf32>,
        %get3A_493 = vector.shape_cast %get3A_492 : vector<1x16xf32> to vector<16xf32>
        %add3A_494 = arith.addf %add3A_480, %get3A_493 : vector<16xf32>
        %add3A_495 = arith.constant 12 : i32
        %add3A_496 = arith.addi %mul3A_330, %add3A_495 : i32
        %get3A_497 = arith.index_cast %add3A_496 : i32 to index
        %get3A_498 = arith.constant 0 : index
        %get3A_499 = tpu.vector_load %arg15[%get3A_497, %get3A_498] {strides = array<i32>} : memref<320x64xf32, #tpu.memory_space<vmem>>, vector<1x16xf32>,
        %get3A_500 = vector.shape_cast %get3A_499 : vector<1x16xf32> to vector<16xf32>
        %add3A_501 = arith.addf %add3A_487, %get3A_500 : vector<16xf32>
        %add3A_502 = arith.constant 12 : i32
        %add3A_503 = arith.addi %mul3A_330, %add3A_502 : i32
        %get3A_504 = arith.index_cast %add3A_503 : i32 to index
        %get3A_505 = arith.constant 0 : index
        %get3A_506 = tpu.vector_load %arg17[%get3A_504, %get3A_505] {strides = array<i32>} : memref<320x64xf32, #tpu.memory_space<vmem>>, vector<1x16xf32>,
        %get3A_507 = vector.shape_cast %get3A_506 : vector<1x16xf32> to vector<16xf32>
        %add3A_508 = arith.addf %add3A_494, %get3A_507 : vector<16xf32>
        %add3A_509 = arith.constant 13 : i32
        %add3A_510 = arith.addi %mul3A_330, %add3A_509 : i32
        %get3A_511 = arith.index_cast %add3A_510 : i32 to index
        %get3A_512 = arith.constant 0 : index
        %get3A_513 = tpu.vector_load %arg15[%get3A_511, %get3A_512] {strides = array<i32>} : memref<320x64xf32, #tpu.memory_space<vmem>>, vector<1x16xf32>,
        %get3A_514 = vector.shape_cast %get3A_513 : vector<1x16xf32> to vector<16xf32>
        %add3A_515 = arith.addf %add3A_501, %get3A_514 : vector<16xf32>
        %add3A_516 = arith.constant 13 : i32
        %add3A_517 = arith.addi %mul3A_330, %add3A_516 : i32
        %get3A_518 = arith.index_cast %add3A_517 : i32 to index
        %get3A_519 = arith.constant 0 : index
        %get3A_520 = tpu.vector_load %arg17[%get3A_518, %get3A_519] {strides = array<i32>} : memref<320x64xf32, #tpu.memory_space<vmem>>, vector<1x16xf32>,
        %get3A_521 = vector.shape_cast %get3A_520 : vector<1x16xf32> to vector<16xf32>
        %add3A_522 = arith.addf %add3A_508, %get3A_521 : vector<16xf32>
        %add3A_523 = arith.constant 14 : i32
        %add3A_524 = arith.addi %mul3A_330, %add3A_523 : i32
        %get3A_525 = arith.index_cast %add3A_524 : i32 to index
        %get3A_526 = arith.constant 0 : index
        %get3A_527 = tpu.vector_load %arg15[%get3A_525, %get3A_526] {strides = array<i32>} : memref<320x64xf32, #tpu.memory_space<vmem>>, vector<1x16xf32>,
        %get3A_528 = vector.shape_cast %get3A_527 : vector<1x16xf32> to vector<16xf32>
        %add3A_529 = arith.addf %add3A_515, %get3A_528 : vector<16xf32>
        %add3A_530 = arith.constant 14 : i32
        %add3A_531 = arith.addi %mul3A_330, %add3A_530 : i32
        %get3A_532 = arith.index_cast %add3A_531 : i32 to index
        %get3A_533 = arith.constant 0 : index
        %get3A_534 = tpu.vector_load %arg17[%get3A_532, %get3A_533] {strides = array<i32>} : memref<320x64xf32, #tpu.memory_space<vmem>>, vector<1x16xf32>,
        %get3A_535 = vector.shape_cast %get3A_534 : vector<1x16xf32> to vector<16xf32>
        %add3A_536 = arith.addf %add3A_522, %get3A_535 : vector<16xf32>
        %add3A_537 = arith.constant 15 : i32
        %add3A_538 = arith.addi %mul3A_330, %add3A_537 : i32
        %get3A_539 = arith.index_cast %add3A_538 : i32 to index
        %get3A_540 = arith.constant 0 : index
        %get3A_541 = tpu.vector_load %arg15[%get3A_539, %get3A_540] {strides = array<i32>} : memref<320x64xf32, #tpu.memory_space<vmem>>, vector<1x16xf32>,
        %get3A_542 = vector.shape_cast %get3A_541 : vector<1x16xf32> to vector<16xf32>
        %add3A_543 = arith.addf %add3A_529, %get3A_542 : vector<16xf32>
        %add3A_544 = arith.constant 15 : i32
        %add3A_545 = arith.addi %mul3A_330, %add3A_544 : i32
        %get3A_546 = arith.index_cast %add3A_545 : i32 to index
        %get3A_547 = arith.constant 0 : index
        %get3A_548 = tpu.vector_load %arg17[%get3A_546, %get3A_547] {strides = array<i32>} : memref<320x64xf32, #tpu.memory_space<vmem>>, vector<1x16xf32>,
        %get3A_549 = vector.shape_cast %get3A_548 : vector<1x16xf32> to vector<16xf32>
        %add3A_550 = arith.addf %add3A_536, %get3A_549 : vector<16xf32>
        %add3A_551 = arith.constant 16 : i32
        %add3A_552 = arith.addi %mul3A_330, %add3A_551 : i32
        %get3A_553 = arith.index_cast %add3A_552 : i32 to index
        %get3A_554 = arith.constant 0 : index
        %get3A_555 = tpu.vector_load %arg15[%get3A_553, %get3A_554] {strides = array<i32>} : memref<320x64xf32, #tpu.memory_space<vmem>>, vector<1x16xf32>,
        %get3A_556 = vector.shape_cast %get3A_555 : vector<1x16xf32> to vector<16xf32>
        %add3A_557 = arith.addf %add3A_543, %get3A_556 : vector<16xf32>
        %add3A_558 = arith.constant 16 : i32
        %add3A_559 = arith.addi %mul3A_330, %add3A_558 : i32
        %get3A_560 = arith.index_cast %add3A_559 : i32 to index
        %get3A_561 = arith.constant 0 : index
        %get3A_562 = tpu.vector_load %arg17[%get3A_560, %get3A_561] {strides = array<i32>} : memref<320x64xf32, #tpu.memory_space<vmem>>, vector<1x16xf32>,
        %get3A_563 = vector.shape_cast %get3A_562 : vector<1x16xf32> to vector<16xf32>
        %add3A_564 = arith.addf %add3A_550, %get3A_563 : vector<16xf32>
        %add3A_565 = arith.constant 17 : i32
        %add3A_566 = arith.addi %mul3A_330, %add3A_565 : i32
        %get3A_567 = arith.index_cast %add3A_566 : i32 to index
        %get3A_568 = arith.constant 0 : index
        %get3A_569 = tpu.vector_load %arg15[%get3A_567, %get3A_568] {strides = array<i32>} : memref<320x64xf32, #tpu.memory_space<vmem>>, vector<1x16xf32>,
        %get3A_570 = vector.shape_cast %get3A_569 : vector<1x16xf32> to vector<16xf32>
        %add3A_571 = arith.addf %add3A_557, %get3A_570 : vector<16xf32>
        %add3A_572 = arith.constant 17 : i32
        %add3A_573 = arith.addi %mul3A_330, %add3A_572 : i32
        %get3A_574 = arith.index_cast %add3A_573 : i32 to index
        %get3A_575 = arith.constant 0 : index
        %get3A_576 = tpu.vector_load %arg17[%get3A_574, %get3A_575] {strides = array<i32>} : memref<320x64xf32, #tpu.memory_space<vmem>>, vector<1x16xf32>,
        %get3A_577 = vector.shape_cast %get3A_576 : vector<1x16xf32> to vector<16xf32>
        %add3A_578 = arith.addf %add3A_564, %get3A_577 : vector<16xf32>
        %add3A_579 = arith.constant 18 : i32
        %add3A_580 = arith.addi %mul3A_330, %add3A_579 : i32
        %get3A_581 = arith.index_cast %add3A_580 : i32 to index
        %get3A_582 = arith.constant 0 : index
        %get3A_583 = tpu.vector_load %arg15[%get3A_581, %get3A_582] {strides = array<i32>} : memref<320x64xf32, #tpu.memory_space<vmem>>, vector<1x16xf32>,
        %get3A_584 = vector.shape_cast %get3A_583 : vector<1x16xf32> to vector<16xf32>
        %add3A_585 = arith.addf %add3A_571, %get3A_584 : vector<16xf32>
        %add3A_586 = arith.constant 18 : i32
        %add3A_587 = arith.addi %mul3A_330, %add3A_586 : i32
        %get3A_588 = arith.index_cast %add3A_587 : i32 to index
        %get3A_589 = arith.constant 0 : index
        %get3A_590 = tpu.vector_load %arg17[%get3A_588, %get3A_589] {strides = array<i32>} : memref<320x64xf32, #tpu.memory_space<vmem>>, vector<1x16xf32>,
        %get3A_591 = vector.shape_cast %get3A_590 : vector<1x16xf32> to vector<16xf32>
        %add3A_592 = arith.addf %add3A_578, %get3A_591 : vector<16xf32>
        %add3A_593 = arith.constant 19 : i32
        %add3A_594 = arith.addi %mul3A_330, %add3A_593 : i32
        %get3A_595 = arith.index_cast %add3A_594 : i32 to index
        %get3A_596 = arith.constant 0 : index
        %get3A_597 = tpu.vector_load %arg15[%get3A_595, %get3A_596] {strides = array<i32>} : memref<320x64xf32, #tpu.memory_space<vmem>>, vector<1x16xf32>,
        %get3A_598 = vector.shape_cast %get3A_597 : vector<1x16xf32> to vector<16xf32>
        %add3A_599 = arith.addf %add3A_585, %get3A_598 : vector<16xf32>
        %add3A_600 = arith.constant 19 : i32
        %add3A_601 = arith.addi %mul3A_330, %add3A_600 : i32
        %get3A_602 = arith.index_cast %add3A_601 : i32 to index
        %get3A_603 = arith.constant 0 : index
        %get3A_604 = tpu.vector_load %arg17[%get3A_602, %get3A_603] {strides = array<i32>} : memref<320x64xf32, #tpu.memory_space<vmem>>, vector<1x16xf32>,
        %get3A_605 = vector.shape_cast %get3A_604 : vector<1x16xf32> to vector<16xf32>
        %add3A_606 = arith.addf %add3A_592, %get3A_605 : vector<16xf32>
        %get3A_607 = arith.index_cast %scan3A_327 : i32 to index
        %get3A_608 = arith.constant 0 : index
        %get3A_609 = tpu.vector_load %arg19[%get3A_607, %get3A_608] {strides = array<i32>} : memref<16x64xf32, #tpu.memory_space<vmem>>, vector<1x16xf32>,
        %get3A_610 = vector.shape_cast %get3A_609 : vector<1x16xf32> to vector<16xf32>
        %mul3A_611 = arith.mulf %get3A_610, %add3A_599 : vector<16xf32>
        %add3A_612 = arith.addf %broadcast_in_dim3A_331, %mul3A_611 : vector<16xf32>
        %mul3A_613 = arith.mulf %get3A_610, %add3A_606 : vector<16xf32>
        %add3A_614 = arith.addf %broadcast_in_dim3A_333, %mul3A_613 : vector<16xf32>
        %get3A_615 = arith.index_cast %mul3A_330 : i32 to index
        %get3A_616 = arith.constant 16 : index
        %get3A_617 = tpu.vector_load %arg15[%get3A_615, %get3A_616] {strides = array<i32>} : memref<320x64xf32, #tpu.memory_space<vmem>>, vector<1x16xf32>,
        %get3A_618 = vector.shape_cast %get3A_617 : vector<1x16xf32> to vector<16xf32>
        %get3A_619 = arith.index_cast %mul3A_330 : i32 to index
        %get3A_620 = arith.constant 16 : index
        %get3A_621 = tpu.vector_load %arg17[%get3A_619, %get3A_620] {strides = array<i32>} : memref<320x64xf32, #tpu.memory_space<vmem>>, vector<1x16xf32>,
        %get3A_622 = vector.shape_cast %get3A_621 : vector<1x16xf32> to vector<16xf32>
        %add3A_623 = arith.constant 1 : i32
        %add3A_624 = arith.addi %mul3A_330, %add3A_623 : i32
        %get3A_625 = arith.index_cast %add3A_624 : i32 to index
        %get3A_626 = arith.constant 16 : index
        %get3A_627 = tpu.vector_load %arg15[%get3A_625, %get3A_626] {strides = array<i32>} : memref<320x64xf32, #tpu.memory_space<vmem>>, vector<1x16xf32>,
        %get3A_628 = vector.shape_cast %get3A_627 : vector<1x16xf32> to vector<16xf32>
        %add3A_629 = arith.addf %get3A_618, %get3A_628 : vector<16xf32>
        %add3A_630 = arith.constant 1 : i32
        %add3A_631 = arith.addi %mul3A_330, %add3A_630 : i32
        %get3A_632 = arith.index_cast %add3A_631 : i32 to index
        %get3A_633 = arith.constant 16 : index
        %get3A_634 = tpu.vector_load %arg17[%get3A_632, %get3A_633] {strides = array<i32>} : memref<320x64xf32, #tpu.memory_space<vmem>>, vector<1x16xf32>,
        %get3A_635 = vector.shape_cast %get3A_634 : vector<1x16xf32> to vector<16xf32>
        %add3A_636 = arith.addf %get3A_622, %get3A_635 : vector<16xf32>
        %add3A_637 = arith.constant 2 : i32
        %add3A_638 = arith.addi %mul3A_330, %add3A_637 : i32
        %get3A_639 = arith.index_cast %add3A_638 : i32 to index
        %get3A_640 = arith.constant 16 : index
        %get3A_641 = tpu.vector_load %arg15[%get3A_639, %get3A_640] {strides = array<i32>} : memref<320x64xf32, #tpu.memory_space<vmem>>, vector<1x16xf32>,
        %get3A_642 = vector.shape_cast %get3A_641 : vector<1x16xf32> to vector<16xf32>
        %add3A_643 = arith.addf %add3A_629, %get3A_642 : vector<16xf32>
        %add3A_644 = arith.constant 2 : i32
        %add3A_645 = arith.addi %mul3A_330, %add3A_644 : i32
        %get3A_646 = arith.index_cast %add3A_645 : i32 to index
        %get3A_647 = arith.constant 16 : index
        %get3A_648 = tpu.vector_load %arg17[%get3A_646, %get3A_647] {strides = array<i32>} : memref<320x64xf32, #tpu.memory_space<vmem>>, vector<1x16xf32>,
        %get3A_649 = vector.shape_cast %get3A_648 : vector<1x16xf32> to vector<16xf32>
        %add3A_650 = arith.addf %add3A_636, %get3A_649 : vector<16xf32>
        %add3A_651 = arith.constant 3 : i32
        %add3A_652 = arith.addi %mul3A_330, %add3A_651 : i32
        %get3A_653 = arith.index_cast %add3A_652 : i32 to index
        %get3A_654 = arith.constant 16 : index
        %get3A_655 = tpu.vector_load %arg15[%get3A_653, %get3A_654] {strides = array<i32>} : memref<320x64xf32, #tpu.memory_space<vmem>>, vector<1x16xf32>,
        %get3A_656 = vector.shape_cast %get3A_655 : vector<1x16xf32> to vector<16xf32>
        %add3A_657 = arith.addf %add3A_643, %get3A_656 : vector<16xf32>
        %add3A_658 = arith.constant 3 : i32
        %add3A_659 = arith.addi %mul3A_330, %add3A_658 : i32
        %get3A_660 = arith.index_cast %add3A_659 : i32 to index
        %get3A_661 = arith.constant 16 : index
        %get3A_662 = tpu.vector_load %arg17[%get3A_660, %get3A_661] {strides = array<i32>} : memref<320x64xf32, #tpu.memory_space<vmem>>, vector<1x16xf32>,
        %get3A_663 = vector.shape_cast %get3A_662 : vector<1x16xf32> to vector<16xf32>
        %add3A_664 = arith.addf %add3A_650, %get3A_663 : vector<16xf32>
        %add3A_665 = arith.constant 4 : i32
        %add3A_666 = arith.addi %mul3A_330, %add3A_665 : i32
        %get3A_667 = arith.index_cast %add3A_666 : i32 to index
        %get3A_668 = arith.constant 16 : index
        %get3A_669 = tpu.vector_load %arg15[%get3A_667, %get3A_668] {strides = array<i32>} : memref<320x64xf32, #tpu.memory_space<vmem>>, vector<1x16xf32>,
        %get3A_670 = vector.shape_cast %get3A_669 : vector<1x16xf32> to vector<16xf32>
        %add3A_671 = arith.addf %add3A_657, %get3A_670 : vector<16xf32>
        %add3A_672 = arith.constant 4 : i32
        %add3A_673 = arith.addi %mul3A_330, %add3A_672 : i32
        %get3A_674 = arith.index_cast %add3A_673 : i32 to index
        %get3A_675 = arith.constant 16 : index
        %get3A_676 = tpu.vector_load %arg17[%get3A_674, %get3A_675] {strides = array<i32>} : memref<320x64xf32, #tpu.memory_space<vmem>>, vector<1x16xf32>,
        %get3A_677 = vector.shape_cast %get3A_676 : vector<1x16xf32> to vector<16xf32>
        %add3A_678 = arith.addf %add3A_664, %get3A_677 : vector<16xf32>
        %add3A_679 = arith.constant 5 : i32
        %add3A_680 = arith.addi %mul3A_330, %add3A_679 : i32
        %get3A_681 = arith.index_cast %add3A_680 : i32 to index
        %get3A_682 = arith.constant 16 : index
        %get3A_683 = tpu.vector_load %arg15[%get3A_681, %get3A_682] {strides = array<i32>} : memref<320x64xf32, #tpu.memory_space<vmem>>, vector<1x16xf32>,
        %get3A_684 = vector.shape_cast %get3A_683 : vector<1x16xf32> to vector<16xf32>
        %add3A_685 = arith.addf %add3A_671, %get3A_684 : vector<16xf32>
        %add3A_686 = arith.constant 5 : i32
        %add3A_687 = arith.addi %mul3A_330, %add3A_686 : i32
        %get3A_688 = arith.index_cast %add3A_687 : i32 to index
        %get3A_689 = arith.constant 16 : index
        %get3A_690 = tpu.vector_load %arg17[%get3A_688, %get3A_689] {strides = array<i32>} : memref<320x64xf32, #tpu.memory_space<vmem>>, vector<1x16xf32>,
        %get3A_691 = vector.shape_cast %get3A_690 : vector<1x16xf32> to vector<16xf32>
        %add3A_692 = arith.addf %add3A_678, %get3A_691 : vector<16xf32>
        %add3A_693 = arith.constant 6 : i32
        %add3A_694 = arith.addi %mul3A_330, %add3A_693 : i32
        %get3A_695 = arith.index_cast %add3A_694 : i32 to index
        %get3A_696 = arith.constant 16 : index
        %get3A_697 = tpu.vector_load %arg15[%get3A_695, %get3A_696] {strides = array<i32>} : memref<320x64xf32, #tpu.memory_space<vmem>>, vector<1x16xf32>,
        %get3A_698 = vector.shape_cast %get3A_697 : vector<1x16xf32> to vector<16xf32>
        %add3A_699 = arith.addf %add3A_685, %get3A_698 : vector<16xf32>
        %add3A_700 = arith.constant 6 : i32
        %add3A_701 = arith.addi %mul3A_330, %add3A_700 : i32
        %get3A_702 = arith.index_cast %add3A_701 : i32 to index
        %get3A_703 = arith.constant 16 : index
        %get3A_704 = tpu.vector_load %arg17[%get3A_702, %get3A_703] {strides = array<i32>} : memref<320x64xf32, #tpu.memory_space<vmem>>, vector<1x16xf32>,
        %get3A_705 = vector.shape_cast %get3A_704 : vector<1x16xf32> to vector<16xf32>
        %add3A_706 = arith.addf %add3A_692, %get3A_705 : vector<16xf32>
        %add3A_707 = arith.constant 7 : i32
        %add3A_708 = arith.addi %mul3A_330, %add3A_707 : i32
        %get3A_709 = arith.index_cast %add3A_708 : i32 to index
        %get3A_710 = arith.constant 16 : index
        %get3A_711 = tpu.vector_load %arg15[%get3A_709, %get3A_710] {strides = array<i32>} : memref<320x64xf32, #tpu.memory_space<vmem>>, vector<1x16xf32>,
        %get3A_712 = vector.shape_cast %get3A_711 : vector<1x16xf32> to vector<16xf32>
        %add3A_713 = arith.addf %add3A_699, %get3A_712 : vector<16xf32>
        %add3A_714 = arith.constant 7 : i32
        %add3A_715 = arith.addi %mul3A_330, %add3A_714 : i32
        %get3A_716 = arith.index_cast %add3A_715 : i32 to index
        %get3A_717 = arith.constant 16 : index
        %get3A_718 = tpu.vector_load %arg17[%get3A_716, %get3A_717] {strides = array<i32>} : memref<320x64xf32, #tpu.memory_space<vmem>>, vector<1x16xf32>,
        %get3A_719 = vector.shape_cast %get3A_718 : vector<1x16xf32> to vector<16xf32>
        %add3A_720 = arith.addf %add3A_706, %get3A_719 : vector<16xf32>
        %add3A_721 = arith.constant 8 : i32
        %add3A_722 = arith.addi %mul3A_330, %add3A_721 : i32
        %get3A_723 = arith.index_cast %add3A_722 : i32 to index
        %get3A_724 = arith.constant 16 : index
        %get3A_725 = tpu.vector_load %arg15[%get3A_723, %get3A_724] {strides = array<i32>} : memref<320x64xf32, #tpu.memory_space<vmem>>, vector<1x16xf32>,
        %get3A_726 = vector.shape_cast %get3A_725 : vector<1x16xf32> to vector<16xf32>
        %add3A_727 = arith.addf %add3A_713, %get3A_726 : vector<16xf32>
        %add3A_728 = arith.constant 8 : i32
        %add3A_729 = arith.addi %mul3A_330, %add3A_728 : i32
        %get3A_730 = arith.index_cast %add3A_729 : i32 to index
        %get3A_731 = arith.constant 16 : index
        %get3A_732 = tpu.vector_load %arg17[%get3A_730, %get3A_731] {strides = array<i32>} : memref<320x64xf32, #tpu.memory_space<vmem>>, vector<1x16xf32>,
        %get3A_733 = vector.shape_cast %get3A_732 : vector<1x16xf32> to vector<16xf32>
        %add3A_734 = arith.addf %add3A_720, %get3A_733 : vector<16xf32>
        %add3A_735 = arith.constant 9 : i32
        %add3A_736 = arith.addi %mul3A_330, %add3A_735 : i32
        %get3A_737 = arith.index_cast %add3A_736 : i32 to index
        %get3A_738 = arith.constant 16 : index
        %get3A_739 = tpu.vector_load %arg15[%get3A_737, %get3A_738] {strides = array<i32>} : memref<320x64xf32, #tpu.memory_space<vmem>>, vector<1x16xf32>,
        %get3A_740 = vector.shape_cast %get3A_739 : vector<1x16xf32> to vector<16xf32>
        %add3A_741 = arith.addf %add3A_727, %get3A_740 : vector<16xf32>
        %add3A_742 = arith.constant 9 : i32
        %add3A_743 = arith.addi %mul3A_330, %add3A_742 : i32
        %get3A_744 = arith.index_cast %add3A_743 : i32 to index
        %get3A_745 = arith.constant 16 : index
        %get3A_746 = tpu.vector_load %arg17[%get3A_744, %get3A_745] {strides = array<i32>} : memref<320x64xf32, #tpu.memory_space<vmem>>, vector<1x16xf32>,
        %get3A_747 = vector.shape_cast %get3A_746 : vector<1x16xf32> to vector<16xf32>
        %add3A_748 = arith.addf %add3A_734, %get3A_747 : vector<16xf32>
        %add3A_749 = arith.constant 10 : i32
        %add3A_750 = arith.addi %mul3A_330, %add3A_749 : i32
        %get3A_751 = arith.index_cast %add3A_750 : i32 to index
        %get3A_752 = arith.constant 16 : index
        %get3A_753 = tpu.vector_load %arg15[%get3A_751, %get3A_752] {strides = array<i32>} : memref<320x64xf32, #tpu.memory_space<vmem>>, vector<1x16xf32>,
        %get3A_754 = vector.shape_cast %get3A_753 : vector<1x16xf32> to vector<16xf32>
        %add3A_755 = arith.addf %add3A_741, %get3A_754 : vector<16xf32>
        %add3A_756 = arith.constant 10 : i32
        %add3A_757 = arith.addi %mul3A_330, %add3A_756 : i32
        %get3A_758 = arith.index_cast %add3A_757 : i32 to index
        %get3A_759 = arith.constant 16 : index
        %get3A_760 = tpu.vector_load %arg17[%get3A_758, %get3A_759] {strides = array<i32>} : memref<320x64xf32, #tpu.memory_space<vmem>>, vector<1x16xf32>,
        %get3A_761 = vector.shape_cast %get3A_760 : vector<1x16xf32> to vector<16xf32>
        %add3A_762 = arith.addf %add3A_748, %get3A_761 : vector<16xf32>
        %add3A_763 = arith.constant 11 : i32
        %add3A_764 = arith.addi %mul3A_330, %add3A_763 : i32
        %get3A_765 = arith.index_cast %add3A_764 : i32 to index
        %get3A_766 = arith.constant 16 : index
        %get3A_767 = tpu.vector_load %arg15[%get3A_765, %get3A_766] {strides = array<i32>} : memref<320x64xf32, #tpu.memory_space<vmem>>, vector<1x16xf32>,
        %get3A_768 = vector.shape_cast %get3A_767 : vector<1x16xf32> to vector<16xf32>
        %add3A_769 = arith.addf %add3A_755, %get3A_768 : vector<16xf32>
        %add3A_770 = arith.constant 11 : i32
        %add3A_771 = arith.addi %mul3A_330, %add3A_770 : i32
        %get3A_772 = arith.index_cast %add3A_771 : i32 to index
        %get3A_773 = arith.constant 16 : index
        %get3A_774 = tpu.vector_load %arg17[%get3A_772, %get3A_773] {strides = array<i32>} : memref<320x64xf32, #tpu.memory_space<vmem>>, vector<1x16xf32>,
        %get3A_775 = vector.shape_cast %get3A_774 : vector<1x16xf32> to vector<16xf32>
        %add3A_776 = arith.addf %add3A_762, %get3A_775 : vector<16xf32>
        %add3A_777 = arith.constant 12 : i32
        %add3A_778 = arith.addi %mul3A_330, %add3A_777 : i32
        %get3A_779 = arith.index_cast %add3A_778 : i32 to index
        %get3A_780 = arith.constant 16 : index
        %get3A_781 = tpu.vector_load %arg15[%get3A_779, %get3A_780] {strides = array<i32>} : memref<320x64xf32, #tpu.memory_space<vmem>>, vector<1x16xf32>,
        %get3A_782 = vector.shape_cast %get3A_781 : vector<1x16xf32> to vector<16xf32>
        %add3A_783 = arith.addf %add3A_769, %get3A_782 : vector<16xf32>
        %add3A_784 = arith.constant 12 : i32
        %add3A_785 = arith.addi %mul3A_330, %add3A_784 : i32
        %get3A_786 = arith.index_cast %add3A_785 : i32 to index
        %get3A_787 = arith.constant 16 : index
        %get3A_788 = tpu.vector_load %arg17[%get3A_786, %get3A_787] {strides = array<i32>} : memref<320x64xf32, #tpu.memory_space<vmem>>, vector<1x16xf32>,
        %get3A_789 = vector.shape_cast %get3A_788 : vector<1x16xf32> to vector<16xf32>
        %add3A_790 = arith.addf %add3A_776, %get3A_789 : vector<16xf32>
        %add3A_791 = arith.constant 13 : i32
        %add3A_792 = arith.addi %mul3A_330, %add3A_791 : i32
        %get3A_793 = arith.index_cast %add3A_792 : i32 to index
        %get3A_794 = arith.constant 16 : index
        %get3A_795 = tpu.vector_load %arg15[%get3A_793, %get3A_794] {strides = array<i32>} : memref<320x64xf32, #tpu.memory_space<vmem>>, vector<1x16xf32>,
        %get3A_796 = vector.shape_cast %get3A_795 : vector<1x16xf32> to vector<16xf32>
        %add3A_797 = arith.addf %add3A_783, %get3A_796 : vector<16xf32>
        %add3A_798 = arith.constant 13 : i32
        %add3A_799 = arith.addi %mul3A_330, %add3A_798 : i32
        %get3A_800 = arith.index_cast %add3A_799 : i32 to index
        %get3A_801 = arith.constant 16 : index
        %get3A_802 = tpu.vector_load %arg17[%get3A_800, %get3A_801] {strides = array<i32>} : memref<320x64xf32, #tpu.memory_space<vmem>>, vector<1x16xf32>,
        %get3A_803 = vector.shape_cast %get3A_802 : vector<1x16xf32> to vector<16xf32>
        %add3A_804 = arith.addf %add3A_790, %get3A_803 : vector<16xf32>
        %add3A_805 = arith.constant 14 : i32
        %add3A_806 = arith.addi %mul3A_330, %add3A_805 : i32
        %get3A_807 = arith.index_cast %add3A_806 : i32 to index
        %get3A_808 = arith.constant 16 : index
        %get3A_809 = tpu.vector_load %arg15[%get3A_807, %get3A_808] {strides = array<i32>} : memref<320x64xf32, #tpu.memory_space<vmem>>, vector<1x16xf32>,
        %get3A_810 = vector.shape_cast %get3A_809 : vector<1x16xf32> to vector<16xf32>
        %add3A_811 = arith.addf %add3A_797, %get3A_810 : vector<16xf32>
        %add3A_812 = arith.constant 14 : i32
        %add3A_813 = arith.addi %mul3A_330, %add3A_812 : i32
        %get3A_814 = arith.index_cast %add3A_813 : i32 to index
        %get3A_815 = arith.constant 16 : index
        %get3A_816 = tpu.vector_load %arg17[%get3A_814, %get3A_815] {strides = array<i32>} : memref<320x64xf32, #tpu.memory_space<vmem>>, vector<1x16xf32>,
        %get3A_817 = vector.shape_cast %get3A_816 : vector<1x16xf32> to vector<16xf32>
        %add3A_818 = arith.addf %add3A_804, %get3A_817 : vector<16xf32>
        %add3A_819 = arith.constant 15 : i32
        %add3A_820 = arith.addi %mul3A_330, %add3A_819 : i32
        %get3A_821 = arith.index_cast %add3A_820 : i32 to index
        %get3A_822 = arith.constant 16 : index
        %get3A_823 = tpu.vector_load %arg15[%get3A_821, %get3A_822] {strides = array<i32>} : memref<320x64xf32, #tpu.memory_space<vmem>>, vector<1x16xf32>,
        %get3A_824 = vector.shape_cast %get3A_823 : vector<1x16xf32> to vector<16xf32>
        %add3A_825 = arith.addf %add3A_811, %get3A_824 : vector<16xf32>
        %add3A_826 = arith.constant 15 : i32
        %add3A_827 = arith.addi %mul3A_330, %add3A_826 : i32
        %get3A_828 = arith.index_cast %add3A_827 : i32 to index
        %get3A_829 = arith.constant 16 : index
        %get3A_830 = tpu.vector_load %arg17[%get3A_828, %get3A_829] {strides = array<i32>} : memref<320x64xf32, #tpu.memory_space<vmem>>, vector<1x16xf32>,
        %get3A_831 = vector.shape_cast %get3A_830 : vector<1x16xf32> to vector<16xf32>
        %add3A_832 = arith.addf %add3A_818, %get3A_831 : vector<16xf32>
        %add3A_833 = arith.constant 16 : i32
        %add3A_834 = arith.addi %mul3A_330, %add3A_833 : i32
        %get3A_835 = arith.index_cast %add3A_834 : i32 to index
        %get3A_836 = arith.constant 16 : index
        %get3A_837 = tpu.vector_load %arg15[%get3A_835, %get3A_836] {strides = array<i32>} : memref<320x64xf32, #tpu.memory_space<vmem>>, vector<1x16xf32>,
        %get3A_838 = vector.shape_cast %get3A_837 : vector<1x16xf32> to vector<16xf32>
        %add3A_839 = arith.addf %add3A_825, %get3A_838 : vector<16xf32>
        %add3A_840 = arith.constant 16 : i32
        %add3A_841 = arith.addi %mul3A_330, %add3A_840 : i32
        %get3A_842 = arith.index_cast %add3A_841 : i32 to index
        %get3A_843 = arith.constant 16 : index
        %get3A_844 = tpu.vector_load %arg17[%get3A_842, %get3A_843] {strides = array<i32>} : memref<320x64xf32, #tpu.memory_space<vmem>>, vector<1x16xf32>,
        %get3A_845 = vector.shape_cast %get3A_844 : vector<1x16xf32> to vector<16xf32>
        %add3A_846 = arith.addf %add3A_832, %get3A_845 : vector<16xf32>
        %add3A_847 = arith.constant 17 : i32
        %add3A_848 = arith.addi %mul3A_330, %add3A_847 : i32
        %get3A_849 = arith.index_cast %add3A_848 : i32 to index
        %get3A_850 = arith.constant 16 : index
        %get3A_851 = tpu.vector_load %arg15[%get3A_849, %get3A_850] {strides = array<i32>} : memref<320x64xf32, #tpu.memory_space<vmem>>, vector<1x16xf32>,
        %get3A_852 = vector.shape_cast %get3A_851 : vector<1x16xf32> to vector<16xf32>
        %add3A_853 = arith.addf %add3A_839, %get3A_852 : vector<16xf32>
        %add3A_854 = arith.constant 17 : i32
        %add3A_855 = arith.addi %mul3A_330, %add3A_854 : i32
        %get3A_856 = arith.index_cast %add3A_855 : i32 to index
        %get3A_857 = arith.constant 16 : index
        %get3A_858 = tpu.vector_load %arg17[%get3A_856, %get3A_857] {strides = array<i32>} : memref<320x64xf32, #tpu.memory_space<vmem>>, vector<1x16xf32>,
        %get3A_859 = vector.shape_cast %get3A_858 : vector<1x16xf32> to vector<16xf32>
        %add3A_860 = arith.addf %add3A_846, %get3A_859 : vector<16xf32>
        %add3A_861 = arith.constant 18 : i32
        %add3A_862 = arith.addi %mul3A_330, %add3A_861 : i32
        %get3A_863 = arith.index_cast %add3A_862 : i32 to index
        %get3A_864 = arith.constant 16 : index
        %get3A_865 = tpu.vector_load %arg15[%get3A_863, %get3A_864] {strides = array<i32>} : memref<320x64xf32, #tpu.memory_space<vmem>>, vector<1x16xf32>,
        %get3A_866 = vector.shape_cast %get3A_865 : vector<1x16xf32> to vector<16xf32>
        %add3A_867 = arith.addf %add3A_853, %get3A_866 : vector<16xf32>
        %add3A_868 = arith.constant 18 : i32
        %add3A_869 = arith.addi %mul3A_330, %add3A_868 : i32
        %get3A_870 = arith.index_cast %add3A_869 : i32 to index
        %get3A_871 = arith.constant 16 : index
        %get3A_872 = tpu.vector_load %arg17[%get3A_870, %get3A_871] {strides = array<i32>} : memref<320x64xf32, #tpu.memory_space<vmem>>, vector<1x16xf32>,
        %get3A_873 = vector.shape_cast %get3A_872 : vector<1x16xf32> to vector<16xf32>
        %add3A_874 = arith.addf %add3A_860, %get3A_873 : vector<16xf32>
        %add3A_875 = arith.constant 19 : i32
        %add3A_876 = arith.addi %mul3A_330, %add3A_875 : i32
        %get3A_877 = arith.index_cast %add3A_876 : i32 to index
        %get3A_878 = arith.constant 16 : index
        %get3A_879 = tpu.vector_load %arg15[%get3A_877, %get3A_878] {strides = array<i32>} : memref<320x64xf32, #tpu.memory_space<vmem>>, vector<1x16xf32>,
        %get3A_880 = vector.shape_cast %get3A_879 : vector<1x16xf32> to vector<16xf32>
        %add3A_881 = arith.addf %add3A_867, %get3A_880 : vector<16xf32>
        %add3A_882 = arith.constant 19 : i32
        %add3A_883 = arith.addi %mul3A_330, %add3A_882 : i32
        %get3A_884 = arith.index_cast %add3A_883 : i32 to index
        %get3A_885 = arith.constant 16 : index
        %get3A_886 = tpu.vector_load %arg17[%get3A_884, %get3A_885] {strides = array<i32>} : memref<320x64xf32, #tpu.memory_space<vmem>>, vector<1x16xf32>,
        %get3A_887 = vector.shape_cast %get3A_886 : vector<1x16xf32> to vector<16xf32>
        %add3A_888 = arith.addf %add3A_874, %get3A_887 : vector<16xf32>
        %get3A_889 = arith.index_cast %scan3A_327 : i32 to index
        %get3A_890 = arith.constant 16 : index
        %get3A_891 = tpu.vector_load %arg19[%get3A_889, %get3A_890] {strides = array<i32>} : memref<16x64xf32, #tpu.memory_space<vmem>>, vector<1x16xf32>,
        %get3A_892 = vector.shape_cast %get3A_891 : vector<1x16xf32> to vector<16xf32>
        %mul3A_893 = arith.mulf %get3A_892, %add3A_881 : vector<16xf32>
        %add3A_894 = arith.addf %add3A_612, %mul3A_893 : vector<16xf32>
        %mul3A_895 = arith.mulf %get3A_892, %add3A_888 : vector<16xf32>
        %add3A_896 = arith.addf %add3A_614, %mul3A_895 : vector<16xf32>
        %get3A_897 = arith.index_cast %mul3A_330 : i32 to index
        %get3A_898 = arith.constant 32 : index
        %get3A_899 = tpu.vector_load %arg15[%get3A_897, %get3A_898] {strides = array<i32>} : memref<320x64xf32, #tpu.memory_space<vmem>>, vector<1x16xf32>,
        %get3A_900 = vector.shape_cast %get3A_899 : vector<1x16xf32> to vector<16xf32>
        %get3A_901 = arith.index_cast %mul3A_330 : i32 to index
        %get3A_902 = arith.constant 32 : index
        %get3A_903 = tpu.vector_load %arg17[%get3A_901, %get3A_902] {strides = array<i32>} : memref<320x64xf32, #tpu.memory_space<vmem>>, vector<1x16xf32>,
        %get3A_904 = vector.shape_cast %get3A_903 : vector<1x16xf32> to vector<16xf32>
        %add3A_905 = arith.constant 1 : i32
        %add3A_906 = arith.addi %mul3A_330, %add3A_905 : i32
        %get3A_907 = arith.index_cast %add3A_906 : i32 to index
        %get3A_908 = arith.constant 32 : index
        %get3A_909 = tpu.vector_load %arg15[%get3A_907, %get3A_908] {strides = array<i32>} : memref<320x64xf32, #tpu.memory_space<vmem>>, vector<1x16xf32>,
        %get3A_910 = vector.shape_cast %get3A_909 : vector<1x16xf32> to vector<16xf32>
        %add3A_911 = arith.addf %get3A_900, %get3A_910 : vector<16xf32>
        %add3A_912 = arith.constant 1 : i32
        %add3A_913 = arith.addi %mul3A_330, %add3A_912 : i32
        %get3A_914 = arith.index_cast %add3A_913 : i32 to index
        %get3A_915 = arith.constant 32 : index
        %get3A_916 = tpu.vector_load %arg17[%get3A_914, %get3A_915] {strides = array<i32>} : memref<320x64xf32, #tpu.memory_space<vmem>>, vector<1x16xf32>,
        %get3A_917 = vector.shape_cast %get3A_916 : vector<1x16xf32> to vector<16xf32>
        %add3A_918 = arith.addf %get3A_904, %get3A_917 : vector<16xf32>
        %add3A_919 = arith.constant 2 : i32
        %add3A_920 = arith.addi %mul3A_330, %add3A_919 : i32
        %get3A_921 = arith.index_cast %add3A_920 : i32 to index
        %get3A_922 = arith.constant 32 : index
        %get3A_923 = tpu.vector_load %arg15[%get3A_921, %get3A_922] {strides = array<i32>} : memref<320x64xf32, #tpu.memory_space<vmem>>, vector<1x16xf32>,
        %get3A_924 = vector.shape_cast %get3A_923 : vector<1x16xf32> to vector<16xf32>
        %add3A_925 = arith.addf %add3A_911, %get3A_924 : vector<16xf32>
        %add3A_926 = arith.constant 2 : i32
        %add3A_927 = arith.addi %mul3A_330, %add3A_926 : i32
        %get3A_928 = arith.index_cast %add3A_927 : i32 to index
        %get3A_929 = arith.constant 32 : index
        %get3A_930 = tpu.vector_load %arg17[%get3A_928, %get3A_929] {strides = array<i32>} : memref<320x64xf32, #tpu.memory_space<vmem>>, vector<1x16xf32>,
        %get3A_931 = vector.shape_cast %get3A_930 : vector<1x16xf32> to vector<16xf32>
        %add3A_932 = arith.addf %add3A_918, %get3A_931 : vector<16xf32>
        %add3A_933 = arith.constant 3 : i32
        %add3A_934 = arith.addi %mul3A_330, %add3A_933 : i32
        %get3A_935 = arith.index_cast %add3A_934 : i32 to index
        %get3A_936 = arith.constant 32 : index
        %get3A_937 = tpu.vector_load %arg15[%get3A_935, %get3A_936] {strides = array<i32>} : memref<320x64xf32, #tpu.memory_space<vmem>>, vector<1x16xf32>,
        %get3A_938 = vector.shape_cast %get3A_937 : vector<1x16xf32> to vector<16xf32>
        %add3A_939 = arith.addf %add3A_925, %get3A_938 : vector<16xf32>
        %add3A_940 = arith.constant 3 : i32
        %add3A_941 = arith.addi %mul3A_330, %add3A_940 : i32
        %get3A_942 = arith.index_cast %add3A_941 : i32 to index
        %get3A_943 = arith.constant 32 : index
        %get3A_944 = tpu.vector_load %arg17[%get3A_942, %get3A_943] {strides = array<i32>} : memref<320x64xf32, #tpu.memory_space<vmem>>, vector<1x16xf32>,
        %get3A_945 = vector.shape_cast %get3A_944 : vector<1x16xf32> to vector<16xf32>
        %add3A_946 = arith.addf %add3A_932, %get3A_945 : vector<16xf32>
        %add3A_947 = arith.constant 4 : i32
        %add3A_948 = arith.addi %mul3A_330, %add3A_947 : i32
        %get3A_949 = arith.index_cast %add3A_948 : i32 to index
        %get3A_950 = arith.constant 32 : index
        %get3A_951 = tpu.vector_load %arg15[%get3A_949, %get3A_950] {strides = array<i32>} : memref<320x64xf32, #tpu.memory_space<vmem>>, vector<1x16xf32>,
        %get3A_952 = vector.shape_cast %get3A_951 : vector<1x16xf32> to vector<16xf32>
        %add3A_953 = arith.addf %add3A_939, %get3A_952 : vector<16xf32>
        %add3A_954 = arith.constant 4 : i32
        %add3A_955 = arith.addi %mul3A_330, %add3A_954 : i32
        %get3A_956 = arith.index_cast %add3A_955 : i32 to index
        %get3A_957 = arith.constant 32 : index
        %get3A_958 = tpu.vector_load %arg17[%get3A_956, %get3A_957] {strides = array<i32>} : memref<320x64xf32, #tpu.memory_space<vmem>>, vector<1x16xf32>,
        %get3A_959 = vector.shape_cast %get3A_958 : vector<1x16xf32> to vector<16xf32>
        %add3A_960 = arith.addf %add3A_946, %get3A_959 : vector<16xf32>
        %add3A_961 = arith.constant 5 : i32
        %add3A_962 = arith.addi %mul3A_330, %add3A_961 : i32
        %get3A_963 = arith.index_cast %add3A_962 : i32 to index
        %get3A_964 = arith.constant 32 : index
        %get3A_965 = tpu.vector_load %arg15[%get3A_963, %get3A_964] {strides = array<i32>} : memref<320x64xf32, #tpu.memory_space<vmem>>, vector<1x16xf32>,
        %get3A_966 = vector.shape_cast %get3A_965 : vector<1x16xf32> to vector<16xf32>
        %add3A_967 = arith.addf %add3A_953, %get3A_966 : vector<16xf32>
        %add3A_968 = arith.constant 5 : i32
        %add3A_969 = arith.addi %mul3A_330, %add3A_968 : i32
        %get3A_970 = arith.index_cast %add3A_969 : i32 to index
        %get3A_971 = arith.constant 32 : index
        %get3A_972 = tpu.vector_load %arg17[%get3A_970, %get3A_971] {strides = array<i32>} : memref<320x64xf32, #tpu.memory_space<vmem>>, vector<1x16xf32>,
        %get3A_973 = vector.shape_cast %get3A_972 : vector<1x16xf32> to vector<16xf32>
        %add3A_974 = arith.addf %add3A_960, %get3A_973 : vector<16xf32>
        %add3A_975 = arith.constant 6 : i32
        %add3A_976 = arith.addi %mul3A_330, %add3A_975 : i32
        %get3A_977 = arith.index_cast %add3A_976 : i32 to index
        %get3A_978 = arith.constant 32 : index
        %get3A_979 = tpu.vector_load %arg15[%get3A_977, %get3A_978] {strides = array<i32>} : memref<320x64xf32, #tpu.memory_space<vmem>>, vector<1x16xf32>,
        %get3A_980 = vector.shape_cast %get3A_979 : vector<1x16xf32> to vector<16xf32>
        %add3A_981 = arith.addf %add3A_967, %get3A_980 : vector<16xf32>
        %add3A_982 = arith.constant 6 : i32
        %add3A_983 = arith.addi %mul3A_330, %add3A_982 : i32
        %get3A_984 = arith.index_cast %add3A_983 : i32 to index
        %get3A_985 = arith.constant 32 : index
        %get3A_986 = tpu.vector_load %arg17[%get3A_984, %get3A_985] {strides = array<i32>} : memref<320x64xf32, #tpu.memory_space<vmem>>, vector<1x16xf32>,
        %get3A_987 = vector.shape_cast %get3A_986 : vector<1x16xf32> to vector<16xf32>
        %add3A_988 = arith.addf %add3A_974, %get3A_987 : vector<16xf32>
        %add3A_989 = arith.constant 7 : i32
        %add3A_990 = arith.addi %mul3A_330, %add3A_989 : i32
        %get3A_991 = arith.index_cast %add3A_990 : i32 to index
        %get3A_992 = arith.constant 32 : index
        %get3A_993 = tpu.vector_load %arg15[%get3A_991, %get3A_992] {strides = array<i32>} : memref<320x64xf32, #tpu.memory_space<vmem>>, vector<1x16xf32>,
        %get3A_994 = vector.shape_cast %get3A_993 : vector<1x16xf32> to vector<16xf32>
        %add3A_995 = arith.addf %add3A_981, %get3A_994 : vector<16xf32>
        %add3A_996 = arith.constant 7 : i32
        %add3A_997 = arith.addi %mul3A_330, %add3A_996 : i32
        %get3A_998 = arith.index_cast %add3A_997 : i32 to index
        %get3A_999 = arith.constant 32 : index
        %get3A_1000 = tpu.vector_load %arg17[%get3A_998, %get3A_999] {strides = array<i32>} : memref<320x64xf32, #tpu.memory_space<vmem>>, vector<1x16xf32>,
        %get3A_1001 = vector.shape_cast %get3A_1000 : vector<1x16xf32> to vector<16xf32>
        %add3A_1002 = arith.addf %add3A_988, %get3A_1001 : vector<16xf32>
        %add3A_1003 = arith.constant 8 : i32
        %add3A_1004 = arith.addi %mul3A_330, %add3A_1003 : i32
        %get3A_1005 = arith.index_cast %add3A_1004 : i32 to index
        %get3A_1006 = arith.constant 32 : index
        %get3A_1007 = tpu.vector_load %arg15[%get3A_1005, %get3A_1006] {strides = array<i32>} : memref<320x64xf32, #tpu.memory_space<vmem>>, vector<1x16xf32>,
        %get3A_1008 = vector.shape_cast %get3A_1007 : vector<1x16xf32> to vector<16xf32>
        %add3A_1009 = arith.addf %add3A_995, %get3A_1008 : vector<16xf32>
        %add3A_1010 = arith.constant 8 : i32
        %add3A_1011 = arith.addi %mul3A_330, %add3A_1010 : i32
        %get3A_1012 = arith.index_cast %add3A_1011 : i32 to index
        %get3A_1013 = arith.constant 32 : index
        %get3A_1014 = tpu.vector_load %arg17[%get3A_1012, %get3A_1013] {strides = array<i32>} : memref<320x64xf32, #tpu.memory_space<vmem>>, vector<1x16xf32>,
        %get3A_1015 = vector.shape_cast %get3A_1014 : vector<1x16xf32> to vector<16xf32>
        %add3A_1016 = arith.addf %add3A_1002, %get3A_1015 : vector<16xf32>
        %add3A_1017 = arith.constant 9 : i32
        %add3A_1018 = arith.addi %mul3A_330, %add3A_1017 : i32
        %get3A_1019 = arith.index_cast %add3A_1018 : i32 to index
        %get3A_1020 = arith.constant 32 : index
        %get3A_1021 = tpu.vector_load %arg15[%get3A_1019, %get3A_1020] {strides = array<i32>} : memref<320x64xf32, #tpu.memory_space<vmem>>, vector<1x16xf32>,
        %get3A_1022 = vector.shape_cast %get3A_1021 : vector<1x16xf32> to vector<16xf32>
        %add3A_1023 = arith.addf %add3A_1009, %get3A_1022 : vector<16xf32>
        %add3A_1024 = arith.constant 9 : i32
        %add3A_1025 = arith.addi %mul3A_330, %add3A_1024 : i32
        %get3A_1026 = arith.index_cast %add3A_1025 : i32 to index
        %get3A_1027 = arith.constant 32 : index
        %get3A_1028 = tpu.vector_load %arg17[%get3A_1026, %get3A_1027] {strides = array<i32>} : memref<320x64xf32, #tpu.memory_space<vmem>>, vector<1x16xf32>,
        %get3A_1029 = vector.shape_cast %get3A_1028 : vector<1x16xf32> to vector<16xf32>
        %add3A_1030 = arith.addf %add3A_1016, %get3A_1029 : vector<16xf32>
        %add3A_1031 = arith.constant 10 : i32
        %add3A_1032 = arith.addi %mul3A_330, %add3A_1031 : i32
        %get3A_1033 = arith.index_cast %add3A_1032 : i32 to index
        %get3A_1034 = arith.constant 32 : index
        %get3A_1035 = tpu.vector_load %arg15[%get3A_1033, %get3A_1034] {strides = array<i32>} : memref<320x64xf32, #tpu.memory_space<vmem>>, vector<1x16xf32>,
        %get3A_1036 = vector.shape_cast %get3A_1035 : vector<1x16xf32> to vector<16xf32>
        %add3A_1037 = arith.addf %add3A_1023, %get3A_1036 : vector<16xf32>
        %add3A_1038 = arith.constant 10 : i32
        %add3A_1039 = arith.addi %mul3A_330, %add3A_1038 : i32
        %get3A_1040 = arith.index_cast %add3A_1039 : i32 to index
        %get3A_1041 = arith.constant 32 : index
        %get3A_1042 = tpu.vector_load %arg17[%get3A_1040, %get3A_1041] {strides = array<i32>} : memref<320x64xf32, #tpu.memory_space<vmem>>, vector<1x16xf32>,
        %get3A_1043 = vector.shape_cast %get3A_1042 : vector<1x16xf32> to vector<16xf32>
        %add3A_1044 = arith.addf %add3A_1030, %get3A_1043 : vector<16xf32>
        %add3A_1045 = arith.constant 11 : i32
        %add3A_1046 = arith.addi %mul3A_330, %add3A_1045 : i32
        %get3A_1047 = arith.index_cast %add3A_1046 : i32 to index
        %get3A_1048 = arith.constant 32 : index
        %get3A_1049 = tpu.vector_load %arg15[%get3A_1047, %get3A_1048] {strides = array<i32>} : memref<320x64xf32, #tpu.memory_space<vmem>>, vector<1x16xf32>,
        %get3A_1050 = vector.shape_cast %get3A_1049 : vector<1x16xf32> to vector<16xf32>
        %add3A_1051 = arith.addf %add3A_1037, %get3A_1050 : vector<16xf32>
        %add3A_1052 = arith.constant 11 : i32
        %add3A_1053 = arith.addi %mul3A_330, %add3A_1052 : i32
        %get3A_1054 = arith.index_cast %add3A_1053 : i32 to index
        %get3A_1055 = arith.constant 32 : index
        %get3A_1056 = tpu.vector_load %arg17[%get3A_1054, %get3A_1055] {strides = array<i32>} : memref<320x64xf32, #tpu.memory_space<vmem>>, vector<1x16xf32>,
        %get3A_1057 = vector.shape_cast %get3A_1056 : vector<1x16xf32> to vector<16xf32>
        %add3A_1058 = arith.addf %add3A_1044, %get3A_1057 : vector<16xf32>
        %add3A_1059 = arith.constant 12 : i32
        %add3A_1060 = arith.addi %mul3A_330, %add3A_1059 : i32
        %get3A_1061 = arith.index_cast %add3A_1060 : i32 to index
        %get3A_1062 = arith.constant 32 : index
        %get3A_1063 = tpu.vector_load %arg15[%get3A_1061, %get3A_1062] {strides = array<i32>} : memref<320x64xf32, #tpu.memory_space<vmem>>, vector<1x16xf32>,
        %get3A_1064 = vector.shape_cast %get3A_1063 : vector<1x16xf32> to vector<16xf32>
        %add3A_1065 = arith.addf %add3A_1051, %get3A_1064 : vector<16xf32>
        %add3A_1066 = arith.constant 12 : i32
        %add3A_1067 = arith.addi %mul3A_330, %add3A_1066 : i32
        %get3A_1068 = arith.index_cast %add3A_1067 : i32 to index
        %get3A_1069 = arith.constant 32 : index
        %get3A_1070 = tpu.vector_load %arg17[%get3A_1068, %get3A_1069] {strides = array<i32>} : memref<320x64xf32, #tpu.memory_space<vmem>>, vector<1x16xf32>,
        %get3A_1071 = vector.shape_cast %get3A_1070 : vector<1x16xf32> to vector<16xf32>
        %add3A_1072 = arith.addf %add3A_1058, %get3A_1071 : vector<16xf32>
        %add3A_1073 = arith.constant 13 : i32
        %add3A_1074 = arith.addi %mul3A_330, %add3A_1073 : i32
        %get3A_1075 = arith.index_cast %add3A_1074 : i32 to index
        %get3A_1076 = arith.constant 32 : index
        %get3A_1077 = tpu.vector_load %arg15[%get3A_1075, %get3A_1076] {strides = array<i32>} : memref<320x64xf32, #tpu.memory_space<vmem>>, vector<1x16xf32>,
        %get3A_1078 = vector.shape_cast %get3A_1077 : vector<1x16xf32> to vector<16xf32>
        %add3A_1079 = arith.addf %add3A_1065, %get3A_1078 : vector<16xf32>
        %add3A_1080 = arith.constant 13 : i32
        %add3A_1081 = arith.addi %mul3A_330, %add3A_1080 : i32
        %get3A_1082 = arith.index_cast %add3A_1081 : i32 to index
        %get3A_1083 = arith.constant 32 : index
        %get3A_1084 = tpu.vector_load %arg17[%get3A_1082, %get3A_1083] {strides = array<i32>} : memref<320x64xf32, #tpu.memory_space<vmem>>, vector<1x16xf32>,
        %get3A_1085 = vector.shape_cast %get3A_1084 : vector<1x16xf32> to vector<16xf32>
        %add3A_1086 = arith.addf %add3A_1072, %get3A_1085 : vector<16xf32>
        %add3A_1087 = arith.constant 14 : i32
        %add3A_1088 = arith.addi %mul3A_330, %add3A_1087 : i32
        %get3A_1089 = arith.index_cast %add3A_1088 : i32 to index
        %get3A_1090 = arith.constant 32 : index
        %get3A_1091 = tpu.vector_load %arg15[%get3A_1089, %get3A_1090] {strides = array<i32>} : memref<320x64xf32, #tpu.memory_space<vmem>>, vector<1x16xf32>,
        %get3A_1092 = vector.shape_cast %get3A_1091 : vector<1x16xf32> to vector<16xf32>
        %add3A_1093 = arith.addf %add3A_1079, %get3A_1092 : vector<16xf32>
        %add3A_1094 = arith.constant 14 : i32
        %add3A_1095 = arith.addi %mul3A_330, %add3A_1094 : i32
        %get3A_1096 = arith.index_cast %add3A_1095 : i32 to index
        %get3A_1097 = arith.constant 32 : index
        %get3A_1098 = tpu.vector_load %arg17[%get3A_1096, %get3A_1097] {strides = array<i32>} : memref<320x64xf32, #tpu.memory_space<vmem>>, vector<1x16xf32>,
        %get3A_1099 = vector.shape_cast %get3A_1098 : vector<1x16xf32> to vector<16xf32>
        %add3A_1100 = arith.addf %add3A_1086, %get3A_1099 : vector<16xf32>
        %add3A_1101 = arith.constant 15 : i32
        %add3A_1102 = arith.addi %mul3A_330, %add3A_1101 : i32
        %get3A_1103 = arith.index_cast %add3A_1102 : i32 to index
        %get3A_1104 = arith.constant 32 : index
        %get3A_1105 = tpu.vector_load %arg15[%get3A_1103, %get3A_1104] {strides = array<i32>} : memref<320x64xf32, #tpu.memory_space<vmem>>, vector<1x16xf32>,
        %get3A_1106 = vector.shape_cast %get3A_1105 : vector<1x16xf32> to vector<16xf32>
        %add3A_1107 = arith.addf %add3A_1093, %get3A_1106 : vector<16xf32>
        %add3A_1108 = arith.constant 15 : i32
        %add3A_1109 = arith.addi %mul3A_330, %add3A_1108 : i32
        %get3A_1110 = arith.index_cast %add3A_1109 : i32 to index
        %get3A_1111 = arith.constant 32 : index
        %get3A_1112 = tpu.vector_load %arg17[%get3A_1110, %get3A_1111] {strides = array<i32>} : memref<320x64xf32, #tpu.memory_space<vmem>>, vector<1x16xf32>,
        %get3A_1113 = vector.shape_cast %get3A_1112 : vector<1x16xf32> to vector<16xf32>
        %add3A_1114 = arith.addf %add3A_1100, %get3A_1113 : vector<16xf32>
        %add3A_1115 = arith.constant 16 : i32
        %add3A_1116 = arith.addi %mul3A_330, %add3A_1115 : i32
        %get3A_1117 = arith.index_cast %add3A_1116 : i32 to index
        %get3A_1118 = arith.constant 32 : index
        %get3A_1119 = tpu.vector_load %arg15[%get3A_1117, %get3A_1118] {strides = array<i32>} : memref<320x64xf32, #tpu.memory_space<vmem>>, vector<1x16xf32>,
        %get3A_1120 = vector.shape_cast %get3A_1119 : vector<1x16xf32> to vector<16xf32>
        %add3A_1121 = arith.addf %add3A_1107, %get3A_1120 : vector<16xf32>
        %add3A_1122 = arith.constant 16 : i32
        %add3A_1123 = arith.addi %mul3A_330, %add3A_1122 : i32
        %get3A_1124 = arith.index_cast %add3A_1123 : i32 to index
        %get3A_1125 = arith.constant 32 : index
        %get3A_1126 = tpu.vector_load %arg17[%get3A_1124, %get3A_1125] {strides = array<i32>} : memref<320x64xf32, #tpu.memory_space<vmem>>, vector<1x16xf32>,
        %get3A_1127 = vector.shape_cast %get3A_1126 : vector<1x16xf32> to vector<16xf32>
        %add3A_1128 = arith.addf %add3A_1114, %get3A_1127 : vector<16xf32>
        %add3A_1129 = arith.constant 17 : i32
        %add3A_1130 = arith.addi %mul3A_330, %add3A_1129 : i32
        %get3A_1131 = arith.index_cast %add3A_1130 : i32 to index
        %get3A_1132 = arith.constant 32 : index
        %get3A_1133 = tpu.vector_load %arg15[%get3A_1131, %get3A_1132] {strides = array<i32>} : memref<320x64xf32, #tpu.memory_space<vmem>>, vector<1x16xf32>,
        %get3A_1134 = vector.shape_cast %get3A_1133 : vector<1x16xf32> to vector<16xf32>
        %add3A_1135 = arith.addf %add3A_1121, %get3A_1134 : vector<16xf32>
        %add3A_1136 = arith.constant 17 : i32
        %add3A_1137 = arith.addi %mul3A_330, %add3A_1136 : i32
        %get3A_1138 = arith.index_cast %add3A_1137 : i32 to index
        %get3A_1139 = arith.constant 32 : index
        %get3A_1140 = tpu.vector_load %arg17[%get3A_1138, %get3A_1139] {strides = array<i32>} : memref<320x64xf32, #tpu.memory_space<vmem>>, vector<1x16xf32>,
        %get3A_1141 = vector.shape_cast %get3A_1140 : vector<1x16xf32> to vector<16xf32>
        %add3A_1142 = arith.addf %add3A_1128, %get3A_1141 : vector<16xf32>
        %add3A_1143 = arith.constant 18 : i32
        %add3A_1144 = arith.addi %mul3A_330, %add3A_1143 : i32
        %get3A_1145 = arith.index_cast %add3A_1144 : i32 to index
        %get3A_1146 = arith.constant 32 : index
        %get3A_1147 = tpu.vector_load %arg15[%get3A_1145, %get3A_1146] {strides = array<i32>} : memref<320x64xf32, #tpu.memory_space<vmem>>, vector<1x16xf32>,
        %get3A_1148 = vector.shape_cast %get3A_1147 : vector<1x16xf32> to vector<16xf32>
        %add3A_1149 = arith.addf %add3A_1135, %get3A_1148 : vector<16xf32>
        %add3A_1150 = arith.constant 18 : i32
        %add3A_1151 = arith.addi %mul3A_330, %add3A_1150 : i32
        %get3A_1152 = arith.index_cast %add3A_1151 : i32 to index
        %get3A_1153 = arith.constant 32 : index
        %get3A_1154 = tpu.vector_load %arg17[%get3A_1152, %get3A_1153] {strides = array<i32>} : memref<320x64xf32, #tpu.memory_space<vmem>>, vector<1x16xf32>,
        %get3A_1155 = vector.shape_cast %get3A_1154 : vector<1x16xf32> to vector<16xf32>
        %add3A_1156 = arith.addf %add3A_1142, %get3A_1155 : vector<16xf32>
        %add3A_1157 = arith.constant 19 : i32
        %add3A_1158 = arith.addi %mul3A_330, %add3A_1157 : i32
        %get3A_1159 = arith.index_cast %add3A_1158 : i32 to index
        %get3A_1160 = arith.constant 32 : index
        %get3A_1161 = tpu.vector_load %arg15[%get3A_1159, %get3A_1160] {strides = array<i32>} : memref<320x64xf32, #tpu.memory_space<vmem>>, vector<1x16xf32>,
        %get3A_1162 = vector.shape_cast %get3A_1161 : vector<1x16xf32> to vector<16xf32>
        %add3A_1163 = arith.addf %add3A_1149, %get3A_1162 : vector<16xf32>
        %add3A_1164 = arith.constant 19 : i32
        %add3A_1165 = arith.addi %mul3A_330, %add3A_1164 : i32
        %get3A_1166 = arith.index_cast %add3A_1165 : i32 to index
        %get3A_1167 = arith.constant 32 : index
        %get3A_1168 = tpu.vector_load %arg17[%get3A_1166, %get3A_1167] {strides = array<i32>} : memref<320x64xf32, #tpu.memory_space<vmem>>, vector<1x16xf32>,
        %get3A_1169 = vector.shape_cast %get3A_1168 : vector<1x16xf32> to vector<16xf32>
        %add3A_1170 = arith.addf %add3A_1156, %get3A_1169 : vector<16xf32>
        %get3A_1171 = arith.index_cast %scan3A_327 : i32 to index
        %get3A_1172 = arith.constant 32 : index
        %get3A_1173 = tpu.vector_load %arg19[%get3A_1171, %get3A_1172] {strides = array<i32>} : memref<16x64xf32, #tpu.memory_space<vmem>>, vector<1x16xf32>,
        %get3A_1174 = vector.shape_cast %get3A_1173 : vector<1x16xf32> to vector<16xf32>
        %mul3A_1175 = arith.mulf %get3A_1174, %add3A_1163 : vector<16xf32>
        %add3A_1176 = arith.addf %add3A_894, %mul3A_1175 : vector<16xf32>
        %mul3A_1177 = arith.mulf %get3A_1174, %add3A_1170 : vector<16xf32>
        %add3A_1178 = arith.addf %add3A_896, %mul3A_1177 : vector<16xf32>
        %get3A_1179 = arith.index_cast %mul3A_330 : i32 to index
        %get3A_1180 = arith.constant 48 : index
        %get3A_1181 = tpu.vector_load %arg15[%get3A_1179, %get3A_1180] {strides = array<i32>} : memref<320x64xf32, #tpu.memory_space<vmem>>, vector<1x16xf32>,
        %get3A_1182 = vector.shape_cast %get3A_1181 : vector<1x16xf32> to vector<16xf32>
        %get3A_1183 = arith.index_cast %mul3A_330 : i32 to index
        %get3A_1184 = arith.constant 48 : index
        %get3A_1185 = tpu.vector_load %arg17[%get3A_1183, %get3A_1184] {strides = array<i32>} : memref<320x64xf32, #tpu.memory_space<vmem>>, vector<1x16xf32>,
        %get3A_1186 = vector.shape_cast %get3A_1185 : vector<1x16xf32> to vector<16xf32>
        %add3A_1187 = arith.constant 1 : i32
        %add3A_1188 = arith.addi %mul3A_330, %add3A_1187 : i32
        %get3A_1189 = arith.index_cast %add3A_1188 : i32 to index
        %get3A_1190 = arith.constant 48 : index
        %get3A_1191 = tpu.vector_load %arg15[%get3A_1189, %get3A_1190] {strides = array<i32>} : memref<320x64xf32, #tpu.memory_space<vmem>>, vector<1x16xf32>,
        %get3A_1192 = vector.shape_cast %get3A_1191 : vector<1x16xf32> to vector<16xf32>
        %add3A_1193 = arith.addf %get3A_1182, %get3A_1192 : vector<16xf32>
        %add3A_1194 = arith.constant 1 : i32
        %add3A_1195 = arith.addi %mul3A_330, %add3A_1194 : i32
        %get3A_1196 = arith.index_cast %add3A_1195 : i32 to index
        %get3A_1197 = arith.constant 48 : index
        %get3A_1198 = tpu.vector_load %arg17[%get3A_1196, %get3A_1197] {strides = array<i32>} : memref<320x64xf32, #tpu.memory_space<vmem>>, vector<1x16xf32>,
        %get3A_1199 = vector.shape_cast %get3A_1198 : vector<1x16xf32> to vector<16xf32>
        %add3A_1200 = arith.addf %get3A_1186, %get3A_1199 : vector<16xf32>
        %add3A_1201 = arith.constant 2 : i32
        %add3A_1202 = arith.addi %mul3A_330, %add3A_1201 : i32
        %get3A_1203 = arith.index_cast %add3A_1202 : i32 to index
        %get3A_1204 = arith.constant 48 : index
        %get3A_1205 = tpu.vector_load %arg15[%get3A_1203, %get3A_1204] {strides = array<i32>} : memref<320x64xf32, #tpu.memory_space<vmem>>, vector<1x16xf32>,
        %get3A_1206 = vector.shape_cast %get3A_1205 : vector<1x16xf32> to vector<16xf32>
        %add3A_1207 = arith.addf %add3A_1193, %get3A_1206 : vector<16xf32>
        %add3A_1208 = arith.constant 2 : i32
        %add3A_1209 = arith.addi %mul3A_330, %add3A_1208 : i32
        %get3A_1210 = arith.index_cast %add3A_1209 : i32 to index
        %get3A_1211 = arith.constant 48 : index
        %get3A_1212 = tpu.vector_load %arg17[%get3A_1210, %get3A_1211] {strides = array<i32>} : memref<320x64xf32, #tpu.memory_space<vmem>>, vector<1x16xf32>,
        %get3A_1213 = vector.shape_cast %get3A_1212 : vector<1x16xf32> to vector<16xf32>
        %add3A_1214 = arith.addf %add3A_1200, %get3A_1213 : vector<16xf32>
        %add3A_1215 = arith.constant 3 : i32
        %add3A_1216 = arith.addi %mul3A_330, %add3A_1215 : i32
        %get3A_1217 = arith.index_cast %add3A_1216 : i32 to index
        %get3A_1218 = arith.constant 48 : index
        %get3A_1219 = tpu.vector_load %arg15[%get3A_1217, %get3A_1218] {strides = array<i32>} : memref<320x64xf32, #tpu.memory_space<vmem>>, vector<1x16xf32>,
        %get3A_1220 = vector.shape_cast %get3A_1219 : vector<1x16xf32> to vector<16xf32>
        %add3A_1221 = arith.addf %add3A_1207, %get3A_1220 : vector<16xf32>
        %add3A_1222 = arith.constant 3 : i32
        %add3A_1223 = arith.addi %mul3A_330, %add3A_1222 : i32
        %get3A_1224 = arith.index_cast %add3A_1223 : i32 to index
        %get3A_1225 = arith.constant 48 : index
        %get3A_1226 = tpu.vector_load %arg17[%get3A_1224, %get3A_1225] {strides = array<i32>} : memref<320x64xf32, #tpu.memory_space<vmem>>, vector<1x16xf32>,
        %get3A_1227 = vector.shape_cast %get3A_1226 : vector<1x16xf32> to vector<16xf32>
        %add3A_1228 = arith.addf %add3A_1214, %get3A_1227 : vector<16xf32>
        %add3A_1229 = arith.constant 4 : i32
        %add3A_1230 = arith.addi %mul3A_330, %add3A_1229 : i32
        %get3A_1231 = arith.index_cast %add3A_1230 : i32 to index
        %get3A_1232 = arith.constant 48 : index
        %get3A_1233 = tpu.vector_load %arg15[%get3A_1231, %get3A_1232] {strides = array<i32>} : memref<320x64xf32, #tpu.memory_space<vmem>>, vector<1x16xf32>,
        %get3A_1234 = vector.shape_cast %get3A_1233 : vector<1x16xf32> to vector<16xf32>
        %add3A_1235 = arith.addf %add3A_1221, %get3A_1234 : vector<16xf32>
        %add3A_1236 = arith.constant 4 : i32
        %add3A_1237 = arith.addi %mul3A_330, %add3A_1236 : i32
        %get3A_1238 = arith.index_cast %add3A_1237 : i32 to index
        %get3A_1239 = arith.constant 48 : index
        %get3A_1240 = tpu.vector_load %arg17[%get3A_1238, %get3A_1239] {strides = array<i32>} : memref<320x64xf32, #tpu.memory_space<vmem>>, vector<1x16xf32>,
        %get3A_1241 = vector.shape_cast %get3A_1240 : vector<1x16xf32> to vector<16xf32>
        %add3A_1242 = arith.addf %add3A_1228, %get3A_1241 : vector<16xf32>
        %add3A_1243 = arith.constant 5 : i32
        %add3A_1244 = arith.addi %mul3A_330, %add3A_1243 : i32
        %get3A_1245 = arith.index_cast %add3A_1244 : i32 to index
        %get3A_1246 = arith.constant 48 : index
        %get3A_1247 = tpu.vector_load %arg15[%get3A_1245, %get3A_1246] {strides = array<i32>} : memref<320x64xf32, #tpu.memory_space<vmem>>, vector<1x16xf32>,
        %get3A_1248 = vector.shape_cast %get3A_1247 : vector<1x16xf32> to vector<16xf32>
        %add3A_1249 = arith.addf %add3A_1235, %get3A_1248 : vector<16xf32>
        %add3A_1250 = arith.constant 5 : i32
        %add3A_1251 = arith.addi %mul3A_330, %add3A_1250 : i32
        %get3A_1252 = arith.index_cast %add3A_1251 : i32 to index
        %get3A_1253 = arith.constant 48 : index
        %get3A_1254 = tpu.vector_load %arg17[%get3A_1252, %get3A_1253] {strides = array<i32>} : memref<320x64xf32, #tpu.memory_space<vmem>>, vector<1x16xf32>,
        %get3A_1255 = vector.shape_cast %get3A_1254 : vector<1x16xf32> to vector<16xf32>
        %add3A_1256 = arith.addf %add3A_1242, %get3A_1255 : vector<16xf32>
        %add3A_1257 = arith.constant 6 : i32
        %add3A_1258 = arith.addi %mul3A_330, %add3A_1257 : i32
        %get3A_1259 = arith.index_cast %add3A_1258 : i32 to index
        %get3A_1260 = arith.constant 48 : index
        %get3A_1261 = tpu.vector_load %arg15[%get3A_1259, %get3A_1260] {strides = array<i32>} : memref<320x64xf32, #tpu.memory_space<vmem>>, vector<1x16xf32>,
        %get3A_1262 = vector.shape_cast %get3A_1261 : vector<1x16xf32> to vector<16xf32>
        %add3A_1263 = arith.addf %add3A_1249, %get3A_1262 : vector<16xf32>
        %add3A_1264 = arith.constant 6 : i32
        %add3A_1265 = arith.addi %mul3A_330, %add3A_1264 : i32
        %get3A_1266 = arith.index_cast %add3A_1265 : i32 to index
        %get3A_1267 = arith.constant 48 : index
        %get3A_1268 = tpu.vector_load %arg17[%get3A_1266, %get3A_1267] {strides = array<i32>} : memref<320x64xf32, #tpu.memory_space<vmem>>, vector<1x16xf32>,
        %get3A_1269 = vector.shape_cast %get3A_1268 : vector<1x16xf32> to vector<16xf32>
        %add3A_1270 = arith.addf %add3A_1256, %get3A_1269 : vector<16xf32>
        %add3A_1271 = arith.constant 7 : i32
        %add3A_1272 = arith.addi %mul3A_330, %add3A_1271 : i32
        %get3A_1273 = arith.index_cast %add3A_1272 : i32 to index
        %get3A_1274 = arith.constant 48 : index
        %get3A_1275 = tpu.vector_load %arg15[%get3A_1273, %get3A_1274] {strides = array<i32>} : memref<320x64xf32, #tpu.memory_space<vmem>>, vector<1x16xf32>,
        %get3A_1276 = vector.shape_cast %get3A_1275 : vector<1x16xf32> to vector<16xf32>
        %add3A_1277 = arith.addf %add3A_1263, %get3A_1276 : vector<16xf32>
        %add3A_1278 = arith.constant 7 : i32
        %add3A_1279 = arith.addi %mul3A_330, %add3A_1278 : i32
        %get3A_1280 = arith.index_cast %add3A_1279 : i32 to index
        %get3A_1281 = arith.constant 48 : index
        %get3A_1282 = tpu.vector_load %arg17[%get3A_1280, %get3A_1281] {strides = array<i32>} : memref<320x64xf32, #tpu.memory_space<vmem>>, vector<1x16xf32>,
        %get3A_1283 = vector.shape_cast %get3A_1282 : vector<1x16xf32> to vector<16xf32>
        %add3A_1284 = arith.addf %add3A_1270, %get3A_1283 : vector<16xf32>
        %add3A_1285 = arith.constant 8 : i32
        %add3A_1286 = arith.addi %mul3A_330, %add3A_1285 : i32
        %get3A_1287 = arith.index_cast %add3A_1286 : i32 to index
        %get3A_1288 = arith.constant 48 : index
        %get3A_1289 = tpu.vector_load %arg15[%get3A_1287, %get3A_1288] {strides = array<i32>} : memref<320x64xf32, #tpu.memory_space<vmem>>, vector<1x16xf32>,
        %get3A_1290 = vector.shape_cast %get3A_1289 : vector<1x16xf32> to vector<16xf32>
        %add3A_1291 = arith.addf %add3A_1277, %get3A_1290 : vector<16xf32>
        %add3A_1292 = arith.constant 8 : i32
        %add3A_1293 = arith.addi %mul3A_330, %add3A_1292 : i32
        %get3A_1294 = arith.index_cast %add3A_1293 : i32 to index
        %get3A_1295 = arith.constant 48 : index
        %get3A_1296 = tpu.vector_load %arg17[%get3A_1294, %get3A_1295] {strides = array<i32>} : memref<320x64xf32, #tpu.memory_space<vmem>>, vector<1x16xf32>,
        %get3A_1297 = vector.shape_cast %get3A_1296 : vector<1x16xf32> to vector<16xf32>
        %add3A_1298 = arith.addf %add3A_1284, %get3A_1297 : vector<16xf32>
        %add3A_1299 = arith.constant 9 : i32
        %add3A_1300 = arith.addi %mul3A_330, %add3A_1299 : i32
        %get3A_1301 = arith.index_cast %add3A_1300 : i32 to index
        %get3A_1302 = arith.constant 48 : index
        %get3A_1303 = tpu.vector_load %arg15[%get3A_1301, %get3A_1302] {strides = array<i32>} : memref<320x64xf32, #tpu.memory_space<vmem>>, vector<1x16xf32>,
        %get3A_1304 = vector.shape_cast %get3A_1303 : vector<1x16xf32> to vector<16xf32>
        %add3A_1305 = arith.addf %add3A_1291, %get3A_1304 : vector<16xf32>
        %add3A_1306 = arith.constant 9 : i32
        %add3A_1307 = arith.addi %mul3A_330, %add3A_1306 : i32
        %get3A_1308 = arith.index_cast %add3A_1307 : i32 to index
        %get3A_1309 = arith.constant 48 : index
        %get3A_1310 = tpu.vector_load %arg17[%get3A_1308, %get3A_1309] {strides = array<i32>} : memref<320x64xf32, #tpu.memory_space<vmem>>, vector<1x16xf32>,
        %get3A_1311 = vector.shape_cast %get3A_1310 : vector<1x16xf32> to vector<16xf32>
        %add3A_1312 = arith.addf %add3A_1298, %get3A_1311 : vector<16xf32>
        %add3A_1313 = arith.constant 10 : i32
        %add3A_1314 = arith.addi %mul3A_330, %add3A_1313 : i32
        %get3A_1315 = arith.index_cast %add3A_1314 : i32 to index
        %get3A_1316 = arith.constant 48 : index
        %get3A_1317 = tpu.vector_load %arg15[%get3A_1315, %get3A_1316] {strides = array<i32>} : memref<320x64xf32, #tpu.memory_space<vmem>>, vector<1x16xf32>,
        %get3A_1318 = vector.shape_cast %get3A_1317 : vector<1x16xf32> to vector<16xf32>
        %add3A_1319 = arith.addf %add3A_1305, %get3A_1318 : vector<16xf32>
        %add3A_1320 = arith.constant 10 : i32
        %add3A_1321 = arith.addi %mul3A_330, %add3A_1320 : i32
        %get3A_1322 = arith.index_cast %add3A_1321 : i32 to index
        %get3A_1323 = arith.constant 48 : index
        %get3A_1324 = tpu.vector_load %arg17[%get3A_1322, %get3A_1323] {strides = array<i32>} : memref<320x64xf32, #tpu.memory_space<vmem>>, vector<1x16xf32>,
        %get3A_1325 = vector.shape_cast %get3A_1324 : vector<1x16xf32> to vector<16xf32>
        %add3A_1326 = arith.addf %add3A_1312, %get3A_1325 : vector<16xf32>
        %add3A_1327 = arith.constant 11 : i32
        %add3A_1328 = arith.addi %mul3A_330, %add3A_1327 : i32
        %get3A_1329 = arith.index_cast %add3A_1328 : i32 to index
        %get3A_1330 = arith.constant 48 : index
        %get3A_1331 = tpu.vector_load %arg15[%get3A_1329, %get3A_1330] {strides = array<i32>} : memref<320x64xf32, #tpu.memory_space<vmem>>, vector<1x16xf32>,
        %get3A_1332 = vector.shape_cast %get3A_1331 : vector<1x16xf32> to vector<16xf32>
        %add3A_1333 = arith.addf %add3A_1319, %get3A_1332 : vector<16xf32>
        %add3A_1334 = arith.constant 11 : i32
        %add3A_1335 = arith.addi %mul3A_330, %add3A_1334 : i32
        %get3A_1336 = arith.index_cast %add3A_1335 : i32 to index
        %get3A_1337 = arith.constant 48 : index
        %get3A_1338 = tpu.vector_load %arg17[%get3A_1336, %get3A_1337] {strides = array<i32>} : memref<320x64xf32, #tpu.memory_space<vmem>>, vector<1x16xf32>,
        %get3A_1339 = vector.shape_cast %get3A_1338 : vector<1x16xf32> to vector<16xf32>
        %add3A_1340 = arith.addf %add3A_1326, %get3A_1339 : vector<16xf32>
        %add3A_1341 = arith.constant 12 : i32
        %add3A_1342 = arith.addi %mul3A_330, %add3A_1341 : i32
        %get3A_1343 = arith.index_cast %add3A_1342 : i32 to index
        %get3A_1344 = arith.constant 48 : index
        %get3A_1345 = tpu.vector_load %arg15[%get3A_1343, %get3A_1344] {strides = array<i32>} : memref<320x64xf32, #tpu.memory_space<vmem>>, vector<1x16xf32>,
        %get3A_1346 = vector.shape_cast %get3A_1345 : vector<1x16xf32> to vector<16xf32>
        %add3A_1347 = arith.addf %add3A_1333, %get3A_1346 : vector<16xf32>
        %add3A_1348 = arith.constant 12 : i32
        %add3A_1349 = arith.addi %mul3A_330, %add3A_1348 : i32
        %get3A_1350 = arith.index_cast %add3A_1349 : i32 to index
        %get3A_1351 = arith.constant 48 : index
        %get3A_1352 = tpu.vector_load %arg17[%get3A_1350, %get3A_1351] {strides = array<i32>} : memref<320x64xf32, #tpu.memory_space<vmem>>, vector<1x16xf32>,
        %get3A_1353 = vector.shape_cast %get3A_1352 : vector<1x16xf32> to vector<16xf32>
        %add3A_1354 = arith.addf %add3A_1340, %get3A_1353 : vector<16xf32>
        %add3A_1355 = arith.constant 13 : i32
        %add3A_1356 = arith.addi %mul3A_330, %add3A_1355 : i32
        %get3A_1357 = arith.index_cast %add3A_1356 : i32 to index
        %get3A_1358 = arith.constant 48 : index
        %get3A_1359 = tpu.vector_load %arg15[%get3A_1357, %get3A_1358] {strides = array<i32>} : memref<320x64xf32, #tpu.memory_space<vmem>>, vector<1x16xf32>,
        %get3A_1360 = vector.shape_cast %get3A_1359 : vector<1x16xf32> to vector<16xf32>
        %add3A_1361 = arith.addf %add3A_1347, %get3A_1360 : vector<16xf32>
        %add3A_1362 = arith.constant 13 : i32
        %add3A_1363 = arith.addi %mul3A_330, %add3A_1362 : i32
        %get3A_1364 = arith.index_cast %add3A_1363 : i32 to index
        %get3A_1365 = arith.constant 48 : index
        %get3A_1366 = tpu.vector_load %arg17[%get3A_1364, %get3A_1365] {strides = array<i32>} : memref<320x64xf32, #tpu.memory_space<vmem>>, vector<1x16xf32>,
        %get3A_1367 = vector.shape_cast %get3A_1366 : vector<1x16xf32> to vector<16xf32>
        %add3A_1368 = arith.addf %add3A_1354, %get3A_1367 : vector<16xf32>
        %add3A_1369 = arith.constant 14 : i32
        %add3A_1370 = arith.addi %mul3A_330, %add3A_1369 : i32
        %get3A_1371 = arith.index_cast %add3A_1370 : i32 to index
        %get3A_1372 = arith.constant 48 : index
        %get3A_1373 = tpu.vector_load %arg15[%get3A_1371, %get3A_1372] {strides = array<i32>} : memref<320x64xf32, #tpu.memory_space<vmem>>, vector<1x16xf32>,
        %get3A_1374 = vector.shape_cast %get3A_1373 : vector<1x16xf32> to vector<16xf32>
        %add3A_1375 = arith.addf %add3A_1361, %get3A_1374 : vector<16xf32>
        %add3A_1376 = arith.constant 14 : i32
        %add3A_1377 = arith.addi %mul3A_330, %add3A_1376 : i32
        %get3A_1378 = arith.index_cast %add3A_1377 : i32 to index
        %get3A_1379 = arith.constant 48 : index
        %get3A_1380 = tpu.vector_load %arg17[%get3A_1378, %get3A_1379] {strides = array<i32>} : memref<320x64xf32, #tpu.memory_space<vmem>>, vector<1x16xf32>,
        %get3A_1381 = vector.shape_cast %get3A_1380 : vector<1x16xf32> to vector<16xf32>
        %add3A_1382 = arith.addf %add3A_1368, %get3A_1381 : vector<16xf32>
        %add3A_1383 = arith.constant 15 : i32
        %add3A_1384 = arith.addi %mul3A_330, %add3A_1383 : i32
        %get3A_1385 = arith.index_cast %add3A_1384 : i32 to index
        %get3A_1386 = arith.constant 48 : index
        %get3A_1387 = tpu.vector_load %arg15[%get3A_1385, %get3A_1386] {strides = array<i32>} : memref<320x64xf32, #tpu.memory_space<vmem>>, vector<1x16xf32>,
        %get3A_1388 = vector.shape_cast %get3A_1387 : vector<1x16xf32> to vector<16xf32>
        %add3A_1389 = arith.addf %add3A_1375, %get3A_1388 : vector<16xf32>
        %add3A_1390 = arith.constant 15 : i32
        %add3A_1391 = arith.addi %mul3A_330, %add3A_1390 : i32
        %get3A_1392 = arith.index_cast %add3A_1391 : i32 to index
        %get3A_1393 = arith.constant 48 : index
        %get3A_1394 = tpu.vector_load %arg17[%get3A_1392, %get3A_1393] {strides = array<i32>} : memref<320x64xf32, #tpu.memory_space<vmem>>, vector<1x16xf32>,
        %get3A_1395 = vector.shape_cast %get3A_1394 : vector<1x16xf32> to vector<16xf32>
        %add3A_1396 = arith.addf %add3A_1382, %get3A_1395 : vector<16xf32>
        %add3A_1397 = arith.constant 16 : i32
        %add3A_1398 = arith.addi %mul3A_330, %add3A_1397 : i32
        %get3A_1399 = arith.index_cast %add3A_1398 : i32 to index
        %get3A_1400 = arith.constant 48 : index
        %get3A_1401 = tpu.vector_load %arg15[%get3A_1399, %get3A_1400] {strides = array<i32>} : memref<320x64xf32, #tpu.memory_space<vmem>>, vector<1x16xf32>,
        %get3A_1402 = vector.shape_cast %get3A_1401 : vector<1x16xf32> to vector<16xf32>
        %add3A_1403 = arith.addf %add3A_1389, %get3A_1402 : vector<16xf32>
        %add3A_1404 = arith.constant 16 : i32
        %add3A_1405 = arith.addi %mul3A_330, %add3A_1404 : i32
        %get3A_1406 = arith.index_cast %add3A_1405 : i32 to index
        %get3A_1407 = arith.constant 48 : index
        %get3A_1408 = tpu.vector_load %arg17[%get3A_1406, %get3A_1407] {strides = array<i32>} : memref<320x64xf32, #tpu.memory_space<vmem>>, vector<1x16xf32>,
        %get3A_1409 = vector.shape_cast %get3A_1408 : vector<1x16xf32> to vector<16xf32>
        %add3A_1410 = arith.addf %add3A_1396, %get3A_1409 : vector<16xf32>
        %add3A_1411 = arith.constant 17 : i32
        %add3A_1412 = arith.addi %mul3A_330, %add3A_1411 : i32
        %get3A_1413 = arith.index_cast %add3A_1412 : i32 to index
        %get3A_1414 = arith.constant 48 : index
        %get3A_1415 = tpu.vector_load %arg15[%get3A_1413, %get3A_1414] {strides = array<i32>} : memref<320x64xf32, #tpu.memory_space<vmem>>, vector<1x16xf32>,
        %get3A_1416 = vector.shape_cast %get3A_1415 : vector<1x16xf32> to vector<16xf32>
        %add3A_1417 = arith.addf %add3A_1403, %get3A_1416 : vector<16xf32>
        %add3A_1418 = arith.constant 17 : i32
        %add3A_1419 = arith.addi %mul3A_330, %add3A_1418 : i32
        %get3A_1420 = arith.index_cast %add3A_1419 : i32 to index
        %get3A_1421 = arith.constant 48 : index
        %get3A_1422 = tpu.vector_load %arg17[%get3A_1420, %get3A_1421] {strides = array<i32>} : memref<320x64xf32, #tpu.memory_space<vmem>>, vector<1x16xf32>,
        %get3A_1423 = vector.shape_cast %get3A_1422 : vector<1x16xf32> to vector<16xf32>
        %add3A_1424 = arith.addf %add3A_1410, %get3A_1423 : vector<16xf32>
        %add3A_1425 = arith.constant 18 : i32
        %add3A_1426 = arith.addi %mul3A_330, %add3A_1425 : i32
        %get3A_1427 = arith.index_cast %add3A_1426 : i32 to index
        %get3A_1428 = arith.constant 48 : index
        %get3A_1429 = tpu.vector_load %arg15[%get3A_1427, %get3A_1428] {strides = array<i32>} : memref<320x64xf32, #tpu.memory_space<vmem>>, vector<1x16xf32>,
        %get3A_1430 = vector.shape_cast %get3A_1429 : vector<1x16xf32> to vector<16xf32>
        %add3A_1431 = arith.addf %add3A_1417, %get3A_1430 : vector<16xf32>
        %add3A_1432 = arith.constant 18 : i32
        %add3A_1433 = arith.addi %mul3A_330, %add3A_1432 : i32
        %get3A_1434 = arith.index_cast %add3A_1433 : i32 to index
        %get3A_1435 = arith.constant 48 : index
        %get3A_1436 = tpu.vector_load %arg17[%get3A_1434, %get3A_1435] {strides = array<i32>} : memref<320x64xf32, #tpu.memory_space<vmem>>, vector<1x16xf32>,
        %get3A_1437 = vector.shape_cast %get3A_1436 : vector<1x16xf32> to vector<16xf32>
        %add3A_1438 = arith.addf %add3A_1424, %get3A_1437 : vector<16xf32>
        %add3A_1439 = arith.constant 19 : i32
        %add3A_1440 = arith.addi %mul3A_330, %add3A_1439 : i32
        %get3A_1441 = arith.index_cast %add3A_1440 : i32 to index
        %get3A_1442 = arith.constant 48 : index
        %get3A_1443 = tpu.vector_load %arg15[%get3A_1441, %get3A_1442] {strides = array<i32>} : memref<320x64xf32, #tpu.memory_space<vmem>>, vector<1x16xf32>,
        %get3A_1444 = vector.shape_cast %get3A_1443 : vector<1x16xf32> to vector<16xf32>
        %add3A_1445 = arith.addf %add3A_1431, %get3A_1444 : vector<16xf32>
        %add3A_1446 = arith.constant 19 : i32
        %add3A_1447 = arith.addi %mul3A_330, %add3A_1446 : i32
        %get3A_1448 = arith.index_cast %add3A_1447 : i32 to index
        %get3A_1449 = arith.constant 48 : index
        %get3A_1450 = tpu.vector_load %arg17[%get3A_1448, %get3A_1449] {strides = array<i32>} : memref<320x64xf32, #tpu.memory_space<vmem>>, vector<1x16xf32>,
        %get3A_1451 = vector.shape_cast %get3A_1450 : vector<1x16xf32> to vector<16xf32>
        %add3A_1452 = arith.addf %add3A_1438, %get3A_1451 : vector<16xf32>
        %get3A_1453 = arith.index_cast %scan3A_327 : i32 to index
        %get3A_1454 = arith.constant 48 : index
        %get3A_1455 = tpu.vector_load %arg19[%get3A_1453, %get3A_1454] {strides = array<i32>} : memref<16x64xf32, #tpu.memory_space<vmem>>, vector<1x16xf32>,
        %get3A_1456 = vector.shape_cast %get3A_1455 : vector<1x16xf32> to vector<16xf32>
        %mul3A_1457 = arith.mulf %get3A_1456, %add3A_1445 : vector<16xf32>
        %add3A_1458 = arith.addf %add3A_1176, %mul3A_1457 : vector<16xf32>
        %mul3A_1459 = arith.mulf %get3A_1456, %add3A_1452 : vector<16xf32>
        %add3A_1460 = arith.addf %add3A_1178, %mul3A_1459 : vector<16xf32>
        %swap3A = arith.index_cast %scan3A_327 : i32 to index
        %swap3A_1461 = arith.constant 0 : index
        %swap3A_1462 = tpu.vector_load %arg21[%swap3A, %swap3A_1461] {strides = array<i32>} : memref<16x16xf32, #tpu.memory_space<vmem>>, vector<1x16xf32>,
        %swap3A_1463 = vector.shape_cast %swap3A_1462 : vector<1x16xf32> to vector<16xf32>
        %swap3A_1464 = vector.shape_cast %add3A_1458 : vector<16xf32> to vector<1x16xf32>
        tpu.vector_store %arg21[%swap3A, %swap3A_1461], %swap3A_1464 {strides = array<i32>} : memref<16x16xf32, #tpu.memory_space<vmem>>, vector<1x16xf32>,
        %swap3A_1465 = arith.index_cast %scan3A_327 : i32 to index
        %swap3A_1466 = arith.constant 0 : index
        %swap3A_1467 = tpu.vector_load %arg23[%swap3A_1465, %swap3A_1466] {strides = array<i32>} : memref<16x16xf32, #tpu.memory_space<vmem>>, vector<1x16xf32>,
        %swap3A_1468 = vector.shape_cast %swap3A_1467 : vector<1x16xf32> to vector<16xf32>
        %swap3A_1469 = vector.shape_cast %add3A_1460 : vector<16xf32> to vector<1x16xf32>
        tpu.vector_store %arg23[%swap3A_1465, %swap3A_1466], %swap3A_1469 {strides = array<i32>} : memref<16x16xf32, #tpu.memory_space<vmem>>, vector<1x16xf32>,
        %scan3A_1470 = arith.constant 0 : i32
        scf.yield %scan3A_1470 : i32
      }
      %scan3A_237 = arith.constant 16 : i32
      "tpu.region"() ({
        %run_scoped3A = tpu.sem_alloc : memref<!tpu.dma_semaphore, #tpu.memory_space<semaphore_mem>>
        %dma_start3A_327 = arith.constant 0 : i32
        %dma_start3A_328 = tpu.memref_slice %arg7[%add3A_164, %dma_start3A_327] : memref<16384x16xf32, #tpu.memory_space<hbm>> -> memref<16x16xf32, #tpu.memory_space<hbm>>
        %dma_start3A_329 = arith.constant 0 : i32
        %dma_start3A_330 = tpu.memref_slice %arg7[%add3A_164, %dma_start3A_329] : memref<16384x16xf32, #tpu.memory_space<hbm>> -> memref<16x16xf32, #tpu.memory_space<hbm>>
        tpu.enqueue_dma source(%arg21 : memref<16x16xf32, #tpu.memory_space<vmem>>) target(%dma_start3A_330 : memref<16x16xf32, #tpu.memory_space<hbm>>) target_semaphore(%run_scoped3A : memref<!tpu.dma_semaphore, #tpu.memory_space<semaphore_mem>>)
        %dma_wait3A_331 = arith.constant 0 : i32
        %dma_wait3A_332 = tpu.memref_slice %arg7[%add3A_164, %dma_wait3A_331] : memref<16384x16xf32, #tpu.memory_space<hbm>> -> memref<16x16xf32, #tpu.memory_space<hbm>>
        %dma_wait3A_333 = arith.constant 0 : i32
        %dma_wait3A_334 = tpu.memref_slice %arg7[%add3A_164, %dma_wait3A_333] : memref<16384x16xf32, #tpu.memory_space<hbm>> -> memref<16x16xf32, #tpu.memory_space<hbm>>
        tpu.wait_dma2 semaphore(%run_scoped3A : memref<!tpu.dma_semaphore, #tpu.memory_space<semaphore_mem>>) src(%arg21 : memref<16x16xf32, #tpu.memory_space<vmem>>) dst(%dma_wait3A_334 : memref<16x16xf32, #tpu.memory_space<hbm>>)
        tpu.yield
      }) : () -> ()
      "tpu.region"() ({
        %run_scoped3A = tpu.sem_alloc : memref<!tpu.dma_semaphore, #tpu.memory_space<semaphore_mem>>
        %dma_start3A_327 = arith.constant 0 : i32
        %dma_start3A_328 = tpu.memref_slice %arg8[%add3A_164, %dma_start3A_327] : memref<16384x16xf32, #tpu.memory_space<hbm>> -> memref<16x16xf32, #tpu.memory_space<hbm>>
        %dma_start3A_329 = arith.constant 0 : i32
        %dma_start3A_330 = tpu.memref_slice %arg8[%add3A_164, %dma_start3A_329] : memref<16384x16xf32, #tpu.memory_space<hbm>> -> memref<16x16xf32, #tpu.memory_space<hbm>>
        tpu.enqueue_dma source(%arg23 : memref<16x16xf32, #tpu.memory_space<vmem>>) target(%dma_start3A_330 : memref<16x16xf32, #tpu.memory_space<hbm>>) target_semaphore(%run_scoped3A : memref<!tpu.dma_semaphore, #tpu.memory_space<semaphore_mem>>)
        %dma_wait3A_331 = arith.constant 0 : i32
        %dma_wait3A_332 = tpu.memref_slice %arg8[%add3A_164, %dma_wait3A_331] : memref<16384x16xf32, #tpu.memory_space<hbm>> -> memref<16x16xf32, #tpu.memory_space<hbm>>
        %dma_wait3A_333 = arith.constant 0 : i32
        %dma_wait3A_334 = tpu.memref_slice %arg8[%add3A_164, %dma_wait3A_333] : memref<16384x16xf32, #tpu.memory_space<hbm>> -> memref<16x16xf32, #tpu.memory_space<hbm>>
        tpu.wait_dma2 semaphore(%run_scoped3A : memref<!tpu.dma_semaphore, #tpu.memory_space<semaphore_mem>>) src(%arg23 : memref<16x16xf32, #tpu.memory_space<vmem>>) dst(%dma_wait3A_334 : memref<16x16xf32, #tpu.memory_space<hbm>>)
        tpu.yield
      }) : () -> ()
      %lt3A = arith.constant 15 : i32
      %lt3A_238 = arith.cmpi slt, %scan3A_156, %lt3A : i32
      %convert_element_type3A = arith.extui %lt3A_238 : i1 to i32
      %cond3A = arith.constant 0 : i32
      %cond3A_239 = arith.cmpi ne, %convert_element_type3A, %cond3A : i32
      scf.if %cond3A_239 {
        %add3A_327 = arith.constant 2 : i32
        %add3A_328 = arith.addi %mul3A_159, %add3A_327 : i32
        %mul3A_329 = arith.constant 512 : i32
        %mul3A_330 = arith.muli %add3A, %mul3A_329 : i32
        %mul3A_331 = arith.constant 16 : i32
        %mul3A_332 = arith.muli %add3A_328, %mul3A_331 : i32
        %add3A_333 = arith.addi %mul3A_330, %mul3A_332 : i32
        %mul3A_334 = arith.constant 20 : i32
        %mul3A_335 = arith.muli %add3A_333, %mul3A_334 : i32
        "tpu.region"() ({
          %run_scoped3A = tpu.sem_alloc : memref<!tpu.dma_semaphore, #tpu.memory_space<semaphore_mem>>
          %dma_start3A_405 = tpu.memref_slice %arg3[%mul3A_335] : memref<327680xi32, #tpu.memory_space<hbm>> -> memref<320xi32, #tpu.memory_space<hbm>>
          %dma_start3A_406 = tpu.memref_slice %arg3[%mul3A_335] : memref<327680xi32, #tpu.memory_space<hbm>> -> memref<320xi32, #tpu.memory_space<hbm>>
          tpu.enqueue_dma source(%dma_start3A_406 : memref<320xi32, #tpu.memory_space<hbm>>) target(%arg9 : memref<320xi32, #tpu.memory_space<vmem>>) target_semaphore(%run_scoped3A : memref<!tpu.dma_semaphore, #tpu.memory_space<semaphore_mem>>)
          %dma_wait3A_407 = tpu.memref_slice %arg3[%mul3A_335] : memref<327680xi32, #tpu.memory_space<hbm>> -> memref<320xi32, #tpu.memory_space<hbm>>
          %dma_wait3A_408 = tpu.memref_slice %arg3[%mul3A_335] : memref<327680xi32, #tpu.memory_space<hbm>> -> memref<320xi32, #tpu.memory_space<hbm>>
          tpu.wait_dma2 semaphore(%run_scoped3A : memref<!tpu.dma_semaphore, #tpu.memory_space<semaphore_mem>>) src(%dma_wait3A_408 : memref<320xi32, #tpu.memory_space<hbm>>) dst(%arg9 : memref<320xi32, #tpu.memory_space<vmem>>)
          tpu.yield
        }) : () -> ()
        %mul3A_336 = arith.constant 20 : i32
        %mul3A_337 = arith.muli %add3A_333, %mul3A_336 : i32
        "tpu.region"() ({
          %run_scoped3A = tpu.sem_alloc : memref<!tpu.dma_semaphore, #tpu.memory_space<semaphore_mem>>
          %dma_start3A_405 = tpu.memref_slice %arg4[%mul3A_337] : memref<327680xi32, #tpu.memory_space<hbm>> -> memref<320xi32, #tpu.memory_space<hbm>>
          %dma_start3A_406 = tpu.memref_slice %arg4[%mul3A_337] : memref<327680xi32, #tpu.memory_space<hbm>> -> memref<320xi32, #tpu.memory_space<hbm>>
          tpu.enqueue_dma source(%dma_start3A_406 : memref<320xi32, #tpu.memory_space<hbm>>) target(%arg11 : memref<320xi32, #tpu.memory_space<vmem>>) target_semaphore(%run_scoped3A : memref<!tpu.dma_semaphore, #tpu.memory_space<semaphore_mem>>)
          %dma_wait3A_407 = tpu.memref_slice %arg4[%mul3A_337] : memref<327680xi32, #tpu.memory_space<hbm>> -> memref<320xi32, #tpu.memory_space<hbm>>
          %dma_wait3A_408 = tpu.memref_slice %arg4[%mul3A_337] : memref<327680xi32, #tpu.memory_space<hbm>> -> memref<320xi32, #tpu.memory_space<hbm>>
          tpu.wait_dma2 semaphore(%run_scoped3A : memref<!tpu.dma_semaphore, #tpu.memory_space<semaphore_mem>>) src(%dma_wait3A_408 : memref<320xi32, #tpu.memory_space<hbm>>) dst(%arg11 : memref<320xi32, #tpu.memory_space<vmem>>)
          tpu.yield
        }) : () -> ()
        "tpu.region"() ({
          %run_scoped3A = tpu.sem_alloc : memref<!tpu.dma_semaphore, #tpu.memory_space<semaphore_mem>>
          %dma_start3A_405 = tpu.memref_slice %arg2[%add3A_333] : memref<16384xi32, #tpu.memory_space<hbm>> -> memref<16xi32, #tpu.memory_space<hbm>>
          %dma_start3A_406 = tpu.memref_slice %arg2[%add3A_333] : memref<16384xi32, #tpu.memory_space<hbm>> -> memref<16xi32, #tpu.memory_space<hbm>>
          tpu.enqueue_dma source(%dma_start3A_406 : memref<16xi32, #tpu.memory_space<hbm>>) target(%arg13 : memref<16xi32, #tpu.memory_space<vmem>>) target_semaphore(%run_scoped3A : memref<!tpu.dma_semaphore, #tpu.memory_space<semaphore_mem>>)
          %dma_wait3A_407 = tpu.memref_slice %arg2[%add3A_333] : memref<16384xi32, #tpu.memory_space<hbm>> -> memref<16xi32, #tpu.memory_space<hbm>>
          %dma_wait3A_408 = tpu.memref_slice %arg2[%add3A_333] : memref<16384xi32, #tpu.memory_space<hbm>> -> memref<16xi32, #tpu.memory_space<hbm>>
          tpu.wait_dma2 semaphore(%run_scoped3A : memref<!tpu.dma_semaphore, #tpu.memory_space<semaphore_mem>>) src(%dma_wait3A_408 : memref<16xi32, #tpu.memory_space<hbm>>) dst(%arg13 : memref<16xi32, #tpu.memory_space<vmem>>)
          tpu.yield
        }) : () -> ()
        %dma_start3A_338 = arith.constant 0 : i32
        %dma_start3A_339 = arith.constant 0 : i32
        %dma_start3A_340 = tpu.memref_slice %arg15[%dma_start3A_338, %dma_start3A_339] : memref<320x64xf32, #tpu.memory_space<vmem>> -> memref<80x64xf32, #tpu.memory_space<vmem>>
        %dma_start3A_341 = arith.constant 0 : i32
        %dma_start3A_342 = tpu.memref_slice %arg9[%dma_start3A_341] : memref<320xi32, #tpu.memory_space<vmem>> -> memref<80xi32, #tpu.memory_space<vmem>>
        %dma_start3A_343 = arith.constant 0 : i32
        %dma_start3A_344 = arith.constant 0 : i32
        %dma_start3A_345 = tpu.memref_slice %arg6[%dma_start3A_343, %dma_start3A_344] : memref<100000x64xf32, #tpu.memory_space<hbm>> -> memref<100000x64xf32, #tpu.memory_space<hbm>>
        tpu.enqueue_indirect_dma source(%dma_start3A_345 : memref<100000x64xf32, #tpu.memory_space<hbm>>) target(%dma_start3A_340 : memref<80x64xf32, #tpu.memory_space<vmem>>) offsets(%dma_start3A_342 : memref<80xi32, #tpu.memory_space<vmem>>) semaphore(%arg25 : memref<!tpu.dma_semaphore, #tpu.memory_space<semaphore_mem>>)
        %dma_start3A_346 = arith.constant 0 : i32
        %dma_start3A_347 = arith.constant 0 : i32
        %dma_start3A_348 = tpu.memref_slice %arg17[%dma_start3A_346, %dma_start3A_347] : memref<320x64xf32, #tpu.memory_space<vmem>> -> memref<80x64xf32, #tpu.memory_space<vmem>>
        %dma_start3A_349 = arith.constant 0 : i32
        %dma_start3A_350 = tpu.memref_slice %arg11[%dma_start3A_349] : memref<320xi32, #tpu.memory_space<vmem>> -> memref<80xi32, #tpu.memory_space<vmem>>
        %dma_start3A_351 = arith.constant 0 : i32
        %dma_start3A_352 = arith.constant 0 : i32
        %dma_start3A_353 = tpu.memref_slice %arg6[%dma_start3A_351, %dma_start3A_352] : memref<100000x64xf32, #tpu.memory_space<hbm>> -> memref<100000x64xf32, #tpu.memory_space<hbm>>
        tpu.enqueue_indirect_dma source(%dma_start3A_353 : memref<100000x64xf32, #tpu.memory_space<hbm>>) target(%dma_start3A_348 : memref<80x64xf32, #tpu.memory_space<vmem>>) offsets(%dma_start3A_350 : memref<80xi32, #tpu.memory_space<vmem>>) semaphore(%arg25 : memref<!tpu.dma_semaphore, #tpu.memory_space<semaphore_mem>>)
        %dma_start3A_354 = arith.constant 80 : i32
        %dma_start3A_355 = arith.constant 0 : i32
        %dma_start3A_356 = tpu.memref_slice %arg15[%dma_start3A_354, %dma_start3A_355] : memref<320x64xf32, #tpu.memory_space<vmem>> -> memref<80x64xf32, #tpu.memory_space<vmem>>
        %dma_start3A_357 = arith.constant 80 : i32
        %dma_start3A_358 = tpu.memref_slice %arg9[%dma_start3A_357] : memref<320xi32, #tpu.memory_space<vmem>> -> memref<80xi32, #tpu.memory_space<vmem>>
        %dma_start3A_359 = arith.constant 0 : i32
        %dma_start3A_360 = arith.constant 0 : i32
        %dma_start3A_361 = tpu.memref_slice %arg6[%dma_start3A_359, %dma_start3A_360] : memref<100000x64xf32, #tpu.memory_space<hbm>> -> memref<100000x64xf32, #tpu.memory_space<hbm>>
        tpu.enqueue_indirect_dma source(%dma_start3A_361 : memref<100000x64xf32, #tpu.memory_space<hbm>>) target(%dma_start3A_356 : memref<80x64xf32, #tpu.memory_space<vmem>>) offsets(%dma_start3A_358 : memref<80xi32, #tpu.memory_space<vmem>>) semaphore(%arg25 : memref<!tpu.dma_semaphore, #tpu.memory_space<semaphore_mem>>)
        %dma_start3A_362 = arith.constant 80 : i32
        %dma_start3A_363 = arith.constant 0 : i32
        %dma_start3A_364 = tpu.memref_slice %arg17[%dma_start3A_362, %dma_start3A_363] : memref<320x64xf32, #tpu.memory_space<vmem>> -> memref<80x64xf32, #tpu.memory_space<vmem>>
        %dma_start3A_365 = arith.constant 80 : i32
        %dma_start3A_366 = tpu.memref_slice %arg11[%dma_start3A_365] : memref<320xi32, #tpu.memory_space<vmem>> -> memref<80xi32, #tpu.memory_space<vmem>>
        %dma_start3A_367 = arith.constant 0 : i32
        %dma_start3A_368 = arith.constant 0 : i32
        %dma_start3A_369 = tpu.memref_slice %arg6[%dma_start3A_367, %dma_start3A_368] : memref<100000x64xf32, #tpu.memory_space<hbm>> -> memref<100000x64xf32, #tpu.memory_space<hbm>>
        tpu.enqueue_indirect_dma source(%dma_start3A_369 : memref<100000x64xf32, #tpu.memory_space<hbm>>) target(%dma_start3A_364 : memref<80x64xf32, #tpu.memory_space<vmem>>) offsets(%dma_start3A_366 : memref<80xi32, #tpu.memory_space<vmem>>) semaphore(%arg25 : memref<!tpu.dma_semaphore, #tpu.memory_space<semaphore_mem>>)
        %dma_start3A_370 = arith.constant 160 : i32
        %dma_start3A_371 = arith.constant 0 : i32
        %dma_start3A_372 = tpu.memref_slice %arg15[%dma_start3A_370, %dma_start3A_371] : memref<320x64xf32, #tpu.memory_space<vmem>> -> memref<80x64xf32, #tpu.memory_space<vmem>>
        %dma_start3A_373 = arith.constant 160 : i32
        %dma_start3A_374 = tpu.memref_slice %arg9[%dma_start3A_373] : memref<320xi32, #tpu.memory_space<vmem>> -> memref<80xi32, #tpu.memory_space<vmem>>
        %dma_start3A_375 = arith.constant 0 : i32
        %dma_start3A_376 = arith.constant 0 : i32
        %dma_start3A_377 = tpu.memref_slice %arg6[%dma_start3A_375, %dma_start3A_376] : memref<100000x64xf32, #tpu.memory_space<hbm>> -> memref<100000x64xf32, #tpu.memory_space<hbm>>
        tpu.enqueue_indirect_dma source(%dma_start3A_377 : memref<100000x64xf32, #tpu.memory_space<hbm>>) target(%dma_start3A_372 : memref<80x64xf32, #tpu.memory_space<vmem>>) offsets(%dma_start3A_374 : memref<80xi32, #tpu.memory_space<vmem>>) semaphore(%arg25 : memref<!tpu.dma_semaphore, #tpu.memory_space<semaphore_mem>>)
        %dma_start3A_378 = arith.constant 160 : i32
        %dma_start3A_379 = arith.constant 0 : i32
        %dma_start3A_380 = tpu.memref_slice %arg17[%dma_start3A_378, %dma_start3A_379] : memref<320x64xf32, #tpu.memory_space<vmem>> -> memref<80x64xf32, #tpu.memory_space<vmem>>
        %dma_start3A_381 = arith.constant 160 : i32
        %dma_start3A_382 = tpu.memref_slice %arg11[%dma_start3A_381] : memref<320xi32, #tpu.memory_space<vmem>> -> memref<80xi32, #tpu.memory_space<vmem>>
        %dma_start3A_383 = arith.constant 0 : i32
        %dma_start3A_384 = arith.constant 0 : i32
        %dma_start3A_385 = tpu.memref_slice %arg6[%dma_start3A_383, %dma_start3A_384] : memref<100000x64xf32, #tpu.memory_space<hbm>> -> memref<100000x64xf32, #tpu.memory_space<hbm>>
        tpu.enqueue_indirect_dma source(%dma_start3A_385 : memref<100000x64xf32, #tpu.memory_space<hbm>>) target(%dma_start3A_380 : memref<80x64xf32, #tpu.memory_space<vmem>>) offsets(%dma_start3A_382 : memref<80xi32, #tpu.memory_space<vmem>>) semaphore(%arg25 : memref<!tpu.dma_semaphore, #tpu.memory_space<semaphore_mem>>)
        %dma_start3A_386 = arith.constant 240 : i32
        %dma_start3A_387 = arith.constant 0 : i32
        %dma_start3A_388 = tpu.memref_slice %arg15[%dma_start3A_386, %dma_start3A_387] : memref<320x64xf32, #tpu.memory_space<vmem>> -> memref<80x64xf32, #tpu.memory_space<vmem>>
        %dma_start3A_389 = arith.constant 240 : i32
        %dma_start3A_390 = tpu.memref_slice %arg9[%dma_start3A_389] : memref<320xi32, #tpu.memory_space<vmem>> -> memref<80xi32, #tpu.memory_space<vmem>>
        %dma_start3A_391 = arith.constant 0 : i32
        %dma_start3A_392 = arith.constant 0 : i32
        %dma_start3A_393 = tpu.memref_slice %arg6[%dma_start3A_391, %dma_start3A_392] : memref<100000x64xf32, #tpu.memory_space<hbm>> -> memref<100000x64xf32, #tpu.memory_space<hbm>>
        tpu.enqueue_indirect_dma source(%dma_start3A_393 : memref<100000x64xf32, #tpu.memory_space<hbm>>) target(%dma_start3A_388 : memref<80x64xf32, #tpu.memory_space<vmem>>) offsets(%dma_start3A_390 : memref<80xi32, #tpu.memory_space<vmem>>) semaphore(%arg25 : memref<!tpu.dma_semaphore, #tpu.memory_space<semaphore_mem>>)
        %dma_start3A_394 = arith.constant 240 : i32
        %dma_start3A_395 = arith.constant 0 : i32
        %dma_start3A_396 = tpu.memref_slice %arg17[%dma_start3A_394, %dma_start3A_395] : memref<320x64xf32, #tpu.memory_space<vmem>> -> memref<80x64xf32, #tpu.memory_space<vmem>>
        %dma_start3A_397 = arith.constant 240 : i32
        %dma_start3A_398 = tpu.memref_slice %arg11[%dma_start3A_397] : memref<320xi32, #tpu.memory_space<vmem>> -> memref<80xi32, #tpu.memory_space<vmem>>
        %dma_start3A_399 = arith.constant 0 : i32
        %dma_start3A_400 = arith.constant 0 : i32
        %dma_start3A_401 = tpu.memref_slice %arg6[%dma_start3A_399, %dma_start3A_400] : memref<100000x64xf32, #tpu.memory_space<hbm>> -> memref<100000x64xf32, #tpu.memory_space<hbm>>
        tpu.enqueue_indirect_dma source(%dma_start3A_401 : memref<100000x64xf32, #tpu.memory_space<hbm>>) target(%dma_start3A_396 : memref<80x64xf32, #tpu.memory_space<vmem>>) offsets(%dma_start3A_398 : memref<80xi32, #tpu.memory_space<vmem>>) semaphore(%arg25 : memref<!tpu.dma_semaphore, #tpu.memory_space<semaphore_mem>>)
        %dma_start3A_402 = arith.constant 0 : i32
        %dma_start3A_403 = arith.constant 0 : i32
        %dma_start3A_404 = tpu.memref_slice %arg5[%dma_start3A_402, %dma_start3A_403] : memref<100000x64xf32, #tpu.memory_space<hbm>> -> memref<100000x64xf32, #tpu.memory_space<hbm>>
        tpu.enqueue_indirect_dma source(%dma_start3A_404 : memref<100000x64xf32, #tpu.memory_space<hbm>>) target(%arg19 : memref<16x64xf32, #tpu.memory_space<vmem>>) offsets(%arg13 : memref<16xi32, #tpu.memory_space<vmem>>) semaphore(%arg25 : memref<!tpu.dma_semaphore, #tpu.memory_space<semaphore_mem>>)
      } else {
      }
      %add3A_240 = arith.constant 1 : i32
      %add3A_241 = arith.addi %mul3A_159, %add3A_240 : i32
      %mul3A_242 = arith.constant 512 : i32
      %mul3A_243 = arith.muli %add3A, %mul3A_242 : i32
      %mul3A_244 = arith.constant 16 : i32
      %mul3A_245 = arith.muli %add3A_241, %mul3A_244 : i32
      %add3A_246 = arith.addi %mul3A_243, %mul3A_245 : i32
      %dma_wait3A_247 = arith.constant 0 : i32
      %dma_wait3A_248 = arith.constant 0 : i32
      %dma_wait3A_249 = tpu.memref_slice %arg16[%dma_wait3A_247, %dma_wait3A_248] : memref<320x64xf32, #tpu.memory_space<vmem>> -> memref<80x64xf32, #tpu.memory_space<vmem>>
      %dma_wait3A_250 = arith.constant 0 : i32
      %dma_wait3A_251 = tpu.memref_slice %arg10[%dma_wait3A_250] : memref<320xi32, #tpu.memory_space<vmem>> -> memref<80xi32, #tpu.memory_space<vmem>>
      %dma_wait3A_252 = arith.constant 0 : i32
      %dma_wait3A_253 = arith.constant 0 : i32
      %dma_wait3A_254 = tpu.memref_slice %arg6[%dma_wait3A_252, %dma_wait3A_253] : memref<100000x64xf32, #tpu.memory_space<hbm>> -> memref<100000x64xf32, #tpu.memory_space<hbm>>
      tpu.wait_indirect_dma semaphore(%arg26 : memref<!tpu.dma_semaphore, #tpu.memory_space<semaphore_mem>>) src(%dma_wait3A_254 : memref<100000x64xf32, #tpu.memory_space<hbm>>) dst(%dma_wait3A_249 : memref<80x64xf32, #tpu.memory_space<vmem>>)
      %dma_wait3A_255 = arith.constant 0 : i32
      %dma_wait3A_256 = arith.constant 0 : i32
      %dma_wait3A_257 = tpu.memref_slice %arg18[%dma_wait3A_255, %dma_wait3A_256] : memref<320x64xf32, #tpu.memory_space<vmem>> -> memref<80x64xf32, #tpu.memory_space<vmem>>
      %dma_wait3A_258 = arith.constant 0 : i32
      %dma_wait3A_259 = tpu.memref_slice %arg12[%dma_wait3A_258] : memref<320xi32, #tpu.memory_space<vmem>> -> memref<80xi32, #tpu.memory_space<vmem>>
      %dma_wait3A_260 = arith.constant 0 : i32
      %dma_wait3A_261 = arith.constant 0 : i32
      %dma_wait3A_262 = tpu.memref_slice %arg6[%dma_wait3A_260, %dma_wait3A_261] : memref<100000x64xf32, #tpu.memory_space<hbm>> -> memref<100000x64xf32, #tpu.memory_space<hbm>>
      tpu.wait_indirect_dma semaphore(%arg26 : memref<!tpu.dma_semaphore, #tpu.memory_space<semaphore_mem>>) src(%dma_wait3A_262 : memref<100000x64xf32, #tpu.memory_space<hbm>>) dst(%dma_wait3A_257 : memref<80x64xf32, #tpu.memory_space<vmem>>)
      %dma_wait3A_263 = arith.constant 80 : i32
      %dma_wait3A_264 = arith.constant 0 : i32
      %dma_wait3A_265 = tpu.memref_slice %arg16[%dma_wait3A_263, %dma_wait3A_264] : memref<320x64xf32, #tpu.memory_space<vmem>> -> memref<80x64xf32, #tpu.memory_space<vmem>>
      %dma_wait3A_266 = arith.constant 80 : i32
      %dma_wait3A_267 = tpu.memref_slice %arg10[%dma_wait3A_266] : memref<320xi32, #tpu.memory_space<vmem>> -> memref<80xi32, #tpu.memory_space<vmem>>
      %dma_wait3A_268 = arith.constant 0 : i32
      %dma_wait3A_269 = arith.constant 0 : i32
      %dma_wait3A_270 = tpu.memref_slice %arg6[%dma_wait3A_268, %dma_wait3A_269] : memref<100000x64xf32, #tpu.memory_space<hbm>> -> memref<100000x64xf32, #tpu.memory_space<hbm>>
      tpu.wait_indirect_dma semaphore(%arg26 : memref<!tpu.dma_semaphore, #tpu.memory_space<semaphore_mem>>) src(%dma_wait3A_270 : memref<100000x64xf32, #tpu.memory_space<hbm>>) dst(%dma_wait3A_265 : memref<80x64xf32, #tpu.memory_space<vmem>>)
      %dma_wait3A_271 = arith.constant 80 : i32
      %dma_wait3A_272 = arith.constant 0 : i32
      %dma_wait3A_273 = tpu.memref_slice %arg18[%dma_wait3A_271, %dma_wait3A_272] : memref<320x64xf32, #tpu.memory_space<vmem>> -> memref<80x64xf32, #tpu.memory_space<vmem>>
      %dma_wait3A_274 = arith.constant 80 : i32
      %dma_wait3A_275 = tpu.memref_slice %arg12[%dma_wait3A_274] : memref<320xi32, #tpu.memory_space<vmem>> -> memref<80xi32, #tpu.memory_space<vmem>>
      %dma_wait3A_276 = arith.constant 0 : i32
      %dma_wait3A_277 = arith.constant 0 : i32
      %dma_wait3A_278 = tpu.memref_slice %arg6[%dma_wait3A_276, %dma_wait3A_277] : memref<100000x64xf32, #tpu.memory_space<hbm>> -> memref<100000x64xf32, #tpu.memory_space<hbm>>
      tpu.wait_indirect_dma semaphore(%arg26 : memref<!tpu.dma_semaphore, #tpu.memory_space<semaphore_mem>>) src(%dma_wait3A_278 : memref<100000x64xf32, #tpu.memory_space<hbm>>) dst(%dma_wait3A_273 : memref<80x64xf32, #tpu.memory_space<vmem>>)
      %dma_wait3A_279 = arith.constant 160 : i32
      %dma_wait3A_280 = arith.constant 0 : i32
      %dma_wait3A_281 = tpu.memref_slice %arg16[%dma_wait3A_279, %dma_wait3A_280] : memref<320x64xf32, #tpu.memory_space<vmem>> -> memref<80x64xf32, #tpu.memory_space<vmem>>
      %dma_wait3A_282 = arith.constant 160 : i32
      %dma_wait3A_283 = tpu.memref_slice %arg10[%dma_wait3A_282] : memref<320xi32, #tpu.memory_space<vmem>> -> memref<80xi32, #tpu.memory_space<vmem>>
      %dma_wait3A_284 = arith.constant 0 : i32
      %dma_wait3A_285 = arith.constant 0 : i32
      %dma_wait3A_286 = tpu.memref_slice %arg6[%dma_wait3A_284, %dma_wait3A_285] : memref<100000x64xf32, #tpu.memory_space<hbm>> -> memref<100000x64xf32, #tpu.memory_space<hbm>>
      tpu.wait_indirect_dma semaphore(%arg26 : memref<!tpu.dma_semaphore, #tpu.memory_space<semaphore_mem>>) src(%dma_wait3A_286 : memref<100000x64xf32, #tpu.memory_space<hbm>>) dst(%dma_wait3A_281 : memref<80x64xf32, #tpu.memory_space<vmem>>)
      %dma_wait3A_287 = arith.constant 160 : i32
      %dma_wait3A_288 = arith.constant 0 : i32
      %dma_wait3A_289 = tpu.memref_slice %arg18[%dma_wait3A_287, %dma_wait3A_288] : memref<320x64xf32, #tpu.memory_space<vmem>> -> memref<80x64xf32, #tpu.memory_space<vmem>>
      %dma_wait3A_290 = arith.constant 160 : i32
      %dma_wait3A_291 = tpu.memref_slice %arg12[%dma_wait3A_290] : memref<320xi32, #tpu.memory_space<vmem>> -> memref<80xi32, #tpu.memory_space<vmem>>
      %dma_wait3A_292 = arith.constant 0 : i32
      %dma_wait3A_293 = arith.constant 0 : i32
      %dma_wait3A_294 = tpu.memref_slice %arg6[%dma_wait3A_292, %dma_wait3A_293] : memref<100000x64xf32, #tpu.memory_space<hbm>> -> memref<100000x64xf32, #tpu.memory_space<hbm>>
      tpu.wait_indirect_dma semaphore(%arg26 : memref<!tpu.dma_semaphore, #tpu.memory_space<semaphore_mem>>) src(%dma_wait3A_294 : memref<100000x64xf32, #tpu.memory_space<hbm>>) dst(%dma_wait3A_289 : memref<80x64xf32, #tpu.memory_space<vmem>>)
      %dma_wait3A_295 = arith.constant 240 : i32
      %dma_wait3A_296 = arith.constant 0 : i32
      %dma_wait3A_297 = tpu.memref_slice %arg16[%dma_wait3A_295, %dma_wait3A_296] : memref<320x64xf32, #tpu.memory_space<vmem>> -> memref<80x64xf32, #tpu.memory_space<vmem>>
      %dma_wait3A_298 = arith.constant 240 : i32
      %dma_wait3A_299 = tpu.memref_slice %arg10[%dma_wait3A_298] : memref<320xi32, #tpu.memory_space<vmem>> -> memref<80xi32, #tpu.memory_space<vmem>>
      %dma_wait3A_300 = arith.constant 0 : i32
      %dma_wait3A_301 = arith.constant 0 : i32
      %dma_wait3A_302 = tpu.memref_slice %arg6[%dma_wait3A_300, %dma_wait3A_301] : memref<100000x64xf32, #tpu.memory_space<hbm>> -> memref<100000x64xf32, #tpu.memory_space<hbm>>
      tpu.wait_indirect_dma semaphore(%arg26 : memref<!tpu.dma_semaphore, #tpu.memory_space<semaphore_mem>>) src(%dma_wait3A_302 : memref<100000x64xf32, #tpu.memory_space<hbm>>) dst(%dma_wait3A_297 : memref<80x64xf32, #tpu.memory_space<vmem>>)
      %dma_wait3A_303 = arith.constant 240 : i32
      %dma_wait3A_304 = arith.constant 0 : i32
      %dma_wait3A_305 = tpu.memref_slice %arg18[%dma_wait3A_303, %dma_wait3A_304] : memref<320x64xf32, #tpu.memory_space<vmem>> -> memref<80x64xf32, #tpu.memory_space<vmem>>
      %dma_wait3A_306 = arith.constant 240 : i32
      %dma_wait3A_307 = tpu.memref_slice %arg12[%dma_wait3A_306] : memref<320xi32, #tpu.memory_space<vmem>> -> memref<80xi32, #tpu.memory_space<vmem>>
      %dma_wait3A_308 = arith.constant 0 : i32
      %dma_wait3A_309 = arith.constant 0 : i32
      %dma_wait3A_310 = tpu.memref_slice %arg6[%dma_wait3A_308, %dma_wait3A_309] : memref<100000x64xf32, #tpu.memory_space<hbm>> -> memref<100000x64xf32, #tpu.memory_space<hbm>>
      tpu.wait_indirect_dma semaphore(%arg26 : memref<!tpu.dma_semaphore, #tpu.memory_space<semaphore_mem>>) src(%dma_wait3A_310 : memref<100000x64xf32, #tpu.memory_space<hbm>>) dst(%dma_wait3A_305 : memref<80x64xf32, #tpu.memory_space<vmem>>)
      %dma_wait3A_311 = arith.constant 0 : i32
      %dma_wait3A_312 = arith.constant 0 : i32
      %dma_wait3A_313 = tpu.memref_slice %arg5[%dma_wait3A_311, %dma_wait3A_312] : memref<100000x64xf32, #tpu.memory_space<hbm>> -> memref<100000x64xf32, #tpu.memory_space<hbm>>
      tpu.wait_indirect_dma semaphore(%arg26 : memref<!tpu.dma_semaphore, #tpu.memory_space<semaphore_mem>>) src(%dma_wait3A_313 : memref<100000x64xf32, #tpu.memory_space<hbm>>) dst(%arg20 : memref<16x64xf32, #tpu.memory_space<vmem>>)
      %scan3A_314 = arith.constant 0 : i32
      %scan3A_315 = arith.constant 0 : i32
      %scan3A_316 = arith.constant 16 : i32
      %scan3A_317 = arith.addi %scan3A_315, %scan3A_316 : i32
      %scan3A_318 = arith.constant 1 : i32
      %scan3A_319 = scf.for %scan3A_327 = %scan3A_315 to %scan3A_317 step %scan3A_318 iter_args(%scan3A_328 = %scan3A_314) -> (i32)  : i32 {
        %mul3A_329 = arith.constant 20 : i32
        %mul3A_330 = arith.muli %scan3A_327, %mul3A_329 : i32
        %broadcast_in_dim3A = arith.constant 0.000000e+00 : f32
        %broadcast_in_dim3A_331 = vector.broadcast %broadcast_in_dim3A : f32 to vector<16xf32>
        %broadcast_in_dim3A_332 = arith.constant 0.000000e+00 : f32
        %broadcast_in_dim3A_333 = vector.broadcast %broadcast_in_dim3A_332 : f32 to vector<16xf32>
        %get3A = arith.index_cast %mul3A_330 : i32 to index
        %get3A_334 = arith.constant 0 : index
        %get3A_335 = tpu.vector_load %arg16[%get3A, %get3A_334] {strides = array<i32>} : memref<320x64xf32, #tpu.memory_space<vmem>>, vector<1x16xf32>,
        %get3A_336 = vector.shape_cast %get3A_335 : vector<1x16xf32> to vector<16xf32>
        %get3A_337 = arith.index_cast %mul3A_330 : i32 to index
        %get3A_338 = arith.constant 0 : index
        %get3A_339 = tpu.vector_load %arg18[%get3A_337, %get3A_338] {strides = array<i32>} : memref<320x64xf32, #tpu.memory_space<vmem>>, vector<1x16xf32>,
        %get3A_340 = vector.shape_cast %get3A_339 : vector<1x16xf32> to vector<16xf32>
        %add3A_341 = arith.constant 1 : i32
        %add3A_342 = arith.addi %mul3A_330, %add3A_341 : i32
        %get3A_343 = arith.index_cast %add3A_342 : i32 to index
        %get3A_344 = arith.constant 0 : index
        %get3A_345 = tpu.vector_load %arg16[%get3A_343, %get3A_344] {strides = array<i32>} : memref<320x64xf32, #tpu.memory_space<vmem>>, vector<1x16xf32>,
        %get3A_346 = vector.shape_cast %get3A_345 : vector<1x16xf32> to vector<16xf32>
        %add3A_347 = arith.addf %get3A_336, %get3A_346 : vector<16xf32>
        %add3A_348 = arith.constant 1 : i32
        %add3A_349 = arith.addi %mul3A_330, %add3A_348 : i32
        %get3A_350 = arith.index_cast %add3A_349 : i32 to index
        %get3A_351 = arith.constant 0 : index
        %get3A_352 = tpu.vector_load %arg18[%get3A_350, %get3A_351] {strides = array<i32>} : memref<320x64xf32, #tpu.memory_space<vmem>>, vector<1x16xf32>,
        %get3A_353 = vector.shape_cast %get3A_352 : vector<1x16xf32> to vector<16xf32>
        %add3A_354 = arith.addf %get3A_340, %get3A_353 : vector<16xf32>
        %add3A_355 = arith.constant 2 : i32
        %add3A_356 = arith.addi %mul3A_330, %add3A_355 : i32
        %get3A_357 = arith.index_cast %add3A_356 : i32 to index
        %get3A_358 = arith.constant 0 : index
        %get3A_359 = tpu.vector_load %arg16[%get3A_357, %get3A_358] {strides = array<i32>} : memref<320x64xf32, #tpu.memory_space<vmem>>, vector<1x16xf32>,
        %get3A_360 = vector.shape_cast %get3A_359 : vector<1x16xf32> to vector<16xf32>
        %add3A_361 = arith.addf %add3A_347, %get3A_360 : vector<16xf32>
        %add3A_362 = arith.constant 2 : i32
        %add3A_363 = arith.addi %mul3A_330, %add3A_362 : i32
        %get3A_364 = arith.index_cast %add3A_363 : i32 to index
        %get3A_365 = arith.constant 0 : index
        %get3A_366 = tpu.vector_load %arg18[%get3A_364, %get3A_365] {strides = array<i32>} : memref<320x64xf32, #tpu.memory_space<vmem>>, vector<1x16xf32>,
        %get3A_367 = vector.shape_cast %get3A_366 : vector<1x16xf32> to vector<16xf32>
        %add3A_368 = arith.addf %add3A_354, %get3A_367 : vector<16xf32>
        %add3A_369 = arith.constant 3 : i32
        %add3A_370 = arith.addi %mul3A_330, %add3A_369 : i32
        %get3A_371 = arith.index_cast %add3A_370 : i32 to index
        %get3A_372 = arith.constant 0 : index
        %get3A_373 = tpu.vector_load %arg16[%get3A_371, %get3A_372] {strides = array<i32>} : memref<320x64xf32, #tpu.memory_space<vmem>>, vector<1x16xf32>,
        %get3A_374 = vector.shape_cast %get3A_373 : vector<1x16xf32> to vector<16xf32>
        %add3A_375 = arith.addf %add3A_361, %get3A_374 : vector<16xf32>
        %add3A_376 = arith.constant 3 : i32
        %add3A_377 = arith.addi %mul3A_330, %add3A_376 : i32
        %get3A_378 = arith.index_cast %add3A_377 : i32 to index
        %get3A_379 = arith.constant 0 : index
        %get3A_380 = tpu.vector_load %arg18[%get3A_378, %get3A_379] {strides = array<i32>} : memref<320x64xf32, #tpu.memory_space<vmem>>, vector<1x16xf32>,
        %get3A_381 = vector.shape_cast %get3A_380 : vector<1x16xf32> to vector<16xf32>
        %add3A_382 = arith.addf %add3A_368, %get3A_381 : vector<16xf32>
        %add3A_383 = arith.constant 4 : i32
        %add3A_384 = arith.addi %mul3A_330, %add3A_383 : i32
        %get3A_385 = arith.index_cast %add3A_384 : i32 to index
        %get3A_386 = arith.constant 0 : index
        %get3A_387 = tpu.vector_load %arg16[%get3A_385, %get3A_386] {strides = array<i32>} : memref<320x64xf32, #tpu.memory_space<vmem>>, vector<1x16xf32>,
        %get3A_388 = vector.shape_cast %get3A_387 : vector<1x16xf32> to vector<16xf32>
        %add3A_389 = arith.addf %add3A_375, %get3A_388 : vector<16xf32>
        %add3A_390 = arith.constant 4 : i32
        %add3A_391 = arith.addi %mul3A_330, %add3A_390 : i32
        %get3A_392 = arith.index_cast %add3A_391 : i32 to index
        %get3A_393 = arith.constant 0 : index
        %get3A_394 = tpu.vector_load %arg18[%get3A_392, %get3A_393] {strides = array<i32>} : memref<320x64xf32, #tpu.memory_space<vmem>>, vector<1x16xf32>,
        %get3A_395 = vector.shape_cast %get3A_394 : vector<1x16xf32> to vector<16xf32>
        %add3A_396 = arith.addf %add3A_382, %get3A_395 : vector<16xf32>
        %add3A_397 = arith.constant 5 : i32
        %add3A_398 = arith.addi %mul3A_330, %add3A_397 : i32
        %get3A_399 = arith.index_cast %add3A_398 : i32 to index
        %get3A_400 = arith.constant 0 : index
        %get3A_401 = tpu.vector_load %arg16[%get3A_399, %get3A_400] {strides = array<i32>} : memref<320x64xf32, #tpu.memory_space<vmem>>, vector<1x16xf32>,
        %get3A_402 = vector.shape_cast %get3A_401 : vector<1x16xf32> to vector<16xf32>
        %add3A_403 = arith.addf %add3A_389, %get3A_402 : vector<16xf32>
        %add3A_404 = arith.constant 5 : i32
        %add3A_405 = arith.addi %mul3A_330, %add3A_404 : i32
        %get3A_406 = arith.index_cast %add3A_405 : i32 to index
        %get3A_407 = arith.constant 0 : index
        %get3A_408 = tpu.vector_load %arg18[%get3A_406, %get3A_407] {strides = array<i32>} : memref<320x64xf32, #tpu.memory_space<vmem>>, vector<1x16xf32>,
        %get3A_409 = vector.shape_cast %get3A_408 : vector<1x16xf32> to vector<16xf32>
        %add3A_410 = arith.addf %add3A_396, %get3A_409 : vector<16xf32>
        %add3A_411 = arith.constant 6 : i32
        %add3A_412 = arith.addi %mul3A_330, %add3A_411 : i32
        %get3A_413 = arith.index_cast %add3A_412 : i32 to index
        %get3A_414 = arith.constant 0 : index
        %get3A_415 = tpu.vector_load %arg16[%get3A_413, %get3A_414] {strides = array<i32>} : memref<320x64xf32, #tpu.memory_space<vmem>>, vector<1x16xf32>,
        %get3A_416 = vector.shape_cast %get3A_415 : vector<1x16xf32> to vector<16xf32>
        %add3A_417 = arith.addf %add3A_403, %get3A_416 : vector<16xf32>
        %add3A_418 = arith.constant 6 : i32
        %add3A_419 = arith.addi %mul3A_330, %add3A_418 : i32
        %get3A_420 = arith.index_cast %add3A_419 : i32 to index
        %get3A_421 = arith.constant 0 : index
        %get3A_422 = tpu.vector_load %arg18[%get3A_420, %get3A_421] {strides = array<i32>} : memref<320x64xf32, #tpu.memory_space<vmem>>, vector<1x16xf32>,
        %get3A_423 = vector.shape_cast %get3A_422 : vector<1x16xf32> to vector<16xf32>
        %add3A_424 = arith.addf %add3A_410, %get3A_423 : vector<16xf32>
        %add3A_425 = arith.constant 7 : i32
        %add3A_426 = arith.addi %mul3A_330, %add3A_425 : i32
        %get3A_427 = arith.index_cast %add3A_426 : i32 to index
        %get3A_428 = arith.constant 0 : index
        %get3A_429 = tpu.vector_load %arg16[%get3A_427, %get3A_428] {strides = array<i32>} : memref<320x64xf32, #tpu.memory_space<vmem>>, vector<1x16xf32>,
        %get3A_430 = vector.shape_cast %get3A_429 : vector<1x16xf32> to vector<16xf32>
        %add3A_431 = arith.addf %add3A_417, %get3A_430 : vector<16xf32>
        %add3A_432 = arith.constant 7 : i32
        %add3A_433 = arith.addi %mul3A_330, %add3A_432 : i32
        %get3A_434 = arith.index_cast %add3A_433 : i32 to index
        %get3A_435 = arith.constant 0 : index
        %get3A_436 = tpu.vector_load %arg18[%get3A_434, %get3A_435] {strides = array<i32>} : memref<320x64xf32, #tpu.memory_space<vmem>>, vector<1x16xf32>,
        %get3A_437 = vector.shape_cast %get3A_436 : vector<1x16xf32> to vector<16xf32>
        %add3A_438 = arith.addf %add3A_424, %get3A_437 : vector<16xf32>
        %add3A_439 = arith.constant 8 : i32
        %add3A_440 = arith.addi %mul3A_330, %add3A_439 : i32
        %get3A_441 = arith.index_cast %add3A_440 : i32 to index
        %get3A_442 = arith.constant 0 : index
        %get3A_443 = tpu.vector_load %arg16[%get3A_441, %get3A_442] {strides = array<i32>} : memref<320x64xf32, #tpu.memory_space<vmem>>, vector<1x16xf32>,
        %get3A_444 = vector.shape_cast %get3A_443 : vector<1x16xf32> to vector<16xf32>
        %add3A_445 = arith.addf %add3A_431, %get3A_444 : vector<16xf32>
        %add3A_446 = arith.constant 8 : i32
        %add3A_447 = arith.addi %mul3A_330, %add3A_446 : i32
        %get3A_448 = arith.index_cast %add3A_447 : i32 to index
        %get3A_449 = arith.constant 0 : index
        %get3A_450 = tpu.vector_load %arg18[%get3A_448, %get3A_449] {strides = array<i32>} : memref<320x64xf32, #tpu.memory_space<vmem>>, vector<1x16xf32>,
        %get3A_451 = vector.shape_cast %get3A_450 : vector<1x16xf32> to vector<16xf32>
        %add3A_452 = arith.addf %add3A_438, %get3A_451 : vector<16xf32>
        %add3A_453 = arith.constant 9 : i32
        %add3A_454 = arith.addi %mul3A_330, %add3A_453 : i32
        %get3A_455 = arith.index_cast %add3A_454 : i32 to index
        %get3A_456 = arith.constant 0 : index
        %get3A_457 = tpu.vector_load %arg16[%get3A_455, %get3A_456] {strides = array<i32>} : memref<320x64xf32, #tpu.memory_space<vmem>>, vector<1x16xf32>,
        %get3A_458 = vector.shape_cast %get3A_457 : vector<1x16xf32> to vector<16xf32>
        %add3A_459 = arith.addf %add3A_445, %get3A_458 : vector<16xf32>
        %add3A_460 = arith.constant 9 : i32
        %add3A_461 = arith.addi %mul3A_330, %add3A_460 : i32
        %get3A_462 = arith.index_cast %add3A_461 : i32 to index
        %get3A_463 = arith.constant 0 : index
        %get3A_464 = tpu.vector_load %arg18[%get3A_462, %get3A_463] {strides = array<i32>} : memref<320x64xf32, #tpu.memory_space<vmem>>, vector<1x16xf32>,
        %get3A_465 = vector.shape_cast %get3A_464 : vector<1x16xf32> to vector<16xf32>
        %add3A_466 = arith.addf %add3A_452, %get3A_465 : vector<16xf32>
        %add3A_467 = arith.constant 10 : i32
        %add3A_468 = arith.addi %mul3A_330, %add3A_467 : i32
        %get3A_469 = arith.index_cast %add3A_468 : i32 to index
        %get3A_470 = arith.constant 0 : index
        %get3A_471 = tpu.vector_load %arg16[%get3A_469, %get3A_470] {strides = array<i32>} : memref<320x64xf32, #tpu.memory_space<vmem>>, vector<1x16xf32>,
        %get3A_472 = vector.shape_cast %get3A_471 : vector<1x16xf32> to vector<16xf32>
        %add3A_473 = arith.addf %add3A_459, %get3A_472 : vector<16xf32>
        %add3A_474 = arith.constant 10 : i32
        %add3A_475 = arith.addi %mul3A_330, %add3A_474 : i32
        %get3A_476 = arith.index_cast %add3A_475 : i32 to index
        %get3A_477 = arith.constant 0 : index
        %get3A_478 = tpu.vector_load %arg18[%get3A_476, %get3A_477] {strides = array<i32>} : memref<320x64xf32, #tpu.memory_space<vmem>>, vector<1x16xf32>,
        %get3A_479 = vector.shape_cast %get3A_478 : vector<1x16xf32> to vector<16xf32>
        %add3A_480 = arith.addf %add3A_466, %get3A_479 : vector<16xf32>
        %add3A_481 = arith.constant 11 : i32
        %add3A_482 = arith.addi %mul3A_330, %add3A_481 : i32
        %get3A_483 = arith.index_cast %add3A_482 : i32 to index
        %get3A_484 = arith.constant 0 : index
        %get3A_485 = tpu.vector_load %arg16[%get3A_483, %get3A_484] {strides = array<i32>} : memref<320x64xf32, #tpu.memory_space<vmem>>, vector<1x16xf32>,
        %get3A_486 = vector.shape_cast %get3A_485 : vector<1x16xf32> to vector<16xf32>
        %add3A_487 = arith.addf %add3A_473, %get3A_486 : vector<16xf32>
        %add3A_488 = arith.constant 11 : i32
        %add3A_489 = arith.addi %mul3A_330, %add3A_488 : i32
        %get3A_490 = arith.index_cast %add3A_489 : i32 to index
        %get3A_491 = arith.constant 0 : index
        %get3A_492 = tpu.vector_load %arg18[%get3A_490, %get3A_491] {strides = array<i32>} : memref<320x64xf32, #tpu.memory_space<vmem>>, vector<1x16xf32>,
        %get3A_493 = vector.shape_cast %get3A_492 : vector<1x16xf32> to vector<16xf32>
        %add3A_494 = arith.addf %add3A_480, %get3A_493 : vector<16xf32>
        %add3A_495 = arith.constant 12 : i32
        %add3A_496 = arith.addi %mul3A_330, %add3A_495 : i32
        %get3A_497 = arith.index_cast %add3A_496 : i32 to index
        %get3A_498 = arith.constant 0 : index
        %get3A_499 = tpu.vector_load %arg16[%get3A_497, %get3A_498] {strides = array<i32>} : memref<320x64xf32, #tpu.memory_space<vmem>>, vector<1x16xf32>,
        %get3A_500 = vector.shape_cast %get3A_499 : vector<1x16xf32> to vector<16xf32>
        %add3A_501 = arith.addf %add3A_487, %get3A_500 : vector<16xf32>
        %add3A_502 = arith.constant 12 : i32
        %add3A_503 = arith.addi %mul3A_330, %add3A_502 : i32
        %get3A_504 = arith.index_cast %add3A_503 : i32 to index
        %get3A_505 = arith.constant 0 : index
        %get3A_506 = tpu.vector_load %arg18[%get3A_504, %get3A_505] {strides = array<i32>} : memref<320x64xf32, #tpu.memory_space<vmem>>, vector<1x16xf32>,
        %get3A_507 = vector.shape_cast %get3A_506 : vector<1x16xf32> to vector<16xf32>
        %add3A_508 = arith.addf %add3A_494, %get3A_507 : vector<16xf32>
        %add3A_509 = arith.constant 13 : i32
        %add3A_510 = arith.addi %mul3A_330, %add3A_509 : i32
        %get3A_511 = arith.index_cast %add3A_510 : i32 to index
        %get3A_512 = arith.constant 0 : index
        %get3A_513 = tpu.vector_load %arg16[%get3A_511, %get3A_512] {strides = array<i32>} : memref<320x64xf32, #tpu.memory_space<vmem>>, vector<1x16xf32>,
        %get3A_514 = vector.shape_cast %get3A_513 : vector<1x16xf32> to vector<16xf32>
        %add3A_515 = arith.addf %add3A_501, %get3A_514 : vector<16xf32>
        %add3A_516 = arith.constant 13 : i32
        %add3A_517 = arith.addi %mul3A_330, %add3A_516 : i32
        %get3A_518 = arith.index_cast %add3A_517 : i32 to index
        %get3A_519 = arith.constant 0 : index
        %get3A_520 = tpu.vector_load %arg18[%get3A_518, %get3A_519] {strides = array<i32>} : memref<320x64xf32, #tpu.memory_space<vmem>>, vector<1x16xf32>,
        %get3A_521 = vector.shape_cast %get3A_520 : vector<1x16xf32> to vector<16xf32>
        %add3A_522 = arith.addf %add3A_508, %get3A_521 : vector<16xf32>
        %add3A_523 = arith.constant 14 : i32
        %add3A_524 = arith.addi %mul3A_330, %add3A_523 : i32
        %get3A_525 = arith.index_cast %add3A_524 : i32 to index
        %get3A_526 = arith.constant 0 : index
        %get3A_527 = tpu.vector_load %arg16[%get3A_525, %get3A_526] {strides = array<i32>} : memref<320x64xf32, #tpu.memory_space<vmem>>, vector<1x16xf32>,
        %get3A_528 = vector.shape_cast %get3A_527 : vector<1x16xf32> to vector<16xf32>
        %add3A_529 = arith.addf %add3A_515, %get3A_528 : vector<16xf32>
        %add3A_530 = arith.constant 14 : i32
        %add3A_531 = arith.addi %mul3A_330, %add3A_530 : i32
        %get3A_532 = arith.index_cast %add3A_531 : i32 to index
        %get3A_533 = arith.constant 0 : index
        %get3A_534 = tpu.vector_load %arg18[%get3A_532, %get3A_533] {strides = array<i32>} : memref<320x64xf32, #tpu.memory_space<vmem>>, vector<1x16xf32>,
        %get3A_535 = vector.shape_cast %get3A_534 : vector<1x16xf32> to vector<16xf32>
        %add3A_536 = arith.addf %add3A_522, %get3A_535 : vector<16xf32>
        %add3A_537 = arith.constant 15 : i32
        %add3A_538 = arith.addi %mul3A_330, %add3A_537 : i32
        %get3A_539 = arith.index_cast %add3A_538 : i32 to index
        %get3A_540 = arith.constant 0 : index
        %get3A_541 = tpu.vector_load %arg16[%get3A_539, %get3A_540] {strides = array<i32>} : memref<320x64xf32, #tpu.memory_space<vmem>>, vector<1x16xf32>,
        %get3A_542 = vector.shape_cast %get3A_541 : vector<1x16xf32> to vector<16xf32>
        %add3A_543 = arith.addf %add3A_529, %get3A_542 : vector<16xf32>
        %add3A_544 = arith.constant 15 : i32
        %add3A_545 = arith.addi %mul3A_330, %add3A_544 : i32
        %get3A_546 = arith.index_cast %add3A_545 : i32 to index
        %get3A_547 = arith.constant 0 : index
        %get3A_548 = tpu.vector_load %arg18[%get3A_546, %get3A_547] {strides = array<i32>} : memref<320x64xf32, #tpu.memory_space<vmem>>, vector<1x16xf32>,
        %get3A_549 = vector.shape_cast %get3A_548 : vector<1x16xf32> to vector<16xf32>
        %add3A_550 = arith.addf %add3A_536, %get3A_549 : vector<16xf32>
        %add3A_551 = arith.constant 16 : i32
        %add3A_552 = arith.addi %mul3A_330, %add3A_551 : i32
        %get3A_553 = arith.index_cast %add3A_552 : i32 to index
        %get3A_554 = arith.constant 0 : index
        %get3A_555 = tpu.vector_load %arg16[%get3A_553, %get3A_554] {strides = array<i32>} : memref<320x64xf32, #tpu.memory_space<vmem>>, vector<1x16xf32>,
        %get3A_556 = vector.shape_cast %get3A_555 : vector<1x16xf32> to vector<16xf32>
        %add3A_557 = arith.addf %add3A_543, %get3A_556 : vector<16xf32>
        %add3A_558 = arith.constant 16 : i32
        %add3A_559 = arith.addi %mul3A_330, %add3A_558 : i32
        %get3A_560 = arith.index_cast %add3A_559 : i32 to index
        %get3A_561 = arith.constant 0 : index
        %get3A_562 = tpu.vector_load %arg18[%get3A_560, %get3A_561] {strides = array<i32>} : memref<320x64xf32, #tpu.memory_space<vmem>>, vector<1x16xf32>,
        %get3A_563 = vector.shape_cast %get3A_562 : vector<1x16xf32> to vector<16xf32>
        %add3A_564 = arith.addf %add3A_550, %get3A_563 : vector<16xf32>
        %add3A_565 = arith.constant 17 : i32
        %add3A_566 = arith.addi %mul3A_330, %add3A_565 : i32
        %get3A_567 = arith.index_cast %add3A_566 : i32 to index
        %get3A_568 = arith.constant 0 : index
        %get3A_569 = tpu.vector_load %arg16[%get3A_567, %get3A_568] {strides = array<i32>} : memref<320x64xf32, #tpu.memory_space<vmem>>, vector<1x16xf32>,
        %get3A_570 = vector.shape_cast %get3A_569 : vector<1x16xf32> to vector<16xf32>
        %add3A_571 = arith.addf %add3A_557, %get3A_570 : vector<16xf32>
        %add3A_572 = arith.constant 17 : i32
        %add3A_573 = arith.addi %mul3A_330, %add3A_572 : i32
        %get3A_574 = arith.index_cast %add3A_573 : i32 to index
        %get3A_575 = arith.constant 0 : index
        %get3A_576 = tpu.vector_load %arg18[%get3A_574, %get3A_575] {strides = array<i32>} : memref<320x64xf32, #tpu.memory_space<vmem>>, vector<1x16xf32>,
        %get3A_577 = vector.shape_cast %get3A_576 : vector<1x16xf32> to vector<16xf32>
        %add3A_578 = arith.addf %add3A_564, %get3A_577 : vector<16xf32>
        %add3A_579 = arith.constant 18 : i32
        %add3A_580 = arith.addi %mul3A_330, %add3A_579 : i32
        %get3A_581 = arith.index_cast %add3A_580 : i32 to index
        %get3A_582 = arith.constant 0 : index
        %get3A_583 = tpu.vector_load %arg16[%get3A_581, %get3A_582] {strides = array<i32>} : memref<320x64xf32, #tpu.memory_space<vmem>>, vector<1x16xf32>,
        %get3A_584 = vector.shape_cast %get3A_583 : vector<1x16xf32> to vector<16xf32>
        %add3A_585 = arith.addf %add3A_571, %get3A_584 : vector<16xf32>
        %add3A_586 = arith.constant 18 : i32
        %add3A_587 = arith.addi %mul3A_330, %add3A_586 : i32
        %get3A_588 = arith.index_cast %add3A_587 : i32 to index
        %get3A_589 = arith.constant 0 : index
        %get3A_590 = tpu.vector_load %arg18[%get3A_588, %get3A_589] {strides = array<i32>} : memref<320x64xf32, #tpu.memory_space<vmem>>, vector<1x16xf32>,
        %get3A_591 = vector.shape_cast %get3A_590 : vector<1x16xf32> to vector<16xf32>
        %add3A_592 = arith.addf %add3A_578, %get3A_591 : vector<16xf32>
        %add3A_593 = arith.constant 19 : i32
        %add3A_594 = arith.addi %mul3A_330, %add3A_593 : i32
        %get3A_595 = arith.index_cast %add3A_594 : i32 to index
        %get3A_596 = arith.constant 0 : index
        %get3A_597 = tpu.vector_load %arg16[%get3A_595, %get3A_596] {strides = array<i32>} : memref<320x64xf32, #tpu.memory_space<vmem>>, vector<1x16xf32>,
        %get3A_598 = vector.shape_cast %get3A_597 : vector<1x16xf32> to vector<16xf32>
        %add3A_599 = arith.addf %add3A_585, %get3A_598 : vector<16xf32>
        %add3A_600 = arith.constant 19 : i32
        %add3A_601 = arith.addi %mul3A_330, %add3A_600 : i32
        %get3A_602 = arith.index_cast %add3A_601 : i32 to index
        %get3A_603 = arith.constant 0 : index
        %get3A_604 = tpu.vector_load %arg18[%get3A_602, %get3A_603] {strides = array<i32>} : memref<320x64xf32, #tpu.memory_space<vmem>>, vector<1x16xf32>,
        %get3A_605 = vector.shape_cast %get3A_604 : vector<1x16xf32> to vector<16xf32>
        %add3A_606 = arith.addf %add3A_592, %get3A_605 : vector<16xf32>
        %get3A_607 = arith.index_cast %scan3A_327 : i32 to index
        %get3A_608 = arith.constant 0 : index
        %get3A_609 = tpu.vector_load %arg20[%get3A_607, %get3A_608] {strides = array<i32>} : memref<16x64xf32, #tpu.memory_space<vmem>>, vector<1x16xf32>,
        %get3A_610 = vector.shape_cast %get3A_609 : vector<1x16xf32> to vector<16xf32>
        %mul3A_611 = arith.mulf %get3A_610, %add3A_599 : vector<16xf32>
        %add3A_612 = arith.addf %broadcast_in_dim3A_331, %mul3A_611 : vector<16xf32>
        %mul3A_613 = arith.mulf %get3A_610, %add3A_606 : vector<16xf32>
        %add3A_614 = arith.addf %broadcast_in_dim3A_333, %mul3A_613 : vector<16xf32>
        %get3A_615 = arith.index_cast %mul3A_330 : i32 to index
        %get3A_616 = arith.constant 16 : index
        %get3A_617 = tpu.vector_load %arg16[%get3A_615, %get3A_616] {strides = array<i32>} : memref<320x64xf32, #tpu.memory_space<vmem>>, vector<1x16xf32>,
        %get3A_618 = vector.shape_cast %get3A_617 : vector<1x16xf32> to vector<16xf32>
        %get3A_619 = arith.index_cast %mul3A_330 : i32 to index
        %get3A_620 = arith.constant 16 : index
        %get3A_621 = tpu.vector_load %arg18[%get3A_619, %get3A_620] {strides = array<i32>} : memref<320x64xf32, #tpu.memory_space<vmem>>, vector<1x16xf32>,
        %get3A_622 = vector.shape_cast %get3A_621 : vector<1x16xf32> to vector<16xf32>
        %add3A_623 = arith.constant 1 : i32
        %add3A_624 = arith.addi %mul3A_330, %add3A_623 : i32
        %get3A_625 = arith.index_cast %add3A_624 : i32 to index
        %get3A_626 = arith.constant 16 : index
        %get3A_627 = tpu.vector_load %arg16[%get3A_625, %get3A_626] {strides = array<i32>} : memref<320x64xf32, #tpu.memory_space<vmem>>, vector<1x16xf32>,
        %get3A_628 = vector.shape_cast %get3A_627 : vector<1x16xf32> to vector<16xf32>
        %add3A_629 = arith.addf %get3A_618, %get3A_628 : vector<16xf32>
        %add3A_630 = arith.constant 1 : i32
        %add3A_631 = arith.addi %mul3A_330, %add3A_630 : i32
        %get3A_632 = arith.index_cast %add3A_631 : i32 to index
        %get3A_633 = arith.constant 16 : index
        %get3A_634 = tpu.vector_load %arg18[%get3A_632, %get3A_633] {strides = array<i32>} : memref<320x64xf32, #tpu.memory_space<vmem>>, vector<1x16xf32>,
        %get3A_635 = vector.shape_cast %get3A_634 : vector<1x16xf32> to vector<16xf32>
        %add3A_636 = arith.addf %get3A_622, %get3A_635 : vector<16xf32>
        %add3A_637 = arith.constant 2 : i32
        %add3A_638 = arith.addi %mul3A_330, %add3A_637 : i32
        %get3A_639 = arith.index_cast %add3A_638 : i32 to index
        %get3A_640 = arith.constant 16 : index
        %get3A_641 = tpu.vector_load %arg16[%get3A_639, %get3A_640] {strides = array<i32>} : memref<320x64xf32, #tpu.memory_space<vmem>>, vector<1x16xf32>,
        %get3A_642 = vector.shape_cast %get3A_641 : vector<1x16xf32> to vector<16xf32>
        %add3A_643 = arith.addf %add3A_629, %get3A_642 : vector<16xf32>
        %add3A_644 = arith.constant 2 : i32
        %add3A_645 = arith.addi %mul3A_330, %add3A_644 : i32
        %get3A_646 = arith.index_cast %add3A_645 : i32 to index
        %get3A_647 = arith.constant 16 : index
        %get3A_648 = tpu.vector_load %arg18[%get3A_646, %get3A_647] {strides = array<i32>} : memref<320x64xf32, #tpu.memory_space<vmem>>, vector<1x16xf32>,
        %get3A_649 = vector.shape_cast %get3A_648 : vector<1x16xf32> to vector<16xf32>
        %add3A_650 = arith.addf %add3A_636, %get3A_649 : vector<16xf32>
        %add3A_651 = arith.constant 3 : i32
        %add3A_652 = arith.addi %mul3A_330, %add3A_651 : i32
        %get3A_653 = arith.index_cast %add3A_652 : i32 to index
        %get3A_654 = arith.constant 16 : index
        %get3A_655 = tpu.vector_load %arg16[%get3A_653, %get3A_654] {strides = array<i32>} : memref<320x64xf32, #tpu.memory_space<vmem>>, vector<1x16xf32>,
        %get3A_656 = vector.shape_cast %get3A_655 : vector<1x16xf32> to vector<16xf32>
        %add3A_657 = arith.addf %add3A_643, %get3A_656 : vector<16xf32>
        %add3A_658 = arith.constant 3 : i32
        %add3A_659 = arith.addi %mul3A_330, %add3A_658 : i32
        %get3A_660 = arith.index_cast %add3A_659 : i32 to index
        %get3A_661 = arith.constant 16 : index
        %get3A_662 = tpu.vector_load %arg18[%get3A_660, %get3A_661] {strides = array<i32>} : memref<320x64xf32, #tpu.memory_space<vmem>>, vector<1x16xf32>,
        %get3A_663 = vector.shape_cast %get3A_662 : vector<1x16xf32> to vector<16xf32>
        %add3A_664 = arith.addf %add3A_650, %get3A_663 : vector<16xf32>
        %add3A_665 = arith.constant 4 : i32
        %add3A_666 = arith.addi %mul3A_330, %add3A_665 : i32
        %get3A_667 = arith.index_cast %add3A_666 : i32 to index
        %get3A_668 = arith.constant 16 : index
        %get3A_669 = tpu.vector_load %arg16[%get3A_667, %get3A_668] {strides = array<i32>} : memref<320x64xf32, #tpu.memory_space<vmem>>, vector<1x16xf32>,
        %get3A_670 = vector.shape_cast %get3A_669 : vector<1x16xf32> to vector<16xf32>
        %add3A_671 = arith.addf %add3A_657, %get3A_670 : vector<16xf32>
        %add3A_672 = arith.constant 4 : i32
        %add3A_673 = arith.addi %mul3A_330, %add3A_672 : i32
        %get3A_674 = arith.index_cast %add3A_673 : i32 to index
        %get3A_675 = arith.constant 16 : index
        %get3A_676 = tpu.vector_load %arg18[%get3A_674, %get3A_675] {strides = array<i32>} : memref<320x64xf32, #tpu.memory_space<vmem>>, vector<1x16xf32>,
        %get3A_677 = vector.shape_cast %get3A_676 : vector<1x16xf32> to vector<16xf32>
        %add3A_678 = arith.addf %add3A_664, %get3A_677 : vector<16xf32>
        %add3A_679 = arith.constant 5 : i32
        %add3A_680 = arith.addi %mul3A_330, %add3A_679 : i32
        %get3A_681 = arith.index_cast %add3A_680 : i32 to index
        %get3A_682 = arith.constant 16 : index
        %get3A_683 = tpu.vector_load %arg16[%get3A_681, %get3A_682] {strides = array<i32>} : memref<320x64xf32, #tpu.memory_space<vmem>>, vector<1x16xf32>,
        %get3A_684 = vector.shape_cast %get3A_683 : vector<1x16xf32> to vector<16xf32>
        %add3A_685 = arith.addf %add3A_671, %get3A_684 : vector<16xf32>
        %add3A_686 = arith.constant 5 : i32
        %add3A_687 = arith.addi %mul3A_330, %add3A_686 : i32
        %get3A_688 = arith.index_cast %add3A_687 : i32 to index
        %get3A_689 = arith.constant 16 : index
        %get3A_690 = tpu.vector_load %arg18[%get3A_688, %get3A_689] {strides = array<i32>} : memref<320x64xf32, #tpu.memory_space<vmem>>, vector<1x16xf32>,
        %get3A_691 = vector.shape_cast %get3A_690 : vector<1x16xf32> to vector<16xf32>
        %add3A_692 = arith.addf %add3A_678, %get3A_691 : vector<16xf32>
        %add3A_693 = arith.constant 6 : i32
        %add3A_694 = arith.addi %mul3A_330, %add3A_693 : i32
        %get3A_695 = arith.index_cast %add3A_694 : i32 to index
        %get3A_696 = arith.constant 16 : index
        %get3A_697 = tpu.vector_load %arg16[%get3A_695, %get3A_696] {strides = array<i32>} : memref<320x64xf32, #tpu.memory_space<vmem>>, vector<1x16xf32>,
        %get3A_698 = vector.shape_cast %get3A_697 : vector<1x16xf32> to vector<16xf32>
        %add3A_699 = arith.addf %add3A_685, %get3A_698 : vector<16xf32>
        %add3A_700 = arith.constant 6 : i32
        %add3A_701 = arith.addi %mul3A_330, %add3A_700 : i32
        %get3A_702 = arith.index_cast %add3A_701 : i32 to index
        %get3A_703 = arith.constant 16 : index
        %get3A_704 = tpu.vector_load %arg18[%get3A_702, %get3A_703] {strides = array<i32>} : memref<320x64xf32, #tpu.memory_space<vmem>>, vector<1x16xf32>,
        %get3A_705 = vector.shape_cast %get3A_704 : vector<1x16xf32> to vector<16xf32>
        %add3A_706 = arith.addf %add3A_692, %get3A_705 : vector<16xf32>
        %add3A_707 = arith.constant 7 : i32
        %add3A_708 = arith.addi %mul3A_330, %add3A_707 : i32
        %get3A_709 = arith.index_cast %add3A_708 : i32 to index
        %get3A_710 = arith.constant 16 : index
        %get3A_711 = tpu.vector_load %arg16[%get3A_709, %get3A_710] {strides = array<i32>} : memref<320x64xf32, #tpu.memory_space<vmem>>, vector<1x16xf32>,
        %get3A_712 = vector.shape_cast %get3A_711 : vector<1x16xf32> to vector<16xf32>
        %add3A_713 = arith.addf %add3A_699, %get3A_712 : vector<16xf32>
        %add3A_714 = arith.constant 7 : i32
        %add3A_715 = arith.addi %mul3A_330, %add3A_714 : i32
        %get3A_716 = arith.index_cast %add3A_715 : i32 to index
        %get3A_717 = arith.constant 16 : index
        %get3A_718 = tpu.vector_load %arg18[%get3A_716, %get3A_717] {strides = array<i32>} : memref<320x64xf32, #tpu.memory_space<vmem>>, vector<1x16xf32>,
        %get3A_719 = vector.shape_cast %get3A_718 : vector<1x16xf32> to vector<16xf32>
        %add3A_720 = arith.addf %add3A_706, %get3A_719 : vector<16xf32>
        %add3A_721 = arith.constant 8 : i32
        %add3A_722 = arith.addi %mul3A_330, %add3A_721 : i32
        %get3A_723 = arith.index_cast %add3A_722 : i32 to index
        %get3A_724 = arith.constant 16 : index
        %get3A_725 = tpu.vector_load %arg16[%get3A_723, %get3A_724] {strides = array<i32>} : memref<320x64xf32, #tpu.memory_space<vmem>>, vector<1x16xf32>,
        %get3A_726 = vector.shape_cast %get3A_725 : vector<1x16xf32> to vector<16xf32>
        %add3A_727 = arith.addf %add3A_713, %get3A_726 : vector<16xf32>
        %add3A_728 = arith.constant 8 : i32
        %add3A_729 = arith.addi %mul3A_330, %add3A_728 : i32
        %get3A_730 = arith.index_cast %add3A_729 : i32 to index
        %get3A_731 = arith.constant 16 : index
        %get3A_732 = tpu.vector_load %arg18[%get3A_730, %get3A_731] {strides = array<i32>} : memref<320x64xf32, #tpu.memory_space<vmem>>, vector<1x16xf32>,
        %get3A_733 = vector.shape_cast %get3A_732 : vector<1x16xf32> to vector<16xf32>
        %add3A_734 = arith.addf %add3A_720, %get3A_733 : vector<16xf32>
        %add3A_735 = arith.constant 9 : i32
        %add3A_736 = arith.addi %mul3A_330, %add3A_735 : i32
        %get3A_737 = arith.index_cast %add3A_736 : i32 to index
        %get3A_738 = arith.constant 16 : index
        %get3A_739 = tpu.vector_load %arg16[%get3A_737, %get3A_738] {strides = array<i32>} : memref<320x64xf32, #tpu.memory_space<vmem>>, vector<1x16xf32>,
        %get3A_740 = vector.shape_cast %get3A_739 : vector<1x16xf32> to vector<16xf32>
        %add3A_741 = arith.addf %add3A_727, %get3A_740 : vector<16xf32>
        %add3A_742 = arith.constant 9 : i32
        %add3A_743 = arith.addi %mul3A_330, %add3A_742 : i32
        %get3A_744 = arith.index_cast %add3A_743 : i32 to index
        %get3A_745 = arith.constant 16 : index
        %get3A_746 = tpu.vector_load %arg18[%get3A_744, %get3A_745] {strides = array<i32>} : memref<320x64xf32, #tpu.memory_space<vmem>>, vector<1x16xf32>,
        %get3A_747 = vector.shape_cast %get3A_746 : vector<1x16xf32> to vector<16xf32>
        %add3A_748 = arith.addf %add3A_734, %get3A_747 : vector<16xf32>
        %add3A_749 = arith.constant 10 : i32
        %add3A_750 = arith.addi %mul3A_330, %add3A_749 : i32
        %get3A_751 = arith.index_cast %add3A_750 : i32 to index
        %get3A_752 = arith.constant 16 : index
        %get3A_753 = tpu.vector_load %arg16[%get3A_751, %get3A_752] {strides = array<i32>} : memref<320x64xf32, #tpu.memory_space<vmem>>, vector<1x16xf32>,
        %get3A_754 = vector.shape_cast %get3A_753 : vector<1x16xf32> to vector<16xf32>
        %add3A_755 = arith.addf %add3A_741, %get3A_754 : vector<16xf32>
        %add3A_756 = arith.constant 10 : i32
        %add3A_757 = arith.addi %mul3A_330, %add3A_756 : i32
        %get3A_758 = arith.index_cast %add3A_757 : i32 to index
        %get3A_759 = arith.constant 16 : index
        %get3A_760 = tpu.vector_load %arg18[%get3A_758, %get3A_759] {strides = array<i32>} : memref<320x64xf32, #tpu.memory_space<vmem>>, vector<1x16xf32>,
        %get3A_761 = vector.shape_cast %get3A_760 : vector<1x16xf32> to vector<16xf32>
        %add3A_762 = arith.addf %add3A_748, %get3A_761 : vector<16xf32>
        %add3A_763 = arith.constant 11 : i32
        %add3A_764 = arith.addi %mul3A_330, %add3A_763 : i32
        %get3A_765 = arith.index_cast %add3A_764 : i32 to index
        %get3A_766 = arith.constant 16 : index
        %get3A_767 = tpu.vector_load %arg16[%get3A_765, %get3A_766] {strides = array<i32>} : memref<320x64xf32, #tpu.memory_space<vmem>>, vector<1x16xf32>,
        %get3A_768 = vector.shape_cast %get3A_767 : vector<1x16xf32> to vector<16xf32>
        %add3A_769 = arith.addf %add3A_755, %get3A_768 : vector<16xf32>
        %add3A_770 = arith.constant 11 : i32
        %add3A_771 = arith.addi %mul3A_330, %add3A_770 : i32
        %get3A_772 = arith.index_cast %add3A_771 : i32 to index
        %get3A_773 = arith.constant 16 : index
        %get3A_774 = tpu.vector_load %arg18[%get3A_772, %get3A_773] {strides = array<i32>} : memref<320x64xf32, #tpu.memory_space<vmem>>, vector<1x16xf32>,
        %get3A_775 = vector.shape_cast %get3A_774 : vector<1x16xf32> to vector<16xf32>
        %add3A_776 = arith.addf %add3A_762, %get3A_775 : vector<16xf32>
        %add3A_777 = arith.constant 12 : i32
        %add3A_778 = arith.addi %mul3A_330, %add3A_777 : i32
        %get3A_779 = arith.index_cast %add3A_778 : i32 to index
        %get3A_780 = arith.constant 16 : index
        %get3A_781 = tpu.vector_load %arg16[%get3A_779, %get3A_780] {strides = array<i32>} : memref<320x64xf32, #tpu.memory_space<vmem>>, vector<1x16xf32>,
        %get3A_782 = vector.shape_cast %get3A_781 : vector<1x16xf32> to vector<16xf32>
        %add3A_783 = arith.addf %add3A_769, %get3A_782 : vector<16xf32>
        %add3A_784 = arith.constant 12 : i32
        %add3A_785 = arith.addi %mul3A_330, %add3A_784 : i32
        %get3A_786 = arith.index_cast %add3A_785 : i32 to index
        %get3A_787 = arith.constant 16 : index
        %get3A_788 = tpu.vector_load %arg18[%get3A_786, %get3A_787] {strides = array<i32>} : memref<320x64xf32, #tpu.memory_space<vmem>>, vector<1x16xf32>,
        %get3A_789 = vector.shape_cast %get3A_788 : vector<1x16xf32> to vector<16xf32>
        %add3A_790 = arith.addf %add3A_776, %get3A_789 : vector<16xf32>
        %add3A_791 = arith.constant 13 : i32
        %add3A_792 = arith.addi %mul3A_330, %add3A_791 : i32
        %get3A_793 = arith.index_cast %add3A_792 : i32 to index
        %get3A_794 = arith.constant 16 : index
        %get3A_795 = tpu.vector_load %arg16[%get3A_793, %get3A_794] {strides = array<i32>} : memref<320x64xf32, #tpu.memory_space<vmem>>, vector<1x16xf32>,
        %get3A_796 = vector.shape_cast %get3A_795 : vector<1x16xf32> to vector<16xf32>
        %add3A_797 = arith.addf %add3A_783, %get3A_796 : vector<16xf32>
        %add3A_798 = arith.constant 13 : i32
        %add3A_799 = arith.addi %mul3A_330, %add3A_798 : i32
        %get3A_800 = arith.index_cast %add3A_799 : i32 to index
        %get3A_801 = arith.constant 16 : index
        %get3A_802 = tpu.vector_load %arg18[%get3A_800, %get3A_801] {strides = array<i32>} : memref<320x64xf32, #tpu.memory_space<vmem>>, vector<1x16xf32>,
        %get3A_803 = vector.shape_cast %get3A_802 : vector<1x16xf32> to vector<16xf32>
        %add3A_804 = arith.addf %add3A_790, %get3A_803 : vector<16xf32>
        %add3A_805 = arith.constant 14 : i32
        %add3A_806 = arith.addi %mul3A_330, %add3A_805 : i32
        %get3A_807 = arith.index_cast %add3A_806 : i32 to index
        %get3A_808 = arith.constant 16 : index
        %get3A_809 = tpu.vector_load %arg16[%get3A_807, %get3A_808] {strides = array<i32>} : memref<320x64xf32, #tpu.memory_space<vmem>>, vector<1x16xf32>,
        %get3A_810 = vector.shape_cast %get3A_809 : vector<1x16xf32> to vector<16xf32>
        %add3A_811 = arith.addf %add3A_797, %get3A_810 : vector<16xf32>
        %add3A_812 = arith.constant 14 : i32
        %add3A_813 = arith.addi %mul3A_330, %add3A_812 : i32
        %get3A_814 = arith.index_cast %add3A_813 : i32 to index
        %get3A_815 = arith.constant 16 : index
        %get3A_816 = tpu.vector_load %arg18[%get3A_814, %get3A_815] {strides = array<i32>} : memref<320x64xf32, #tpu.memory_space<vmem>>, vector<1x16xf32>,
        %get3A_817 = vector.shape_cast %get3A_816 : vector<1x16xf32> to vector<16xf32>
        %add3A_818 = arith.addf %add3A_804, %get3A_817 : vector<16xf32>
        %add3A_819 = arith.constant 15 : i32
        %add3A_820 = arith.addi %mul3A_330, %add3A_819 : i32
        %get3A_821 = arith.index_cast %add3A_820 : i32 to index
        %get3A_822 = arith.constant 16 : index
        %get3A_823 = tpu.vector_load %arg16[%get3A_821, %get3A_822] {strides = array<i32>} : memref<320x64xf32, #tpu.memory_space<vmem>>, vector<1x16xf32>,
        %get3A_824 = vector.shape_cast %get3A_823 : vector<1x16xf32> to vector<16xf32>
        %add3A_825 = arith.addf %add3A_811, %get3A_824 : vector<16xf32>
        %add3A_826 = arith.constant 15 : i32
        %add3A_827 = arith.addi %mul3A_330, %add3A_826 : i32
        %get3A_828 = arith.index_cast %add3A_827 : i32 to index
        %get3A_829 = arith.constant 16 : index
        %get3A_830 = tpu.vector_load %arg18[%get3A_828, %get3A_829] {strides = array<i32>} : memref<320x64xf32, #tpu.memory_space<vmem>>, vector<1x16xf32>,
        %get3A_831 = vector.shape_cast %get3A_830 : vector<1x16xf32> to vector<16xf32>
        %add3A_832 = arith.addf %add3A_818, %get3A_831 : vector<16xf32>
        %add3A_833 = arith.constant 16 : i32
        %add3A_834 = arith.addi %mul3A_330, %add3A_833 : i32
        %get3A_835 = arith.index_cast %add3A_834 : i32 to index
        %get3A_836 = arith.constant 16 : index
        %get3A_837 = tpu.vector_load %arg16[%get3A_835, %get3A_836] {strides = array<i32>} : memref<320x64xf32, #tpu.memory_space<vmem>>, vector<1x16xf32>,
        %get3A_838 = vector.shape_cast %get3A_837 : vector<1x16xf32> to vector<16xf32>
        %add3A_839 = arith.addf %add3A_825, %get3A_838 : vector<16xf32>
        %add3A_840 = arith.constant 16 : i32
        %add3A_841 = arith.addi %mul3A_330, %add3A_840 : i32
        %get3A_842 = arith.index_cast %add3A_841 : i32 to index
        %get3A_843 = arith.constant 16 : index
        %get3A_844 = tpu.vector_load %arg18[%get3A_842, %get3A_843] {strides = array<i32>} : memref<320x64xf32, #tpu.memory_space<vmem>>, vector<1x16xf32>,
        %get3A_845 = vector.shape_cast %get3A_844 : vector<1x16xf32> to vector<16xf32>
        %add3A_846 = arith.addf %add3A_832, %get3A_845 : vector<16xf32>
        %add3A_847 = arith.constant 17 : i32
        %add3A_848 = arith.addi %mul3A_330, %add3A_847 : i32
        %get3A_849 = arith.index_cast %add3A_848 : i32 to index
        %get3A_850 = arith.constant 16 : index
        %get3A_851 = tpu.vector_load %arg16[%get3A_849, %get3A_850] {strides = array<i32>} : memref<320x64xf32, #tpu.memory_space<vmem>>, vector<1x16xf32>,
        %get3A_852 = vector.shape_cast %get3A_851 : vector<1x16xf32> to vector<16xf32>
        %add3A_853 = arith.addf %add3A_839, %get3A_852 : vector<16xf32>
        %add3A_854 = arith.constant 17 : i32
        %add3A_855 = arith.addi %mul3A_330, %add3A_854 : i32
        %get3A_856 = arith.index_cast %add3A_855 : i32 to index
        %get3A_857 = arith.constant 16 : index
        %get3A_858 = tpu.vector_load %arg18[%get3A_856, %get3A_857] {strides = array<i32>} : memref<320x64xf32, #tpu.memory_space<vmem>>, vector<1x16xf32>,
        %get3A_859 = vector.shape_cast %get3A_858 : vector<1x16xf32> to vector<16xf32>
        %add3A_860 = arith.addf %add3A_846, %get3A_859 : vector<16xf32>
        %add3A_861 = arith.constant 18 : i32
        %add3A_862 = arith.addi %mul3A_330, %add3A_861 : i32
        %get3A_863 = arith.index_cast %add3A_862 : i32 to index
        %get3A_864 = arith.constant 16 : index
        %get3A_865 = tpu.vector_load %arg16[%get3A_863, %get3A_864] {strides = array<i32>} : memref<320x64xf32, #tpu.memory_space<vmem>>, vector<1x16xf32>,
        %get3A_866 = vector.shape_cast %get3A_865 : vector<1x16xf32> to vector<16xf32>
        %add3A_867 = arith.addf %add3A_853, %get3A_866 : vector<16xf32>
        %add3A_868 = arith.constant 18 : i32
        %add3A_869 = arith.addi %mul3A_330, %add3A_868 : i32
        %get3A_870 = arith.index_cast %add3A_869 : i32 to index
        %get3A_871 = arith.constant 16 : index
        %get3A_872 = tpu.vector_load %arg18[%get3A_870, %get3A_871] {strides = array<i32>} : memref<320x64xf32, #tpu.memory_space<vmem>>, vector<1x16xf32>,
        %get3A_873 = vector.shape_cast %get3A_872 : vector<1x16xf32> to vector<16xf32>
        %add3A_874 = arith.addf %add3A_860, %get3A_873 : vector<16xf32>
        %add3A_875 = arith.constant 19 : i32
        %add3A_876 = arith.addi %mul3A_330, %add3A_875 : i32
        %get3A_877 = arith.index_cast %add3A_876 : i32 to index
        %get3A_878 = arith.constant 16 : index
        %get3A_879 = tpu.vector_load %arg16[%get3A_877, %get3A_878] {strides = array<i32>} : memref<320x64xf32, #tpu.memory_space<vmem>>, vector<1x16xf32>,
        %get3A_880 = vector.shape_cast %get3A_879 : vector<1x16xf32> to vector<16xf32>
        %add3A_881 = arith.addf %add3A_867, %get3A_880 : vector<16xf32>
        %add3A_882 = arith.constant 19 : i32
        %add3A_883 = arith.addi %mul3A_330, %add3A_882 : i32
        %get3A_884 = arith.index_cast %add3A_883 : i32 to index
        %get3A_885 = arith.constant 16 : index
        %get3A_886 = tpu.vector_load %arg18[%get3A_884, %get3A_885] {strides = array<i32>} : memref<320x64xf32, #tpu.memory_space<vmem>>, vector<1x16xf32>,
        %get3A_887 = vector.shape_cast %get3A_886 : vector<1x16xf32> to vector<16xf32>
        %add3A_888 = arith.addf %add3A_874, %get3A_887 : vector<16xf32>
        %get3A_889 = arith.index_cast %scan3A_327 : i32 to index
        %get3A_890 = arith.constant 16 : index
        %get3A_891 = tpu.vector_load %arg20[%get3A_889, %get3A_890] {strides = array<i32>} : memref<16x64xf32, #tpu.memory_space<vmem>>, vector<1x16xf32>,
        %get3A_892 = vector.shape_cast %get3A_891 : vector<1x16xf32> to vector<16xf32>
        %mul3A_893 = arith.mulf %get3A_892, %add3A_881 : vector<16xf32>
        %add3A_894 = arith.addf %add3A_612, %mul3A_893 : vector<16xf32>
        %mul3A_895 = arith.mulf %get3A_892, %add3A_888 : vector<16xf32>
        %add3A_896 = arith.addf %add3A_614, %mul3A_895 : vector<16xf32>
        %get3A_897 = arith.index_cast %mul3A_330 : i32 to index
        %get3A_898 = arith.constant 32 : index
        %get3A_899 = tpu.vector_load %arg16[%get3A_897, %get3A_898] {strides = array<i32>} : memref<320x64xf32, #tpu.memory_space<vmem>>, vector<1x16xf32>,
        %get3A_900 = vector.shape_cast %get3A_899 : vector<1x16xf32> to vector<16xf32>
        %get3A_901 = arith.index_cast %mul3A_330 : i32 to index
        %get3A_902 = arith.constant 32 : index
        %get3A_903 = tpu.vector_load %arg18[%get3A_901, %get3A_902] {strides = array<i32>} : memref<320x64xf32, #tpu.memory_space<vmem>>, vector<1x16xf32>,
        %get3A_904 = vector.shape_cast %get3A_903 : vector<1x16xf32> to vector<16xf32>
        %add3A_905 = arith.constant 1 : i32
        %add3A_906 = arith.addi %mul3A_330, %add3A_905 : i32
        %get3A_907 = arith.index_cast %add3A_906 : i32 to index
        %get3A_908 = arith.constant 32 : index
        %get3A_909 = tpu.vector_load %arg16[%get3A_907, %get3A_908] {strides = array<i32>} : memref<320x64xf32, #tpu.memory_space<vmem>>, vector<1x16xf32>,
        %get3A_910 = vector.shape_cast %get3A_909 : vector<1x16xf32> to vector<16xf32>
        %add3A_911 = arith.addf %get3A_900, %get3A_910 : vector<16xf32>
        %add3A_912 = arith.constant 1 : i32
        %add3A_913 = arith.addi %mul3A_330, %add3A_912 : i32
        %get3A_914 = arith.index_cast %add3A_913 : i32 to index
        %get3A_915 = arith.constant 32 : index
        %get3A_916 = tpu.vector_load %arg18[%get3A_914, %get3A_915] {strides = array<i32>} : memref<320x64xf32, #tpu.memory_space<vmem>>, vector<1x16xf32>,
        %get3A_917 = vector.shape_cast %get3A_916 : vector<1x16xf32> to vector<16xf32>
        %add3A_918 = arith.addf %get3A_904, %get3A_917 : vector<16xf32>
        %add3A_919 = arith.constant 2 : i32
        %add3A_920 = arith.addi %mul3A_330, %add3A_919 : i32
        %get3A_921 = arith.index_cast %add3A_920 : i32 to index
        %get3A_922 = arith.constant 32 : index
        %get3A_923 = tpu.vector_load %arg16[%get3A_921, %get3A_922] {strides = array<i32>} : memref<320x64xf32, #tpu.memory_space<vmem>>, vector<1x16xf32>,
        %get3A_924 = vector.shape_cast %get3A_923 : vector<1x16xf32> to vector<16xf32>
        %add3A_925 = arith.addf %add3A_911, %get3A_924 : vector<16xf32>
        %add3A_926 = arith.constant 2 : i32
        %add3A_927 = arith.addi %mul3A_330, %add3A_926 : i32
        %get3A_928 = arith.index_cast %add3A_927 : i32 to index
        %get3A_929 = arith.constant 32 : index
        %get3A_930 = tpu.vector_load %arg18[%get3A_928, %get3A_929] {strides = array<i32>} : memref<320x64xf32, #tpu.memory_space<vmem>>, vector<1x16xf32>,
        %get3A_931 = vector.shape_cast %get3A_930 : vector<1x16xf32> to vector<16xf32>
        %add3A_932 = arith.addf %add3A_918, %get3A_931 : vector<16xf32>
        %add3A_933 = arith.constant 3 : i32
        %add3A_934 = arith.addi %mul3A_330, %add3A_933 : i32
        %get3A_935 = arith.index_cast %add3A_934 : i32 to index
        %get3A_936 = arith.constant 32 : index
        %get3A_937 = tpu.vector_load %arg16[%get3A_935, %get3A_936] {strides = array<i32>} : memref<320x64xf32, #tpu.memory_space<vmem>>, vector<1x16xf32>,
        %get3A_938 = vector.shape_cast %get3A_937 : vector<1x16xf32> to vector<16xf32>
        %add3A_939 = arith.addf %add3A_925, %get3A_938 : vector<16xf32>
        %add3A_940 = arith.constant 3 : i32
        %add3A_941 = arith.addi %mul3A_330, %add3A_940 : i32
        %get3A_942 = arith.index_cast %add3A_941 : i32 to index
        %get3A_943 = arith.constant 32 : index
        %get3A_944 = tpu.vector_load %arg18[%get3A_942, %get3A_943] {strides = array<i32>} : memref<320x64xf32, #tpu.memory_space<vmem>>, vector<1x16xf32>,
        %get3A_945 = vector.shape_cast %get3A_944 : vector<1x16xf32> to vector<16xf32>
        %add3A_946 = arith.addf %add3A_932, %get3A_945 : vector<16xf32>
        %add3A_947 = arith.constant 4 : i32
        %add3A_948 = arith.addi %mul3A_330, %add3A_947 : i32
        %get3A_949 = arith.index_cast %add3A_948 : i32 to index
        %get3A_950 = arith.constant 32 : index
        %get3A_951 = tpu.vector_load %arg16[%get3A_949, %get3A_950] {strides = array<i32>} : memref<320x64xf32, #tpu.memory_space<vmem>>, vector<1x16xf32>,
        %get3A_952 = vector.shape_cast %get3A_951 : vector<1x16xf32> to vector<16xf32>
        %add3A_953 = arith.addf %add3A_939, %get3A_952 : vector<16xf32>
        %add3A_954 = arith.constant 4 : i32
        %add3A_955 = arith.addi %mul3A_330, %add3A_954 : i32
        %get3A_956 = arith.index_cast %add3A_955 : i32 to index
        %get3A_957 = arith.constant 32 : index
        %get3A_958 = tpu.vector_load %arg18[%get3A_956, %get3A_957] {strides = array<i32>} : memref<320x64xf32, #tpu.memory_space<vmem>>, vector<1x16xf32>,
        %get3A_959 = vector.shape_cast %get3A_958 : vector<1x16xf32> to vector<16xf32>
        %add3A_960 = arith.addf %add3A_946, %get3A_959 : vector<16xf32>
        %add3A_961 = arith.constant 5 : i32
        %add3A_962 = arith.addi %mul3A_330, %add3A_961 : i32
        %get3A_963 = arith.index_cast %add3A_962 : i32 to index
        %get3A_964 = arith.constant 32 : index
        %get3A_965 = tpu.vector_load %arg16[%get3A_963, %get3A_964] {strides = array<i32>} : memref<320x64xf32, #tpu.memory_space<vmem>>, vector<1x16xf32>,
        %get3A_966 = vector.shape_cast %get3A_965 : vector<1x16xf32> to vector<16xf32>
        %add3A_967 = arith.addf %add3A_953, %get3A_966 : vector<16xf32>
        %add3A_968 = arith.constant 5 : i32
        %add3A_969 = arith.addi %mul3A_330, %add3A_968 : i32
        %get3A_970 = arith.index_cast %add3A_969 : i32 to index
        %get3A_971 = arith.constant 32 : index
        %get3A_972 = tpu.vector_load %arg18[%get3A_970, %get3A_971] {strides = array<i32>} : memref<320x64xf32, #tpu.memory_space<vmem>>, vector<1x16xf32>,
        %get3A_973 = vector.shape_cast %get3A_972 : vector<1x16xf32> to vector<16xf32>
        %add3A_974 = arith.addf %add3A_960, %get3A_973 : vector<16xf32>
        %add3A_975 = arith.constant 6 : i32
        %add3A_976 = arith.addi %mul3A_330, %add3A_975 : i32
        %get3A_977 = arith.index_cast %add3A_976 : i32 to index
        %get3A_978 = arith.constant 32 : index
        %get3A_979 = tpu.vector_load %arg16[%get3A_977, %get3A_978] {strides = array<i32>} : memref<320x64xf32, #tpu.memory_space<vmem>>, vector<1x16xf32>,
        %get3A_980 = vector.shape_cast %get3A_979 : vector<1x16xf32> to vector<16xf32>
        %add3A_981 = arith.addf %add3A_967, %get3A_980 : vector<16xf32>
        %add3A_982 = arith.constant 6 : i32
        %add3A_983 = arith.addi %mul3A_330, %add3A_982 : i32
        %get3A_984 = arith.index_cast %add3A_983 : i32 to index
        %get3A_985 = arith.constant 32 : index
        %get3A_986 = tpu.vector_load %arg18[%get3A_984, %get3A_985] {strides = array<i32>} : memref<320x64xf32, #tpu.memory_space<vmem>>, vector<1x16xf32>,
        %get3A_987 = vector.shape_cast %get3A_986 : vector<1x16xf32> to vector<16xf32>
        %add3A_988 = arith.addf %add3A_974, %get3A_987 : vector<16xf32>
        %add3A_989 = arith.constant 7 : i32
        %add3A_990 = arith.addi %mul3A_330, %add3A_989 : i32
        %get3A_991 = arith.index_cast %add3A_990 : i32 to index
        %get3A_992 = arith.constant 32 : index
        %get3A_993 = tpu.vector_load %arg16[%get3A_991, %get3A_992] {strides = array<i32>} : memref<320x64xf32, #tpu.memory_space<vmem>>, vector<1x16xf32>,
        %get3A_994 = vector.shape_cast %get3A_993 : vector<1x16xf32> to vector<16xf32>
        %add3A_995 = arith.addf %add3A_981, %get3A_994 : vector<16xf32>
        %add3A_996 = arith.constant 7 : i32
        %add3A_997 = arith.addi %mul3A_330, %add3A_996 : i32
        %get3A_998 = arith.index_cast %add3A_997 : i32 to index
        %get3A_999 = arith.constant 32 : index
        %get3A_1000 = tpu.vector_load %arg18[%get3A_998, %get3A_999] {strides = array<i32>} : memref<320x64xf32, #tpu.memory_space<vmem>>, vector<1x16xf32>,
        %get3A_1001 = vector.shape_cast %get3A_1000 : vector<1x16xf32> to vector<16xf32>
        %add3A_1002 = arith.addf %add3A_988, %get3A_1001 : vector<16xf32>
        %add3A_1003 = arith.constant 8 : i32
        %add3A_1004 = arith.addi %mul3A_330, %add3A_1003 : i32
        %get3A_1005 = arith.index_cast %add3A_1004 : i32 to index
        %get3A_1006 = arith.constant 32 : index
        %get3A_1007 = tpu.vector_load %arg16[%get3A_1005, %get3A_1006] {strides = array<i32>} : memref<320x64xf32, #tpu.memory_space<vmem>>, vector<1x16xf32>,
        %get3A_1008 = vector.shape_cast %get3A_1007 : vector<1x16xf32> to vector<16xf32>
        %add3A_1009 = arith.addf %add3A_995, %get3A_1008 : vector<16xf32>
        %add3A_1010 = arith.constant 8 : i32
        %add3A_1011 = arith.addi %mul3A_330, %add3A_1010 : i32
        %get3A_1012 = arith.index_cast %add3A_1011 : i32 to index
        %get3A_1013 = arith.constant 32 : index
        %get3A_1014 = tpu.vector_load %arg18[%get3A_1012, %get3A_1013] {strides = array<i32>} : memref<320x64xf32, #tpu.memory_space<vmem>>, vector<1x16xf32>,
        %get3A_1015 = vector.shape_cast %get3A_1014 : vector<1x16xf32> to vector<16xf32>
        %add3A_1016 = arith.addf %add3A_1002, %get3A_1015 : vector<16xf32>
        %add3A_1017 = arith.constant 9 : i32
        %add3A_1018 = arith.addi %mul3A_330, %add3A_1017 : i32
        %get3A_1019 = arith.index_cast %add3A_1018 : i32 to index
        %get3A_1020 = arith.constant 32 : index
        %get3A_1021 = tpu.vector_load %arg16[%get3A_1019, %get3A_1020] {strides = array<i32>} : memref<320x64xf32, #tpu.memory_space<vmem>>, vector<1x16xf32>,
        %get3A_1022 = vector.shape_cast %get3A_1021 : vector<1x16xf32> to vector<16xf32>
        %add3A_1023 = arith.addf %add3A_1009, %get3A_1022 : vector<16xf32>
        %add3A_1024 = arith.constant 9 : i32
        %add3A_1025 = arith.addi %mul3A_330, %add3A_1024 : i32
        %get3A_1026 = arith.index_cast %add3A_1025 : i32 to index
        %get3A_1027 = arith.constant 32 : index
        %get3A_1028 = tpu.vector_load %arg18[%get3A_1026, %get3A_1027] {strides = array<i32>} : memref<320x64xf32, #tpu.memory_space<vmem>>, vector<1x16xf32>,
        %get3A_1029 = vector.shape_cast %get3A_1028 : vector<1x16xf32> to vector<16xf32>
        %add3A_1030 = arith.addf %add3A_1016, %get3A_1029 : vector<16xf32>
        %add3A_1031 = arith.constant 10 : i32
        %add3A_1032 = arith.addi %mul3A_330, %add3A_1031 : i32
        %get3A_1033 = arith.index_cast %add3A_1032 : i32 to index
        %get3A_1034 = arith.constant 32 : index
        %get3A_1035 = tpu.vector_load %arg16[%get3A_1033, %get3A_1034] {strides = array<i32>} : memref<320x64xf32, #tpu.memory_space<vmem>>, vector<1x16xf32>,
        %get3A_1036 = vector.shape_cast %get3A_1035 : vector<1x16xf32> to vector<16xf32>
        %add3A_1037 = arith.addf %add3A_1023, %get3A_1036 : vector<16xf32>
        %add3A_1038 = arith.constant 10 : i32
        %add3A_1039 = arith.addi %mul3A_330, %add3A_1038 : i32
        %get3A_1040 = arith.index_cast %add3A_1039 : i32 to index
        %get3A_1041 = arith.constant 32 : index
        %get3A_1042 = tpu.vector_load %arg18[%get3A_1040, %get3A_1041] {strides = array<i32>} : memref<320x64xf32, #tpu.memory_space<vmem>>, vector<1x16xf32>,
        %get3A_1043 = vector.shape_cast %get3A_1042 : vector<1x16xf32> to vector<16xf32>
        %add3A_1044 = arith.addf %add3A_1030, %get3A_1043 : vector<16xf32>
        %add3A_1045 = arith.constant 11 : i32
        %add3A_1046 = arith.addi %mul3A_330, %add3A_1045 : i32
        %get3A_1047 = arith.index_cast %add3A_1046 : i32 to index
        %get3A_1048 = arith.constant 32 : index
        %get3A_1049 = tpu.vector_load %arg16[%get3A_1047, %get3A_1048] {strides = array<i32>} : memref<320x64xf32, #tpu.memory_space<vmem>>, vector<1x16xf32>,
        %get3A_1050 = vector.shape_cast %get3A_1049 : vector<1x16xf32> to vector<16xf32>
        %add3A_1051 = arith.addf %add3A_1037, %get3A_1050 : vector<16xf32>
        %add3A_1052 = arith.constant 11 : i32
        %add3A_1053 = arith.addi %mul3A_330, %add3A_1052 : i32
        %get3A_1054 = arith.index_cast %add3A_1053 : i32 to index
        %get3A_1055 = arith.constant 32 : index
        %get3A_1056 = tpu.vector_load %arg18[%get3A_1054, %get3A_1055] {strides = array<i32>} : memref<320x64xf32, #tpu.memory_space<vmem>>, vector<1x16xf32>,
        %get3A_1057 = vector.shape_cast %get3A_1056 : vector<1x16xf32> to vector<16xf32>
        %add3A_1058 = arith.addf %add3A_1044, %get3A_1057 : vector<16xf32>
        %add3A_1059 = arith.constant 12 : i32
        %add3A_1060 = arith.addi %mul3A_330, %add3A_1059 : i32
        %get3A_1061 = arith.index_cast %add3A_1060 : i32 to index
        %get3A_1062 = arith.constant 32 : index
        %get3A_1063 = tpu.vector_load %arg16[%get3A_1061, %get3A_1062] {strides = array<i32>} : memref<320x64xf32, #tpu.memory_space<vmem>>, vector<1x16xf32>,
        %get3A_1064 = vector.shape_cast %get3A_1063 : vector<1x16xf32> to vector<16xf32>
        %add3A_1065 = arith.addf %add3A_1051, %get3A_1064 : vector<16xf32>
        %add3A_1066 = arith.constant 12 : i32
        %add3A_1067 = arith.addi %mul3A_330, %add3A_1066 : i32
        %get3A_1068 = arith.index_cast %add3A_1067 : i32 to index
        %get3A_1069 = arith.constant 32 : index
        %get3A_1070 = tpu.vector_load %arg18[%get3A_1068, %get3A_1069] {strides = array<i32>} : memref<320x64xf32, #tpu.memory_space<vmem>>, vector<1x16xf32>,
        %get3A_1071 = vector.shape_cast %get3A_1070 : vector<1x16xf32> to vector<16xf32>
        %add3A_1072 = arith.addf %add3A_1058, %get3A_1071 : vector<16xf32>
        %add3A_1073 = arith.constant 13 : i32
        %add3A_1074 = arith.addi %mul3A_330, %add3A_1073 : i32
        %get3A_1075 = arith.index_cast %add3A_1074 : i32 to index
        %get3A_1076 = arith.constant 32 : index
        %get3A_1077 = tpu.vector_load %arg16[%get3A_1075, %get3A_1076] {strides = array<i32>} : memref<320x64xf32, #tpu.memory_space<vmem>>, vector<1x16xf32>,
        %get3A_1078 = vector.shape_cast %get3A_1077 : vector<1x16xf32> to vector<16xf32>
        %add3A_1079 = arith.addf %add3A_1065, %get3A_1078 : vector<16xf32>
        %add3A_1080 = arith.constant 13 : i32
        %add3A_1081 = arith.addi %mul3A_330, %add3A_1080 : i32
        %get3A_1082 = arith.index_cast %add3A_1081 : i32 to index
        %get3A_1083 = arith.constant 32 : index
        %get3A_1084 = tpu.vector_load %arg18[%get3A_1082, %get3A_1083] {strides = array<i32>} : memref<320x64xf32, #tpu.memory_space<vmem>>, vector<1x16xf32>,
        %get3A_1085 = vector.shape_cast %get3A_1084 : vector<1x16xf32> to vector<16xf32>
        %add3A_1086 = arith.addf %add3A_1072, %get3A_1085 : vector<16xf32>
        %add3A_1087 = arith.constant 14 : i32
        %add3A_1088 = arith.addi %mul3A_330, %add3A_1087 : i32
        %get3A_1089 = arith.index_cast %add3A_1088 : i32 to index
        %get3A_1090 = arith.constant 32 : index
        %get3A_1091 = tpu.vector_load %arg16[%get3A_1089, %get3A_1090] {strides = array<i32>} : memref<320x64xf32, #tpu.memory_space<vmem>>, vector<1x16xf32>,
        %get3A_1092 = vector.shape_cast %get3A_1091 : vector<1x16xf32> to vector<16xf32>
        %add3A_1093 = arith.addf %add3A_1079, %get3A_1092 : vector<16xf32>
        %add3A_1094 = arith.constant 14 : i32
        %add3A_1095 = arith.addi %mul3A_330, %add3A_1094 : i32
        %get3A_1096 = arith.index_cast %add3A_1095 : i32 to index
        %get3A_1097 = arith.constant 32 : index
        %get3A_1098 = tpu.vector_load %arg18[%get3A_1096, %get3A_1097] {strides = array<i32>} : memref<320x64xf32, #tpu.memory_space<vmem>>, vector<1x16xf32>,
        %get3A_1099 = vector.shape_cast %get3A_1098 : vector<1x16xf32> to vector<16xf32>
        %add3A_1100 = arith.addf %add3A_1086, %get3A_1099 : vector<16xf32>
        %add3A_1101 = arith.constant 15 : i32
        %add3A_1102 = arith.addi %mul3A_330, %add3A_1101 : i32
        %get3A_1103 = arith.index_cast %add3A_1102 : i32 to index
        %get3A_1104 = arith.constant 32 : index
        %get3A_1105 = tpu.vector_load %arg16[%get3A_1103, %get3A_1104] {strides = array<i32>} : memref<320x64xf32, #tpu.memory_space<vmem>>, vector<1x16xf32>,
        %get3A_1106 = vector.shape_cast %get3A_1105 : vector<1x16xf32> to vector<16xf32>
        %add3A_1107 = arith.addf %add3A_1093, %get3A_1106 : vector<16xf32>
        %add3A_1108 = arith.constant 15 : i32
        %add3A_1109 = arith.addi %mul3A_330, %add3A_1108 : i32
        %get3A_1110 = arith.index_cast %add3A_1109 : i32 to index
        %get3A_1111 = arith.constant 32 : index
        %get3A_1112 = tpu.vector_load %arg18[%get3A_1110, %get3A_1111] {strides = array<i32>} : memref<320x64xf32, #tpu.memory_space<vmem>>, vector<1x16xf32>,
        %get3A_1113 = vector.shape_cast %get3A_1112 : vector<1x16xf32> to vector<16xf32>
        %add3A_1114 = arith.addf %add3A_1100, %get3A_1113 : vector<16xf32>
        %add3A_1115 = arith.constant 16 : i32
        %add3A_1116 = arith.addi %mul3A_330, %add3A_1115 : i32
        %get3A_1117 = arith.index_cast %add3A_1116 : i32 to index
        %get3A_1118 = arith.constant 32 : index
        %get3A_1119 = tpu.vector_load %arg16[%get3A_1117, %get3A_1118] {strides = array<i32>} : memref<320x64xf32, #tpu.memory_space<vmem>>, vector<1x16xf32>,
        %get3A_1120 = vector.shape_cast %get3A_1119 : vector<1x16xf32> to vector<16xf32>
        %add3A_1121 = arith.addf %add3A_1107, %get3A_1120 : vector<16xf32>
        %add3A_1122 = arith.constant 16 : i32
        %add3A_1123 = arith.addi %mul3A_330, %add3A_1122 : i32
        %get3A_1124 = arith.index_cast %add3A_1123 : i32 to index
        %get3A_1125 = arith.constant 32 : index
        %get3A_1126 = tpu.vector_load %arg18[%get3A_1124, %get3A_1125] {strides = array<i32>} : memref<320x64xf32, #tpu.memory_space<vmem>>, vector<1x16xf32>,
        %get3A_1127 = vector.shape_cast %get3A_1126 : vector<1x16xf32> to vector<16xf32>
        %add3A_1128 = arith.addf %add3A_1114, %get3A_1127 : vector<16xf32>
        %add3A_1129 = arith.constant 17 : i32
        %add3A_1130 = arith.addi %mul3A_330, %add3A_1129 : i32
        %get3A_1131 = arith.index_cast %add3A_1130 : i32 to index
        %get3A_1132 = arith.constant 32 : index
        %get3A_1133 = tpu.vector_load %arg16[%get3A_1131, %get3A_1132] {strides = array<i32>} : memref<320x64xf32, #tpu.memory_space<vmem>>, vector<1x16xf32>,
        %get3A_1134 = vector.shape_cast %get3A_1133 : vector<1x16xf32> to vector<16xf32>
        %add3A_1135 = arith.addf %add3A_1121, %get3A_1134 : vector<16xf32>
        %add3A_1136 = arith.constant 17 : i32
        %add3A_1137 = arith.addi %mul3A_330, %add3A_1136 : i32
        %get3A_1138 = arith.index_cast %add3A_1137 : i32 to index
        %get3A_1139 = arith.constant 32 : index
        %get3A_1140 = tpu.vector_load %arg18[%get3A_1138, %get3A_1139] {strides = array<i32>} : memref<320x64xf32, #tpu.memory_space<vmem>>, vector<1x16xf32>,
        %get3A_1141 = vector.shape_cast %get3A_1140 : vector<1x16xf32> to vector<16xf32>
        %add3A_1142 = arith.addf %add3A_1128, %get3A_1141 : vector<16xf32>
        %add3A_1143 = arith.constant 18 : i32
        %add3A_1144 = arith.addi %mul3A_330, %add3A_1143 : i32
        %get3A_1145 = arith.index_cast %add3A_1144 : i32 to index
        %get3A_1146 = arith.constant 32 : index
        %get3A_1147 = tpu.vector_load %arg16[%get3A_1145, %get3A_1146] {strides = array<i32>} : memref<320x64xf32, #tpu.memory_space<vmem>>, vector<1x16xf32>,
        %get3A_1148 = vector.shape_cast %get3A_1147 : vector<1x16xf32> to vector<16xf32>
        %add3A_1149 = arith.addf %add3A_1135, %get3A_1148 : vector<16xf32>
        %add3A_1150 = arith.constant 18 : i32
        %add3A_1151 = arith.addi %mul3A_330, %add3A_1150 : i32
        %get3A_1152 = arith.index_cast %add3A_1151 : i32 to index
        %get3A_1153 = arith.constant 32 : index
        %get3A_1154 = tpu.vector_load %arg18[%get3A_1152, %get3A_1153] {strides = array<i32>} : memref<320x64xf32, #tpu.memory_space<vmem>>, vector<1x16xf32>,
        %get3A_1155 = vector.shape_cast %get3A_1154 : vector<1x16xf32> to vector<16xf32>
        %add3A_1156 = arith.addf %add3A_1142, %get3A_1155 : vector<16xf32>
        %add3A_1157 = arith.constant 19 : i32
        %add3A_1158 = arith.addi %mul3A_330, %add3A_1157 : i32
        %get3A_1159 = arith.index_cast %add3A_1158 : i32 to index
        %get3A_1160 = arith.constant 32 : index
        %get3A_1161 = tpu.vector_load %arg16[%get3A_1159, %get3A_1160] {strides = array<i32>} : memref<320x64xf32, #tpu.memory_space<vmem>>, vector<1x16xf32>,
        %get3A_1162 = vector.shape_cast %get3A_1161 : vector<1x16xf32> to vector<16xf32>
        %add3A_1163 = arith.addf %add3A_1149, %get3A_1162 : vector<16xf32>
        %add3A_1164 = arith.constant 19 : i32
        %add3A_1165 = arith.addi %mul3A_330, %add3A_1164 : i32
        %get3A_1166 = arith.index_cast %add3A_1165 : i32 to index
        %get3A_1167 = arith.constant 32 : index
        %get3A_1168 = tpu.vector_load %arg18[%get3A_1166, %get3A_1167] {strides = array<i32>} : memref<320x64xf32, #tpu.memory_space<vmem>>, vector<1x16xf32>,
        %get3A_1169 = vector.shape_cast %get3A_1168 : vector<1x16xf32> to vector<16xf32>
        %add3A_1170 = arith.addf %add3A_1156, %get3A_1169 : vector<16xf32>
        %get3A_1171 = arith.index_cast %scan3A_327 : i32 to index
        %get3A_1172 = arith.constant 32 : index
        %get3A_1173 = tpu.vector_load %arg20[%get3A_1171, %get3A_1172] {strides = array<i32>} : memref<16x64xf32, #tpu.memory_space<vmem>>, vector<1x16xf32>,
        %get3A_1174 = vector.shape_cast %get3A_1173 : vector<1x16xf32> to vector<16xf32>
        %mul3A_1175 = arith.mulf %get3A_1174, %add3A_1163 : vector<16xf32>
        %add3A_1176 = arith.addf %add3A_894, %mul3A_1175 : vector<16xf32>
        %mul3A_1177 = arith.mulf %get3A_1174, %add3A_1170 : vector<16xf32>
        %add3A_1178 = arith.addf %add3A_896, %mul3A_1177 : vector<16xf32>
        %get3A_1179 = arith.index_cast %mul3A_330 : i32 to index
        %get3A_1180 = arith.constant 48 : index
        %get3A_1181 = tpu.vector_load %arg16[%get3A_1179, %get3A_1180] {strides = array<i32>} : memref<320x64xf32, #tpu.memory_space<vmem>>, vector<1x16xf32>,
        %get3A_1182 = vector.shape_cast %get3A_1181 : vector<1x16xf32> to vector<16xf32>
        %get3A_1183 = arith.index_cast %mul3A_330 : i32 to index
        %get3A_1184 = arith.constant 48 : index
        %get3A_1185 = tpu.vector_load %arg18[%get3A_1183, %get3A_1184] {strides = array<i32>} : memref<320x64xf32, #tpu.memory_space<vmem>>, vector<1x16xf32>,
        %get3A_1186 = vector.shape_cast %get3A_1185 : vector<1x16xf32> to vector<16xf32>
        %add3A_1187 = arith.constant 1 : i32
        %add3A_1188 = arith.addi %mul3A_330, %add3A_1187 : i32
        %get3A_1189 = arith.index_cast %add3A_1188 : i32 to index
        %get3A_1190 = arith.constant 48 : index
        %get3A_1191 = tpu.vector_load %arg16[%get3A_1189, %get3A_1190] {strides = array<i32>} : memref<320x64xf32, #tpu.memory_space<vmem>>, vector<1x16xf32>,
        %get3A_1192 = vector.shape_cast %get3A_1191 : vector<1x16xf32> to vector<16xf32>
        %add3A_1193 = arith.addf %get3A_1182, %get3A_1192 : vector<16xf32>
        %add3A_1194 = arith.constant 1 : i32
        %add3A_1195 = arith.addi %mul3A_330, %add3A_1194 : i32
        %get3A_1196 = arith.index_cast %add3A_1195 : i32 to index
        %get3A_1197 = arith.constant 48 : index
        %get3A_1198 = tpu.vector_load %arg18[%get3A_1196, %get3A_1197] {strides = array<i32>} : memref<320x64xf32, #tpu.memory_space<vmem>>, vector<1x16xf32>,
        %get3A_1199 = vector.shape_cast %get3A_1198 : vector<1x16xf32> to vector<16xf32>
        %add3A_1200 = arith.addf %get3A_1186, %get3A_1199 : vector<16xf32>
        %add3A_1201 = arith.constant 2 : i32
        %add3A_1202 = arith.addi %mul3A_330, %add3A_1201 : i32
        %get3A_1203 = arith.index_cast %add3A_1202 : i32 to index
        %get3A_1204 = arith.constant 48 : index
        %get3A_1205 = tpu.vector_load %arg16[%get3A_1203, %get3A_1204] {strides = array<i32>} : memref<320x64xf32, #tpu.memory_space<vmem>>, vector<1x16xf32>,
        %get3A_1206 = vector.shape_cast %get3A_1205 : vector<1x16xf32> to vector<16xf32>
        %add3A_1207 = arith.addf %add3A_1193, %get3A_1206 : vector<16xf32>
        %add3A_1208 = arith.constant 2 : i32
        %add3A_1209 = arith.addi %mul3A_330, %add3A_1208 : i32
        %get3A_1210 = arith.index_cast %add3A_1209 : i32 to index
        %get3A_1211 = arith.constant 48 : index
        %get3A_1212 = tpu.vector_load %arg18[%get3A_1210, %get3A_1211] {strides = array<i32>} : memref<320x64xf32, #tpu.memory_space<vmem>>, vector<1x16xf32>,
        %get3A_1213 = vector.shape_cast %get3A_1212 : vector<1x16xf32> to vector<16xf32>
        %add3A_1214 = arith.addf %add3A_1200, %get3A_1213 : vector<16xf32>
        %add3A_1215 = arith.constant 3 : i32
        %add3A_1216 = arith.addi %mul3A_330, %add3A_1215 : i32
        %get3A_1217 = arith.index_cast %add3A_1216 : i32 to index
        %get3A_1218 = arith.constant 48 : index
        %get3A_1219 = tpu.vector_load %arg16[%get3A_1217, %get3A_1218] {strides = array<i32>} : memref<320x64xf32, #tpu.memory_space<vmem>>, vector<1x16xf32>,
        %get3A_1220 = vector.shape_cast %get3A_1219 : vector<1x16xf32> to vector<16xf32>
        %add3A_1221 = arith.addf %add3A_1207, %get3A_1220 : vector<16xf32>
        %add3A_1222 = arith.constant 3 : i32
        %add3A_1223 = arith.addi %mul3A_330, %add3A_1222 : i32
        %get3A_1224 = arith.index_cast %add3A_1223 : i32 to index
        %get3A_1225 = arith.constant 48 : index
        %get3A_1226 = tpu.vector_load %arg18[%get3A_1224, %get3A_1225] {strides = array<i32>} : memref<320x64xf32, #tpu.memory_space<vmem>>, vector<1x16xf32>,
        %get3A_1227 = vector.shape_cast %get3A_1226 : vector<1x16xf32> to vector<16xf32>
        %add3A_1228 = arith.addf %add3A_1214, %get3A_1227 : vector<16xf32>
        %add3A_1229 = arith.constant 4 : i32
        %add3A_1230 = arith.addi %mul3A_330, %add3A_1229 : i32
        %get3A_1231 = arith.index_cast %add3A_1230 : i32 to index
        %get3A_1232 = arith.constant 48 : index
        %get3A_1233 = tpu.vector_load %arg16[%get3A_1231, %get3A_1232] {strides = array<i32>} : memref<320x64xf32, #tpu.memory_space<vmem>>, vector<1x16xf32>,
        %get3A_1234 = vector.shape_cast %get3A_1233 : vector<1x16xf32> to vector<16xf32>
        %add3A_1235 = arith.addf %add3A_1221, %get3A_1234 : vector<16xf32>
        %add3A_1236 = arith.constant 4 : i32
        %add3A_1237 = arith.addi %mul3A_330, %add3A_1236 : i32
        %get3A_1238 = arith.index_cast %add3A_1237 : i32 to index
        %get3A_1239 = arith.constant 48 : index
        %get3A_1240 = tpu.vector_load %arg18[%get3A_1238, %get3A_1239] {strides = array<i32>} : memref<320x64xf32, #tpu.memory_space<vmem>>, vector<1x16xf32>,
        %get3A_1241 = vector.shape_cast %get3A_1240 : vector<1x16xf32> to vector<16xf32>
        %add3A_1242 = arith.addf %add3A_1228, %get3A_1241 : vector<16xf32>
        %add3A_1243 = arith.constant 5 : i32
        %add3A_1244 = arith.addi %mul3A_330, %add3A_1243 : i32
        %get3A_1245 = arith.index_cast %add3A_1244 : i32 to index
        %get3A_1246 = arith.constant 48 : index
        %get3A_1247 = tpu.vector_load %arg16[%get3A_1245, %get3A_1246] {strides = array<i32>} : memref<320x64xf32, #tpu.memory_space<vmem>>, vector<1x16xf32>,
        %get3A_1248 = vector.shape_cast %get3A_1247 : vector<1x16xf32> to vector<16xf32>
        %add3A_1249 = arith.addf %add3A_1235, %get3A_1248 : vector<16xf32>
        %add3A_1250 = arith.constant 5 : i32
        %add3A_1251 = arith.addi %mul3A_330, %add3A_1250 : i32
        %get3A_1252 = arith.index_cast %add3A_1251 : i32 to index
        %get3A_1253 = arith.constant 48 : index
        %get3A_1254 = tpu.vector_load %arg18[%get3A_1252, %get3A_1253] {strides = array<i32>} : memref<320x64xf32, #tpu.memory_space<vmem>>, vector<1x16xf32>,
        %get3A_1255 = vector.shape_cast %get3A_1254 : vector<1x16xf32> to vector<16xf32>
        %add3A_1256 = arith.addf %add3A_1242, %get3A_1255 : vector<16xf32>
        %add3A_1257 = arith.constant 6 : i32
        %add3A_1258 = arith.addi %mul3A_330, %add3A_1257 : i32
        %get3A_1259 = arith.index_cast %add3A_1258 : i32 to index
        %get3A_1260 = arith.constant 48 : index
        %get3A_1261 = tpu.vector_load %arg16[%get3A_1259, %get3A_1260] {strides = array<i32>} : memref<320x64xf32, #tpu.memory_space<vmem>>, vector<1x16xf32>,
        %get3A_1262 = vector.shape_cast %get3A_1261 : vector<1x16xf32> to vector<16xf32>
        %add3A_1263 = arith.addf %add3A_1249, %get3A_1262 : vector<16xf32>
        %add3A_1264 = arith.constant 6 : i32
        %add3A_1265 = arith.addi %mul3A_330, %add3A_1264 : i32
        %get3A_1266 = arith.index_cast %add3A_1265 : i32 to index
        %get3A_1267 = arith.constant 48 : index
        %get3A_1268 = tpu.vector_load %arg18[%get3A_1266, %get3A_1267] {strides = array<i32>} : memref<320x64xf32, #tpu.memory_space<vmem>>, vector<1x16xf32>,
        %get3A_1269 = vector.shape_cast %get3A_1268 : vector<1x16xf32> to vector<16xf32>
        %add3A_1270 = arith.addf %add3A_1256, %get3A_1269 : vector<16xf32>
        %add3A_1271 = arith.constant 7 : i32
        %add3A_1272 = arith.addi %mul3A_330, %add3A_1271 : i32
        %get3A_1273 = arith.index_cast %add3A_1272 : i32 to index
        %get3A_1274 = arith.constant 48 : index
        %get3A_1275 = tpu.vector_load %arg16[%get3A_1273, %get3A_1274] {strides = array<i32>} : memref<320x64xf32, #tpu.memory_space<vmem>>, vector<1x16xf32>,
        %get3A_1276 = vector.shape_cast %get3A_1275 : vector<1x16xf32> to vector<16xf32>
        %add3A_1277 = arith.addf %add3A_1263, %get3A_1276 : vector<16xf32>
        %add3A_1278 = arith.constant 7 : i32
        %add3A_1279 = arith.addi %mul3A_330, %add3A_1278 : i32
        %get3A_1280 = arith.index_cast %add3A_1279 : i32 to index
        %get3A_1281 = arith.constant 48 : index
        %get3A_1282 = tpu.vector_load %arg18[%get3A_1280, %get3A_1281] {strides = array<i32>} : memref<320x64xf32, #tpu.memory_space<vmem>>, vector<1x16xf32>,
        %get3A_1283 = vector.shape_cast %get3A_1282 : vector<1x16xf32> to vector<16xf32>
        %add3A_1284 = arith.addf %add3A_1270, %get3A_1283 : vector<16xf32>
        %add3A_1285 = arith.constant 8 : i32
        %add3A_1286 = arith.addi %mul3A_330, %add3A_1285 : i32
        %get3A_1287 = arith.index_cast %add3A_1286 : i32 to index
        %get3A_1288 = arith.constant 48 : index
        %get3A_1289 = tpu.vector_load %arg16[%get3A_1287, %get3A_1288] {strides = array<i32>} : memref<320x64xf32, #tpu.memory_space<vmem>>, vector<1x16xf32>,
        %get3A_1290 = vector.shape_cast %get3A_1289 : vector<1x16xf32> to vector<16xf32>
        %add3A_1291 = arith.addf %add3A_1277, %get3A_1290 : vector<16xf32>
        %add3A_1292 = arith.constant 8 : i32
        %add3A_1293 = arith.addi %mul3A_330, %add3A_1292 : i32
        %get3A_1294 = arith.index_cast %add3A_1293 : i32 to index
        %get3A_1295 = arith.constant 48 : index
        %get3A_1296 = tpu.vector_load %arg18[%get3A_1294, %get3A_1295] {strides = array<i32>} : memref<320x64xf32, #tpu.memory_space<vmem>>, vector<1x16xf32>,
        %get3A_1297 = vector.shape_cast %get3A_1296 : vector<1x16xf32> to vector<16xf32>
        %add3A_1298 = arith.addf %add3A_1284, %get3A_1297 : vector<16xf32>
        %add3A_1299 = arith.constant 9 : i32
        %add3A_1300 = arith.addi %mul3A_330, %add3A_1299 : i32
        %get3A_1301 = arith.index_cast %add3A_1300 : i32 to index
        %get3A_1302 = arith.constant 48 : index
        %get3A_1303 = tpu.vector_load %arg16[%get3A_1301, %get3A_1302] {strides = array<i32>} : memref<320x64xf32, #tpu.memory_space<vmem>>, vector<1x16xf32>,
        %get3A_1304 = vector.shape_cast %get3A_1303 : vector<1x16xf32> to vector<16xf32>
        %add3A_1305 = arith.addf %add3A_1291, %get3A_1304 : vector<16xf32>
        %add3A_1306 = arith.constant 9 : i32
        %add3A_1307 = arith.addi %mul3A_330, %add3A_1306 : i32
        %get3A_1308 = arith.index_cast %add3A_1307 : i32 to index
        %get3A_1309 = arith.constant 48 : index
        %get3A_1310 = tpu.vector_load %arg18[%get3A_1308, %get3A_1309] {strides = array<i32>} : memref<320x64xf32, #tpu.memory_space<vmem>>, vector<1x16xf32>,
        %get3A_1311 = vector.shape_cast %get3A_1310 : vector<1x16xf32> to vector<16xf32>
        %add3A_1312 = arith.addf %add3A_1298, %get3A_1311 : vector<16xf32>
        %add3A_1313 = arith.constant 10 : i32
        %add3A_1314 = arith.addi %mul3A_330, %add3A_1313 : i32
        %get3A_1315 = arith.index_cast %add3A_1314 : i32 to index
        %get3A_1316 = arith.constant 48 : index
        %get3A_1317 = tpu.vector_load %arg16[%get3A_1315, %get3A_1316] {strides = array<i32>} : memref<320x64xf32, #tpu.memory_space<vmem>>, vector<1x16xf32>,
        %get3A_1318 = vector.shape_cast %get3A_1317 : vector<1x16xf32> to vector<16xf32>
        %add3A_1319 = arith.addf %add3A_1305, %get3A_1318 : vector<16xf32>
        %add3A_1320 = arith.constant 10 : i32
        %add3A_1321 = arith.addi %mul3A_330, %add3A_1320 : i32
        %get3A_1322 = arith.index_cast %add3A_1321 : i32 to index
        %get3A_1323 = arith.constant 48 : index
        %get3A_1324 = tpu.vector_load %arg18[%get3A_1322, %get3A_1323] {strides = array<i32>} : memref<320x64xf32, #tpu.memory_space<vmem>>, vector<1x16xf32>,
        %get3A_1325 = vector.shape_cast %get3A_1324 : vector<1x16xf32> to vector<16xf32>
        %add3A_1326 = arith.addf %add3A_1312, %get3A_1325 : vector<16xf32>
        %add3A_1327 = arith.constant 11 : i32
        %add3A_1328 = arith.addi %mul3A_330, %add3A_1327 : i32
        %get3A_1329 = arith.index_cast %add3A_1328 : i32 to index
        %get3A_1330 = arith.constant 48 : index
        %get3A_1331 = tpu.vector_load %arg16[%get3A_1329, %get3A_1330] {strides = array<i32>} : memref<320x64xf32, #tpu.memory_space<vmem>>, vector<1x16xf32>,
        %get3A_1332 = vector.shape_cast %get3A_1331 : vector<1x16xf32> to vector<16xf32>
        %add3A_1333 = arith.addf %add3A_1319, %get3A_1332 : vector<16xf32>
        %add3A_1334 = arith.constant 11 : i32
        %add3A_1335 = arith.addi %mul3A_330, %add3A_1334 : i32
        %get3A_1336 = arith.index_cast %add3A_1335 : i32 to index
        %get3A_1337 = arith.constant 48 : index
        %get3A_1338 = tpu.vector_load %arg18[%get3A_1336, %get3A_1337] {strides = array<i32>} : memref<320x64xf32, #tpu.memory_space<vmem>>, vector<1x16xf32>,
        %get3A_1339 = vector.shape_cast %get3A_1338 : vector<1x16xf32> to vector<16xf32>
        %add3A_1340 = arith.addf %add3A_1326, %get3A_1339 : vector<16xf32>
        %add3A_1341 = arith.constant 12 : i32
        %add3A_1342 = arith.addi %mul3A_330, %add3A_1341 : i32
        %get3A_1343 = arith.index_cast %add3A_1342 : i32 to index
        %get3A_1344 = arith.constant 48 : index
        %get3A_1345 = tpu.vector_load %arg16[%get3A_1343, %get3A_1344] {strides = array<i32>} : memref<320x64xf32, #tpu.memory_space<vmem>>, vector<1x16xf32>,
        %get3A_1346 = vector.shape_cast %get3A_1345 : vector<1x16xf32> to vector<16xf32>
        %add3A_1347 = arith.addf %add3A_1333, %get3A_1346 : vector<16xf32>
        %add3A_1348 = arith.constant 12 : i32
        %add3A_1349 = arith.addi %mul3A_330, %add3A_1348 : i32
        %get3A_1350 = arith.index_cast %add3A_1349 : i32 to index
        %get3A_1351 = arith.constant 48 : index
        %get3A_1352 = tpu.vector_load %arg18[%get3A_1350, %get3A_1351] {strides = array<i32>} : memref<320x64xf32, #tpu.memory_space<vmem>>, vector<1x16xf32>,
        %get3A_1353 = vector.shape_cast %get3A_1352 : vector<1x16xf32> to vector<16xf32>
        %add3A_1354 = arith.addf %add3A_1340, %get3A_1353 : vector<16xf32>
        %add3A_1355 = arith.constant 13 : i32
        %add3A_1356 = arith.addi %mul3A_330, %add3A_1355 : i32
        %get3A_1357 = arith.index_cast %add3A_1356 : i32 to index
        %get3A_1358 = arith.constant 48 : index
        %get3A_1359 = tpu.vector_load %arg16[%get3A_1357, %get3A_1358] {strides = array<i32>} : memref<320x64xf32, #tpu.memory_space<vmem>>, vector<1x16xf32>,
        %get3A_1360 = vector.shape_cast %get3A_1359 : vector<1x16xf32> to vector<16xf32>
        %add3A_1361 = arith.addf %add3A_1347, %get3A_1360 : vector<16xf32>
        %add3A_1362 = arith.constant 13 : i32
        %add3A_1363 = arith.addi %mul3A_330, %add3A_1362 : i32
        %get3A_1364 = arith.index_cast %add3A_1363 : i32 to index
        %get3A_1365 = arith.constant 48 : index
        %get3A_1366 = tpu.vector_load %arg18[%get3A_1364, %get3A_1365] {strides = array<i32>} : memref<320x64xf32, #tpu.memory_space<vmem>>, vector<1x16xf32>,
        %get3A_1367 = vector.shape_cast %get3A_1366 : vector<1x16xf32> to vector<16xf32>
        %add3A_1368 = arith.addf %add3A_1354, %get3A_1367 : vector<16xf32>
        %add3A_1369 = arith.constant 14 : i32
        %add3A_1370 = arith.addi %mul3A_330, %add3A_1369 : i32
        %get3A_1371 = arith.index_cast %add3A_1370 : i32 to index
        %get3A_1372 = arith.constant 48 : index
        %get3A_1373 = tpu.vector_load %arg16[%get3A_1371, %get3A_1372] {strides = array<i32>} : memref<320x64xf32, #tpu.memory_space<vmem>>, vector<1x16xf32>,
        %get3A_1374 = vector.shape_cast %get3A_1373 : vector<1x16xf32> to vector<16xf32>
        %add3A_1375 = arith.addf %add3A_1361, %get3A_1374 : vector<16xf32>
        %add3A_1376 = arith.constant 14 : i32
        %add3A_1377 = arith.addi %mul3A_330, %add3A_1376 : i32
        %get3A_1378 = arith.index_cast %add3A_1377 : i32 to index
        %get3A_1379 = arith.constant 48 : index
        %get3A_1380 = tpu.vector_load %arg18[%get3A_1378, %get3A_1379] {strides = array<i32>} : memref<320x64xf32, #tpu.memory_space<vmem>>, vector<1x16xf32>,
        %get3A_1381 = vector.shape_cast %get3A_1380 : vector<1x16xf32> to vector<16xf32>
        %add3A_1382 = arith.addf %add3A_1368, %get3A_1381 : vector<16xf32>
        %add3A_1383 = arith.constant 15 : i32
        %add3A_1384 = arith.addi %mul3A_330, %add3A_1383 : i32
        %get3A_1385 = arith.index_cast %add3A_1384 : i32 to index
        %get3A_1386 = arith.constant 48 : index
        %get3A_1387 = tpu.vector_load %arg16[%get3A_1385, %get3A_1386] {strides = array<i32>} : memref<320x64xf32, #tpu.memory_space<vmem>>, vector<1x16xf32>,
        %get3A_1388 = vector.shape_cast %get3A_1387 : vector<1x16xf32> to vector<16xf32>
        %add3A_1389 = arith.addf %add3A_1375, %get3A_1388 : vector<16xf32>
        %add3A_1390 = arith.constant 15 : i32
        %add3A_1391 = arith.addi %mul3A_330, %add3A_1390 : i32
        %get3A_1392 = arith.index_cast %add3A_1391 : i32 to index
        %get3A_1393 = arith.constant 48 : index
        %get3A_1394 = tpu.vector_load %arg18[%get3A_1392, %get3A_1393] {strides = array<i32>} : memref<320x64xf32, #tpu.memory_space<vmem>>, vector<1x16xf32>,
        %get3A_1395 = vector.shape_cast %get3A_1394 : vector<1x16xf32> to vector<16xf32>
        %add3A_1396 = arith.addf %add3A_1382, %get3A_1395 : vector<16xf32>
        %add3A_1397 = arith.constant 16 : i32
        %add3A_1398 = arith.addi %mul3A_330, %add3A_1397 : i32
        %get3A_1399 = arith.index_cast %add3A_1398 : i32 to index
        %get3A_1400 = arith.constant 48 : index
        %get3A_1401 = tpu.vector_load %arg16[%get3A_1399, %get3A_1400] {strides = array<i32>} : memref<320x64xf32, #tpu.memory_space<vmem>>, vector<1x16xf32>,
        %get3A_1402 = vector.shape_cast %get3A_1401 : vector<1x16xf32> to vector<16xf32>
        %add3A_1403 = arith.addf %add3A_1389, %get3A_1402 : vector<16xf32>
        %add3A_1404 = arith.constant 16 : i32
        %add3A_1405 = arith.addi %mul3A_330, %add3A_1404 : i32
        %get3A_1406 = arith.index_cast %add3A_1405 : i32 to index
        %get3A_1407 = arith.constant 48 : index
        %get3A_1408 = tpu.vector_load %arg18[%get3A_1406, %get3A_1407] {strides = array<i32>} : memref<320x64xf32, #tpu.memory_space<vmem>>, vector<1x16xf32>,
        %get3A_1409 = vector.shape_cast %get3A_1408 : vector<1x16xf32> to vector<16xf32>
        %add3A_1410 = arith.addf %add3A_1396, %get3A_1409 : vector<16xf32>
        %add3A_1411 = arith.constant 17 : i32
        %add3A_1412 = arith.addi %mul3A_330, %add3A_1411 : i32
        %get3A_1413 = arith.index_cast %add3A_1412 : i32 to index
        %get3A_1414 = arith.constant 48 : index
        %get3A_1415 = tpu.vector_load %arg16[%get3A_1413, %get3A_1414] {strides = array<i32>} : memref<320x64xf32, #tpu.memory_space<vmem>>, vector<1x16xf32>,
        %get3A_1416 = vector.shape_cast %get3A_1415 : vector<1x16xf32> to vector<16xf32>
        %add3A_1417 = arith.addf %add3A_1403, %get3A_1416 : vector<16xf32>
        %add3A_1418 = arith.constant 17 : i32
        %add3A_1419 = arith.addi %mul3A_330, %add3A_1418 : i32
        %get3A_1420 = arith.index_cast %add3A_1419 : i32 to index
        %get3A_1421 = arith.constant 48 : index
        %get3A_1422 = tpu.vector_load %arg18[%get3A_1420, %get3A_1421] {strides = array<i32>} : memref<320x64xf32, #tpu.memory_space<vmem>>, vector<1x16xf32>,
        %get3A_1423 = vector.shape_cast %get3A_1422 : vector<1x16xf32> to vector<16xf32>
        %add3A_1424 = arith.addf %add3A_1410, %get3A_1423 : vector<16xf32>
        %add3A_1425 = arith.constant 18 : i32
        %add3A_1426 = arith.addi %mul3A_330, %add3A_1425 : i32
        %get3A_1427 = arith.index_cast %add3A_1426 : i32 to index
        %get3A_1428 = arith.constant 48 : index
        %get3A_1429 = tpu.vector_load %arg16[%get3A_1427, %get3A_1428] {strides = array<i32>} : memref<320x64xf32, #tpu.memory_space<vmem>>, vector<1x16xf32>,
        %get3A_1430 = vector.shape_cast %get3A_1429 : vector<1x16xf32> to vector<16xf32>
        %add3A_1431 = arith.addf %add3A_1417, %get3A_1430 : vector<16xf32>
        %add3A_1432 = arith.constant 18 : i32
        %add3A_1433 = arith.addi %mul3A_330, %add3A_1432 : i32
        %get3A_1434 = arith.index_cast %add3A_1433 : i32 to index
        %get3A_1435 = arith.constant 48 : index
        %get3A_1436 = tpu.vector_load %arg18[%get3A_1434, %get3A_1435] {strides = array<i32>} : memref<320x64xf32, #tpu.memory_space<vmem>>, vector<1x16xf32>,
        %get3A_1437 = vector.shape_cast %get3A_1436 : vector<1x16xf32> to vector<16xf32>
        %add3A_1438 = arith.addf %add3A_1424, %get3A_1437 : vector<16xf32>
        %add3A_1439 = arith.constant 19 : i32
        %add3A_1440 = arith.addi %mul3A_330, %add3A_1439 : i32
        %get3A_1441 = arith.index_cast %add3A_1440 : i32 to index
        %get3A_1442 = arith.constant 48 : index
        %get3A_1443 = tpu.vector_load %arg16[%get3A_1441, %get3A_1442] {strides = array<i32>} : memref<320x64xf32, #tpu.memory_space<vmem>>, vector<1x16xf32>,
        %get3A_1444 = vector.shape_cast %get3A_1443 : vector<1x16xf32> to vector<16xf32>
        %add3A_1445 = arith.addf %add3A_1431, %get3A_1444 : vector<16xf32>
        %add3A_1446 = arith.constant 19 : i32
        %add3A_1447 = arith.addi %mul3A_330, %add3A_1446 : i32
        %get3A_1448 = arith.index_cast %add3A_1447 : i32 to index
        %get3A_1449 = arith.constant 48 : index
        %get3A_1450 = tpu.vector_load %arg18[%get3A_1448, %get3A_1449] {strides = array<i32>} : memref<320x64xf32, #tpu.memory_space<vmem>>, vector<1x16xf32>,
        %get3A_1451 = vector.shape_cast %get3A_1450 : vector<1x16xf32> to vector<16xf32>
        %add3A_1452 = arith.addf %add3A_1438, %get3A_1451 : vector<16xf32>
        %get3A_1453 = arith.index_cast %scan3A_327 : i32 to index
        %get3A_1454 = arith.constant 48 : index
        %get3A_1455 = tpu.vector_load %arg20[%get3A_1453, %get3A_1454] {strides = array<i32>} : memref<16x64xf32, #tpu.memory_space<vmem>>, vector<1x16xf32>,
        %get3A_1456 = vector.shape_cast %get3A_1455 : vector<1x16xf32> to vector<16xf32>
        %mul3A_1457 = arith.mulf %get3A_1456, %add3A_1445 : vector<16xf32>
        %add3A_1458 = arith.addf %add3A_1176, %mul3A_1457 : vector<16xf32>
        %mul3A_1459 = arith.mulf %get3A_1456, %add3A_1452 : vector<16xf32>
        %add3A_1460 = arith.addf %add3A_1178, %mul3A_1459 : vector<16xf32>
        %swap3A = arith.index_cast %scan3A_327 : i32 to index
        %swap3A_1461 = arith.constant 0 : index
        %swap3A_1462 = tpu.vector_load %arg22[%swap3A, %swap3A_1461] {strides = array<i32>} : memref<16x16xf32, #tpu.memory_space<vmem>>, vector<1x16xf32>,
        %swap3A_1463 = vector.shape_cast %swap3A_1462 : vector<1x16xf32> to vector<16xf32>
        %swap3A_1464 = vector.shape_cast %add3A_1458 : vector<16xf32> to vector<1x16xf32>
        tpu.vector_store %arg22[%swap3A, %swap3A_1461], %swap3A_1464 {strides = array<i32>} : memref<16x16xf32, #tpu.memory_space<vmem>>, vector<1x16xf32>,
        %swap3A_1465 = arith.index_cast %scan3A_327 : i32 to index
        %swap3A_1466 = arith.constant 0 : index
        %swap3A_1467 = tpu.vector_load %arg24[%swap3A_1465, %swap3A_1466] {strides = array<i32>} : memref<16x16xf32, #tpu.memory_space<vmem>>, vector<1x16xf32>,
        %swap3A_1468 = vector.shape_cast %swap3A_1467 : vector<1x16xf32> to vector<16xf32>
        %swap3A_1469 = vector.shape_cast %add3A_1460 : vector<16xf32> to vector<1x16xf32>
        tpu.vector_store %arg24[%swap3A_1465, %swap3A_1466], %swap3A_1469 {strides = array<i32>} : memref<16x16xf32, #tpu.memory_space<vmem>>, vector<1x16xf32>,
        %scan3A_1470 = arith.constant 0 : i32
        scf.yield %scan3A_1470 : i32
      }
      %scan3A_320 = arith.constant 16 : i32
      "tpu.region"() ({
        %run_scoped3A = tpu.sem_alloc : memref<!tpu.dma_semaphore, #tpu.memory_space<semaphore_mem>>
        %dma_start3A_327 = arith.constant 0 : i32
        %dma_start3A_328 = tpu.memref_slice %arg7[%add3A_246, %dma_start3A_327] : memref<16384x16xf32, #tpu.memory_space<hbm>> -> memref<16x16xf32, #tpu.memory_space<hbm>>
        %dma_start3A_329 = arith.constant 0 : i32
        %dma_start3A_330 = tpu.memref_slice %arg7[%add3A_246, %dma_start3A_329] : memref<16384x16xf32, #tpu.memory_space<hbm>> -> memref<16x16xf32, #tpu.memory_space<hbm>>
        tpu.enqueue_dma source(%arg22 : memref<16x16xf32, #tpu.memory_space<vmem>>) target(%dma_start3A_330 : memref<16x16xf32, #tpu.memory_space<hbm>>) target_semaphore(%run_scoped3A : memref<!tpu.dma_semaphore, #tpu.memory_space<semaphore_mem>>)
        %dma_wait3A_331 = arith.constant 0 : i32
        %dma_wait3A_332 = tpu.memref_slice %arg7[%add3A_246, %dma_wait3A_331] : memref<16384x16xf32, #tpu.memory_space<hbm>> -> memref<16x16xf32, #tpu.memory_space<hbm>>
        %dma_wait3A_333 = arith.constant 0 : i32
        %dma_wait3A_334 = tpu.memref_slice %arg7[%add3A_246, %dma_wait3A_333] : memref<16384x16xf32, #tpu.memory_space<hbm>> -> memref<16x16xf32, #tpu.memory_space<hbm>>
        tpu.wait_dma2 semaphore(%run_scoped3A : memref<!tpu.dma_semaphore, #tpu.memory_space<semaphore_mem>>) src(%arg22 : memref<16x16xf32, #tpu.memory_space<vmem>>) dst(%dma_wait3A_334 : memref<16x16xf32, #tpu.memory_space<hbm>>)
        tpu.yield
      }) : () -> ()
      "tpu.region"() ({
        %run_scoped3A = tpu.sem_alloc : memref<!tpu.dma_semaphore, #tpu.memory_space<semaphore_mem>>
        %dma_start3A_327 = arith.constant 0 : i32
        %dma_start3A_328 = tpu.memref_slice %arg8[%add3A_246, %dma_start3A_327] : memref<16384x16xf32, #tpu.memory_space<hbm>> -> memref<16x16xf32, #tpu.memory_space<hbm>>
        %dma_start3A_329 = arith.constant 0 : i32
        %dma_start3A_330 = tpu.memref_slice %arg8[%add3A_246, %dma_start3A_329] : memref<16384x16xf32, #tpu.memory_space<hbm>> -> memref<16x16xf32, #tpu.memory_space<hbm>>
        tpu.enqueue_dma source(%arg24 : memref<16x16xf32, #tpu.memory_space<vmem>>) target(%dma_start3A_330 : memref<16x16xf32, #tpu.memory_space<hbm>>) target_semaphore(%run_scoped3A : memref<!tpu.dma_semaphore, #tpu.memory_space<semaphore_mem>>)
        %dma_wait3A_331 = arith.constant 0 : i32
        %dma_wait3A_332 = tpu.memref_slice %arg8[%add3A_246, %dma_wait3A_331] : memref<16384x16xf32, #tpu.memory_space<hbm>> -> memref<16x16xf32, #tpu.memory_space<hbm>>
        %dma_wait3A_333 = arith.constant 0 : i32
        %dma_wait3A_334 = tpu.memref_slice %arg8[%add3A_246, %dma_wait3A_333] : memref<16384x16xf32, #tpu.memory_space<hbm>> -> memref<16x16xf32, #tpu.memory_space<hbm>>
        tpu.wait_dma2 semaphore(%run_scoped3A : memref<!tpu.dma_semaphore, #tpu.memory_space<semaphore_mem>>) src(%arg24 : memref<16x16xf32, #tpu.memory_space<vmem>>) dst(%dma_wait3A_334 : memref<16x16xf32, #tpu.memory_space<hbm>>)
        tpu.yield
      }) : () -> ()
      %lt3A_321 = arith.constant 15 : i32
      %lt3A_322 = arith.cmpi slt, %scan3A_156, %lt3A_321 : i32
      %convert_element_type3A_323 = arith.extui %lt3A_322 : i1 to i32
      %cond3A_324 = arith.constant 0 : i32
      %cond3A_325 = arith.cmpi ne, %convert_element_type3A_323, %cond3A_324 : i32
      scf.if %cond3A_325 {
        %add3A_327 = arith.constant 3 : i32
        %add3A_328 = arith.addi %mul3A_159, %add3A_327 : i32
        %mul3A_329 = arith.constant 512 : i32
        %mul3A_330 = arith.muli %add3A, %mul3A_329 : i32
        %mul3A_331 = arith.constant 16 : i32
        %mul3A_332 = arith.muli %add3A_328, %mul3A_331 : i32
        %add3A_333 = arith.addi %mul3A_330, %mul3A_332 : i32
        %mul3A_334 = arith.constant 20 : i32
        %mul3A_335 = arith.muli %add3A_333, %mul3A_334 : i32
        "tpu.region"() ({
          %run_scoped3A = tpu.sem_alloc : memref<!tpu.dma_semaphore, #tpu.memory_space<semaphore_mem>>
          %dma_start3A_405 = tpu.memref_slice %arg3[%mul3A_335] : memref<327680xi32, #tpu.memory_space<hbm>> -> memref<320xi32, #tpu.memory_space<hbm>>
          %dma_start3A_406 = tpu.memref_slice %arg3[%mul3A_335] : memref<327680xi32, #tpu.memory_space<hbm>> -> memref<320xi32, #tpu.memory_space<hbm>>
          tpu.enqueue_dma source(%dma_start3A_406 : memref<320xi32, #tpu.memory_space<hbm>>) target(%arg10 : memref<320xi32, #tpu.memory_space<vmem>>) target_semaphore(%run_scoped3A : memref<!tpu.dma_semaphore, #tpu.memory_space<semaphore_mem>>)
          %dma_wait3A_407 = tpu.memref_slice %arg3[%mul3A_335] : memref<327680xi32, #tpu.memory_space<hbm>> -> memref<320xi32, #tpu.memory_space<hbm>>
          %dma_wait3A_408 = tpu.memref_slice %arg3[%mul3A_335] : memref<327680xi32, #tpu.memory_space<hbm>> -> memref<320xi32, #tpu.memory_space<hbm>>
          tpu.wait_dma2 semaphore(%run_scoped3A : memref<!tpu.dma_semaphore, #tpu.memory_space<semaphore_mem>>) src(%dma_wait3A_408 : memref<320xi32, #tpu.memory_space<hbm>>) dst(%arg10 : memref<320xi32, #tpu.memory_space<vmem>>)
          tpu.yield
        }) : () -> ()
        %mul3A_336 = arith.constant 20 : i32
        %mul3A_337 = arith.muli %add3A_333, %mul3A_336 : i32
        "tpu.region"() ({
          %run_scoped3A = tpu.sem_alloc : memref<!tpu.dma_semaphore, #tpu.memory_space<semaphore_mem>>
          %dma_start3A_405 = tpu.memref_slice %arg4[%mul3A_337] : memref<327680xi32, #tpu.memory_space<hbm>> -> memref<320xi32, #tpu.memory_space<hbm>>
          %dma_start3A_406 = tpu.memref_slice %arg4[%mul3A_337] : memref<327680xi32, #tpu.memory_space<hbm>> -> memref<320xi32, #tpu.memory_space<hbm>>
          tpu.enqueue_dma source(%dma_start3A_406 : memref<320xi32, #tpu.memory_space<hbm>>) target(%arg12 : memref<320xi32, #tpu.memory_space<vmem>>) target_semaphore(%run_scoped3A : memref<!tpu.dma_semaphore, #tpu.memory_space<semaphore_mem>>)
          %dma_wait3A_407 = tpu.memref_slice %arg4[%mul3A_337] : memref<327680xi32, #tpu.memory_space<hbm>> -> memref<320xi32, #tpu.memory_space<hbm>>
          %dma_wait3A_408 = tpu.memref_slice %arg4[%mul3A_337] : memref<327680xi32, #tpu.memory_space<hbm>> -> memref<320xi32, #tpu.memory_space<hbm>>
          tpu.wait_dma2 semaphore(%run_scoped3A : memref<!tpu.dma_semaphore, #tpu.memory_space<semaphore_mem>>) src(%dma_wait3A_408 : memref<320xi32, #tpu.memory_space<hbm>>) dst(%arg12 : memref<320xi32, #tpu.memory_space<vmem>>)
          tpu.yield
        }) : () -> ()
        "tpu.region"() ({
          %run_scoped3A = tpu.sem_alloc : memref<!tpu.dma_semaphore, #tpu.memory_space<semaphore_mem>>
          %dma_start3A_405 = tpu.memref_slice %arg2[%add3A_333] : memref<16384xi32, #tpu.memory_space<hbm>> -> memref<16xi32, #tpu.memory_space<hbm>>
          %dma_start3A_406 = tpu.memref_slice %arg2[%add3A_333] : memref<16384xi32, #tpu.memory_space<hbm>> -> memref<16xi32, #tpu.memory_space<hbm>>
          tpu.enqueue_dma source(%dma_start3A_406 : memref<16xi32, #tpu.memory_space<hbm>>) target(%arg14 : memref<16xi32, #tpu.memory_space<vmem>>) target_semaphore(%run_scoped3A : memref<!tpu.dma_semaphore, #tpu.memory_space<semaphore_mem>>)
          %dma_wait3A_407 = tpu.memref_slice %arg2[%add3A_333] : memref<16384xi32, #tpu.memory_space<hbm>> -> memref<16xi32, #tpu.memory_space<hbm>>
          %dma_wait3A_408 = tpu.memref_slice %arg2[%add3A_333] : memref<16384xi32, #tpu.memory_space<hbm>> -> memref<16xi32, #tpu.memory_space<hbm>>
          tpu.wait_dma2 semaphore(%run_scoped3A : memref<!tpu.dma_semaphore, #tpu.memory_space<semaphore_mem>>) src(%dma_wait3A_408 : memref<16xi32, #tpu.memory_space<hbm>>) dst(%arg14 : memref<16xi32, #tpu.memory_space<vmem>>)
          tpu.yield
        }) : () -> ()
        %dma_start3A_338 = arith.constant 0 : i32
        %dma_start3A_339 = arith.constant 0 : i32
        %dma_start3A_340 = tpu.memref_slice %arg16[%dma_start3A_338, %dma_start3A_339] : memref<320x64xf32, #tpu.memory_space<vmem>> -> memref<80x64xf32, #tpu.memory_space<vmem>>
        %dma_start3A_341 = arith.constant 0 : i32
        %dma_start3A_342 = tpu.memref_slice %arg10[%dma_start3A_341] : memref<320xi32, #tpu.memory_space<vmem>> -> memref<80xi32, #tpu.memory_space<vmem>>
        %dma_start3A_343 = arith.constant 0 : i32
        %dma_start3A_344 = arith.constant 0 : i32
        %dma_start3A_345 = tpu.memref_slice %arg6[%dma_start3A_343, %dma_start3A_344] : memref<100000x64xf32, #tpu.memory_space<hbm>> -> memref<100000x64xf32, #tpu.memory_space<hbm>>
        tpu.enqueue_indirect_dma source(%dma_start3A_345 : memref<100000x64xf32, #tpu.memory_space<hbm>>) target(%dma_start3A_340 : memref<80x64xf32, #tpu.memory_space<vmem>>) offsets(%dma_start3A_342 : memref<80xi32, #tpu.memory_space<vmem>>) semaphore(%arg26 : memref<!tpu.dma_semaphore, #tpu.memory_space<semaphore_mem>>)
        %dma_start3A_346 = arith.constant 0 : i32
        %dma_start3A_347 = arith.constant 0 : i32
        %dma_start3A_348 = tpu.memref_slice %arg18[%dma_start3A_346, %dma_start3A_347] : memref<320x64xf32, #tpu.memory_space<vmem>> -> memref<80x64xf32, #tpu.memory_space<vmem>>
        %dma_start3A_349 = arith.constant 0 : i32
        %dma_start3A_350 = tpu.memref_slice %arg12[%dma_start3A_349] : memref<320xi32, #tpu.memory_space<vmem>> -> memref<80xi32, #tpu.memory_space<vmem>>
        %dma_start3A_351 = arith.constant 0 : i32
        %dma_start3A_352 = arith.constant 0 : i32
        %dma_start3A_353 = tpu.memref_slice %arg6[%dma_start3A_351, %dma_start3A_352] : memref<100000x64xf32, #tpu.memory_space<hbm>> -> memref<100000x64xf32, #tpu.memory_space<hbm>>
        tpu.enqueue_indirect_dma source(%dma_start3A_353 : memref<100000x64xf32, #tpu.memory_space<hbm>>) target(%dma_start3A_348 : memref<80x64xf32, #tpu.memory_space<vmem>>) offsets(%dma_start3A_350 : memref<80xi32, #tpu.memory_space<vmem>>) semaphore(%arg26 : memref<!tpu.dma_semaphore, #tpu.memory_space<semaphore_mem>>)
        %dma_start3A_354 = arith.constant 80 : i32
        %dma_start3A_355 = arith.constant 0 : i32
        %dma_start3A_356 = tpu.memref_slice %arg16[%dma_start3A_354, %dma_start3A_355] : memref<320x64xf32, #tpu.memory_space<vmem>> -> memref<80x64xf32, #tpu.memory_space<vmem>>
        %dma_start3A_357 = arith.constant 80 : i32
        %dma_start3A_358 = tpu.memref_slice %arg10[%dma_start3A_357] : memref<320xi32, #tpu.memory_space<vmem>> -> memref<80xi32, #tpu.memory_space<vmem>>
        %dma_start3A_359 = arith.constant 0 : i32
        %dma_start3A_360 = arith.constant 0 : i32
        %dma_start3A_361 = tpu.memref_slice %arg6[%dma_start3A_359, %dma_start3A_360] : memref<100000x64xf32, #tpu.memory_space<hbm>> -> memref<100000x64xf32, #tpu.memory_space<hbm>>
        tpu.enqueue_indirect_dma source(%dma_start3A_361 : memref<100000x64xf32, #tpu.memory_space<hbm>>) target(%dma_start3A_356 : memref<80x64xf32, #tpu.memory_space<vmem>>) offsets(%dma_start3A_358 : memref<80xi32, #tpu.memory_space<vmem>>) semaphore(%arg26 : memref<!tpu.dma_semaphore, #tpu.memory_space<semaphore_mem>>)
        %dma_start3A_362 = arith.constant 80 : i32
        %dma_start3A_363 = arith.constant 0 : i32
        %dma_start3A_364 = tpu.memref_slice %arg18[%dma_start3A_362, %dma_start3A_363] : memref<320x64xf32, #tpu.memory_space<vmem>> -> memref<80x64xf32, #tpu.memory_space<vmem>>
        %dma_start3A_365 = arith.constant 80 : i32
        %dma_start3A_366 = tpu.memref_slice %arg12[%dma_start3A_365] : memref<320xi32, #tpu.memory_space<vmem>> -> memref<80xi32, #tpu.memory_space<vmem>>
        %dma_start3A_367 = arith.constant 0 : i32
        %dma_start3A_368 = arith.constant 0 : i32
        %dma_start3A_369 = tpu.memref_slice %arg6[%dma_start3A_367, %dma_start3A_368] : memref<100000x64xf32, #tpu.memory_space<hbm>> -> memref<100000x64xf32, #tpu.memory_space<hbm>>
        tpu.enqueue_indirect_dma source(%dma_start3A_369 : memref<100000x64xf32, #tpu.memory_space<hbm>>) target(%dma_start3A_364 : memref<80x64xf32, #tpu.memory_space<vmem>>) offsets(%dma_start3A_366 : memref<80xi32, #tpu.memory_space<vmem>>) semaphore(%arg26 : memref<!tpu.dma_semaphore, #tpu.memory_space<semaphore_mem>>)
        %dma_start3A_370 = arith.constant 160 : i32
        %dma_start3A_371 = arith.constant 0 : i32
        %dma_start3A_372 = tpu.memref_slice %arg16[%dma_start3A_370, %dma_start3A_371] : memref<320x64xf32, #tpu.memory_space<vmem>> -> memref<80x64xf32, #tpu.memory_space<vmem>>
        %dma_start3A_373 = arith.constant 160 : i32
        %dma_start3A_374 = tpu.memref_slice %arg10[%dma_start3A_373] : memref<320xi32, #tpu.memory_space<vmem>> -> memref<80xi32, #tpu.memory_space<vmem>>
        %dma_start3A_375 = arith.constant 0 : i32
        %dma_start3A_376 = arith.constant 0 : i32
        %dma_start3A_377 = tpu.memref_slice %arg6[%dma_start3A_375, %dma_start3A_376] : memref<100000x64xf32, #tpu.memory_space<hbm>> -> memref<100000x64xf32, #tpu.memory_space<hbm>>
        tpu.enqueue_indirect_dma source(%dma_start3A_377 : memref<100000x64xf32, #tpu.memory_space<hbm>>) target(%dma_start3A_372 : memref<80x64xf32, #tpu.memory_space<vmem>>) offsets(%dma_start3A_374 : memref<80xi32, #tpu.memory_space<vmem>>) semaphore(%arg26 : memref<!tpu.dma_semaphore, #tpu.memory_space<semaphore_mem>>)
        %dma_start3A_378 = arith.constant 160 : i32
        %dma_start3A_379 = arith.constant 0 : i32
        %dma_start3A_380 = tpu.memref_slice %arg18[%dma_start3A_378, %dma_start3A_379] : memref<320x64xf32, #tpu.memory_space<vmem>> -> memref<80x64xf32, #tpu.memory_space<vmem>>
        %dma_start3A_381 = arith.constant 160 : i32
        %dma_start3A_382 = tpu.memref_slice %arg12[%dma_start3A_381] : memref<320xi32, #tpu.memory_space<vmem>> -> memref<80xi32, #tpu.memory_space<vmem>>
        %dma_start3A_383 = arith.constant 0 : i32
        %dma_start3A_384 = arith.constant 0 : i32
        %dma_start3A_385 = tpu.memref_slice %arg6[%dma_start3A_383, %dma_start3A_384] : memref<100000x64xf32, #tpu.memory_space<hbm>> -> memref<100000x64xf32, #tpu.memory_space<hbm>>
        tpu.enqueue_indirect_dma source(%dma_start3A_385 : memref<100000x64xf32, #tpu.memory_space<hbm>>) target(%dma_start3A_380 : memref<80x64xf32, #tpu.memory_space<vmem>>) offsets(%dma_start3A_382 : memref<80xi32, #tpu.memory_space<vmem>>) semaphore(%arg26 : memref<!tpu.dma_semaphore, #tpu.memory_space<semaphore_mem>>)
        %dma_start3A_386 = arith.constant 240 : i32
        %dma_start3A_387 = arith.constant 0 : i32
        %dma_start3A_388 = tpu.memref_slice %arg16[%dma_start3A_386, %dma_start3A_387] : memref<320x64xf32, #tpu.memory_space<vmem>> -> memref<80x64xf32, #tpu.memory_space<vmem>>
        %dma_start3A_389 = arith.constant 240 : i32
        %dma_start3A_390 = tpu.memref_slice %arg10[%dma_start3A_389] : memref<320xi32, #tpu.memory_space<vmem>> -> memref<80xi32, #tpu.memory_space<vmem>>
        %dma_start3A_391 = arith.constant 0 : i32
        %dma_start3A_392 = arith.constant 0 : i32
        %dma_start3A_393 = tpu.memref_slice %arg6[%dma_start3A_391, %dma_start3A_392] : memref<100000x64xf32, #tpu.memory_space<hbm>> -> memref<100000x64xf32, #tpu.memory_space<hbm>>
        tpu.enqueue_indirect_dma source(%dma_start3A_393 : memref<100000x64xf32, #tpu.memory_space<hbm>>) target(%dma_start3A_388 : memref<80x64xf32, #tpu.memory_space<vmem>>) offsets(%dma_start3A_390 : memref<80xi32, #tpu.memory_space<vmem>>) semaphore(%arg26 : memref<!tpu.dma_semaphore, #tpu.memory_space<semaphore_mem>>)
        %dma_start3A_394 = arith.constant 240 : i32
        %dma_start3A_395 = arith.constant 0 : i32
        %dma_start3A_396 = tpu.memref_slice %arg18[%dma_start3A_394, %dma_start3A_395] : memref<320x64xf32, #tpu.memory_space<vmem>> -> memref<80x64xf32, #tpu.memory_space<vmem>>
        %dma_start3A_397 = arith.constant 240 : i32
        %dma_start3A_398 = tpu.memref_slice %arg12[%dma_start3A_397] : memref<320xi32, #tpu.memory_space<vmem>> -> memref<80xi32, #tpu.memory_space<vmem>>
        %dma_start3A_399 = arith.constant 0 : i32
        %dma_start3A_400 = arith.constant 0 : i32
        %dma_start3A_401 = tpu.memref_slice %arg6[%dma_start3A_399, %dma_start3A_400] : memref<100000x64xf32, #tpu.memory_space<hbm>> -> memref<100000x64xf32, #tpu.memory_space<hbm>>
        tpu.enqueue_indirect_dma source(%dma_start3A_401 : memref<100000x64xf32, #tpu.memory_space<hbm>>) target(%dma_start3A_396 : memref<80x64xf32, #tpu.memory_space<vmem>>) offsets(%dma_start3A_398 : memref<80xi32, #tpu.memory_space<vmem>>) semaphore(%arg26 : memref<!tpu.dma_semaphore, #tpu.memory_space<semaphore_mem>>)
        %dma_start3A_402 = arith.constant 0 : i32
        %dma_start3A_403 = arith.constant 0 : i32
        %dma_start3A_404 = tpu.memref_slice %arg5[%dma_start3A_402, %dma_start3A_403] : memref<100000x64xf32, #tpu.memory_space<hbm>> -> memref<100000x64xf32, #tpu.memory_space<hbm>>
        tpu.enqueue_indirect_dma source(%dma_start3A_404 : memref<100000x64xf32, #tpu.memory_space<hbm>>) target(%arg20 : memref<16x64xf32, #tpu.memory_space<vmem>>) offsets(%arg14 : memref<16xi32, #tpu.memory_space<vmem>>) semaphore(%arg26 : memref<!tpu.dma_semaphore, #tpu.memory_space<semaphore_mem>>)
      } else {
      }
      %scan3A_326 = arith.constant 0 : i32
      scf.yield %scan3A_326 : i32
    }
    %scan3A_155 = arith.constant 16 : i32
    return
  }
}

module attributes {stable_mosaic.version = 14 : i64} {
  func.func @_tc_body(%arg0: memref<16384x16xf32, #tpu.memory_space<vmem>>, %arg1: memref<16384x16xf32, #tpu.memory_space<vmem>>, %arg2: memref<1x1xf32, #tpu.memory_space<vmem>>) attributes {dimension_semantics = [], scalar_prefetch = 0 : i64, scratch_operands = 0 : i64, tpu.core_type = #tpu.core_type<tc>} {
    %get3A = arith.constant 0 : index
    %get3A_0 = arith.constant 0 : index
    %get3A_1 = vector.load %arg0[%get3A, %get3A_0] : memref<16384x16xf32, #tpu.memory_space<vmem>>, vector<16384x16xf32>
    %reduce_sum3A = arith.constant dense<0.000000e+00> : vector<16384xf32>
    %reduce_sum3A_2 = vector.multi_reduction <add>, %get3A_1, %reduce_sum3A [1] : vector<16384x16xf32> to vector<16384xf32>
    %broadcast_in_dim3A = vector.shape_cast %reduce_sum3A_2 : vector<16384xf32> to vector<16384x1xf32>
    %get3A_3 = arith.constant 0 : index
    %get3A_4 = arith.constant 0 : index
    %get3A_5 = vector.load %arg1[%get3A_3, %get3A_4] : memref<16384x16xf32, #tpu.memory_space<vmem>>, vector<16384x16xf32>
    %reduce_sum3A_6 = arith.constant dense<0.000000e+00> : vector<16384xf32>
    %reduce_sum3A_7 = vector.multi_reduction <add>, %get3A_5, %reduce_sum3A_6 [1] : vector<16384x16xf32> to vector<16384xf32>
    %broadcast_in_dim3A_8 = vector.shape_cast %reduce_sum3A_7 : vector<16384xf32> to vector<16384x1xf32>
    %jit3A = arith.constant -1.000000e+01 : f32
    %jit3A_9 = arith.constant 1.000000e+01 : f32
    %max3A = vector.broadcast %jit3A : f32 to vector<16384x1xf32>
    %max3A_10 = arith.maximumf %max3A, %broadcast_in_dim3A : vector<16384x1xf32>
    %min3A = vector.broadcast %jit3A_9 : f32 to vector<16384x1xf32>
    %min3A_11 = arith.minimumf %min3A, %max3A_10 : vector<16384x1xf32>
    %jit3A_12 = arith.constant -1.000000e+01 : f32
    %jit3A_13 = arith.constant 1.000000e+01 : f32
    %max3A_14 = vector.broadcast %jit3A_12 : f32 to vector<16384x1xf32>
    %max3A_15 = arith.maximumf %max3A_14, %broadcast_in_dim3A_8 : vector<16384x1xf32>
    %min3A_16 = vector.broadcast %jit3A_13 : f32 to vector<16384x1xf32>
    %min3A_17 = arith.minimumf %min3A_16, %max3A_15 : vector<16384x1xf32>
    %neg3A = arith.constant 0.000000e+00 : f32
    %neg3A_18 = vector.broadcast %neg3A : f32 to vector<16384x1xf32>
    %neg3A_19 = arith.subf %neg3A_18, %min3A_11 : vector<16384x1xf32>
    %exp3A = math.exp %neg3A_19 : vector<16384x1xf32>
    %log1p3A = math.log1p %exp3A : vector<16384x1xf32>
    %exp3A_20 = math.exp %min3A_17 : vector<16384x1xf32>
    %log1p3A_21 = math.log1p %exp3A_20 : vector<16384x1xf32>
    %add3A = arith.addf %log1p3A, %log1p3A_21 : vector<16384x1xf32>
    %reduce_sum3A_22 = vector.shape_cast %add3A : vector<16384x1xf32> to vector<1x16384x1xf32>
    %reduce_sum3A_23 = arith.constant dense<0.000000e+00> : vector<1xf32>
    %reduce_sum3A_24 = vector.multi_reduction <add>, %reduce_sum3A_22, %reduce_sum3A_23 [1, 2] : vector<1x16384x1xf32> to vector<1xf32>
    %reduce_sum3A_25 = vector.shape_cast %reduce_sum3A_24 : vector<1xf32> to vector<1x1x1xf32>
    %reduce_sum3A_26 = vector.extract %reduce_sum3A_25[0, 0, 0] : f32 from vector<1x1x1xf32>
    %div3A = arith.constant 1.638400e+04 : f32
    %div3A_27 = arith.divf %reduce_sum3A_26, %div3A : f32
    %reshape3A = vector.broadcast %div3A_27 : f32 to vector<1x1xf32>
    %swap3A = arith.constant 0 : index
    %swap3A_28 = arith.constant 0 : index
    %swap3A_29 = vector.load %arg2[%swap3A, %swap3A_28] : memref<1x1xf32, #tpu.memory_space<vmem>>, vector<1x1xf32>
    tpu.vector_store %arg2[%swap3A, %swap3A_28], %reshape3A {strides = array<i32>} : memref<1x1xf32, #tpu.memory_space<vmem>>, vector<1x1xf32>,
    return
  }
}

</mosaic_0001>

<sc_bundles>
// kernel: kernel.4.cloned.1.call-start
scs
__scs_entry_jumppad:
0x0: {  	(pc) =	sbr.rel $0x88, $3  }
0x1: {  	(tag) =	ssettag $0x0;
	lr =	simm.s32 $0x1  }
0x2: {  	[smem:$0x3F9C] =	sst lr;
	_ =	strace $0xD0000000  }
0x3: {  	_ = 	snop  }
0x4: {  	_ = 	snop  }
0x5: {  	_ = 	snop  }
0x6: {  	_ = 	snop  }
0x7: {  	_ = 	snop  }
__scs_overlays_trampoline_lowered:
0x8: {  	[smem:$0x3FAB] =	sst s0  }
0x9: {  	[smem:$0x3FAC] =	sst s1  }
0xa: {  	[smem:$0x3FAD] =	sst s2  }
0xb: {  	[smem:$0x3FAE] =	sst s3  }
0xc: {  	[smem:$0x3FAF] =	sst s4  }
0xd: {  	[smem:$0x3FB0] =	sst s5  }
0xe: {  	[smem:$0x3FB1] =	sst s6  }
0xf: {  	[smem:$0x3FB2] =	sst s7  }
0x10: {  	[smem:$0x3FB3] =	sst s8  }
0x11: {  	[smem:$0x3FB4] =	sst s9;
	s0 =	simm.s32 @!p0 $0x0  }
0x12: {  	s1 =	sld [smem:$0x3F9A];
	s0 =	simm.s32 @p0 $0x1  }
0x13: {  	[smem:$0x3FB5] =	sst s0;
	s0 =	simm.s32 @!p1 $0x0  }
0x14: {  	s2 =	sld [smem:$0x3F99];
	s0 =	simm.s32 @p1 $0x1  }
0x15: {  	[smem:$0x3FB6] =	sst s0;
	s0 =	simm.s32 @!p2 $0x0  }
0x16: {  	s3 =	sld [smem:$0x3FDB];
	s0 =	simm.s32 @p2 $0x1  }
0x17: {  	s4 =	simm.s32 $0x1BF5;
	[smem:$0x3FB8] =	sst s0  }
0x18: {  	s0 =	sld [smem:$0x3F9B];
	_ =	swait.ge [sflag:s4], $0x0  }
0x19: {  	s7 =	sld [smem:$0x3F9C]  }
0x1a: {  	s8 =	sadd.s32 $0xFFFFE003, lr  }
0x1b: {  	s9 =	sadd.s32 $0xFFFFFEF7, lr;
	s5 =	simm.s32 $0xFFFFFFFF;
	p2 =	slt.u32 s8, $0xFFFFF086  }
0x1c: {  	p1 =	slt.u32 s9, $0xF7A;
	s5 =	simm.s32 @!p2 $0x0  }
0x1d: {  	s5 =	simm.s32 @p1 $0x1;
	p0 =	seq.s32 s7, s2  }
0x1e: {  	s7 =	smul.u32 @!p0 $0xF7A, s2;
	p2 =	seq.s32 @!p0 s5, $0x0  }
0x1f: {  	s9 =	smul.u32 $0xF7A, s1;
	s8 =	simm.s32 @!p0 $0x1BF5;
	p2 =	por !p2, p0  }
0x20: {  	[sflag:s8] =	ssyncset.s32 @!p0 $0xFFFFF086;
	s6 =	sadd.s32 @!p0 s3, s7;
	s7 =	simm.s32 @!p0 $0x108  }
0x21: {  	s3 =	sadd.s32 s3, s9;
	s6 =	sadd.s32 @!p0 $0x88, s6;
	s7 =	simm.s32 @p2 $0x1082  }
0x22: {  	[simem:s7], [sflag:s8] =	dma.local @!p0 [hbm:s6], $0xF7A  }
0x23: {  	s9 =	sor.u32 $0xD0000000, s2;
	s6 =	simm.s32 $0x108;
	_ =	swait.ge @!p0 [sflag:s8], $0x0  }
0x24: {  	s3 =	sadd.s32 $0x88, s3;
	s6 =	simm.s32 @!p1 $0x1082;
	[sflag:s4] =	ssyncset.s32 $0xFFFFF086  }
0x25: {  	[simem:s6], [sflag:s4] =	dma.local [hbm:s3], $0xF7A  }
0x26: {  	[smem:$0x3F9C] =	sst s1;
	(tag) =	ssettag s2;
	_ =	strace s9  }
0x27: {  	s1 =	sld [smem:$0x3FAC]  }
0x28: {  	s2 =	sld [smem:$0x3FAD]  }
0x29: {  	s4 =	sld [smem:$0x3FAF]  }
0x2a: {  	p0 =	seq.s32 s5, $0x0;
	s5 =	sld [smem:$0x3FB0]  }
0x2b: {  	s6 =	sld [smem:$0x3FB1]  }
0x2c: {  	s7 =	sld [smem:$0x3FB2]  }
0x2d: {  	s3 =	simm.s32 $0x108;
	s8 =	sld [smem:$0x3FB3]  }
0x2e: {  	s3 =	simm.s32 @!p0 $0x1082;
	s9 =	sld [smem:$0x3FB4]  }
0x2f: {  	lr =	sadd.s32 s0, s3;
	s0 =	sld [smem:$0x3FAB]  }
0x30: {  	s3 =	sld [smem:$0x3FAE]  }
0x31: {  	[smem:$0x3FB7] =	sst s10  }
0x32: {  	s10 =	sld [smem:$0x3FB5];
	_ =	sdelay $0x3  }
0x33: {  	p0 =	seq.s32 s10, $0x1;
	s10 =	sld [smem:$0x3FB7];
	_ =	sdelay $0x3  }
0x34: {  	[smem:$0x3FB7] =	sst s10  }
0x35: {  	s10 =	sld [smem:$0x3FB6];
	_ =	sdelay $0x3  }
0x36: {  	p1 =	seq.s32 s10, $0x1;
	s10 =	sld [smem:$0x3FB7];
	_ =	sdelay $0x3  }
0x37: {  	[smem:$0x3FB7] =	sst s10  }
0x38: {  	s10 =	sld [smem:$0x3FB8]  }
0x39: {  	_ = 	snop;
	(pc) =	sbr.ind lr, $3  }
0x3a: {  	_ = 	snop  }
0x3b: {  	_ = 	snop  }
0x3c: {  	p2 =	seq.s32 s10, $0x1;
	s10 =	sld [smem:$0x3FB7]  }
0x3d: {  	_ =	shalt  }
0x3e: {  	_ =	shalt  }
0x3f: {  	_ =	shalt  }
0x40: {  	_ =	shalt  }
0x41: {  	_ =	shalt  }
0x42: {  	_ =	shalt  }
0x43: {  	_ =	shalt  }
0x44: {  	_ =	shalt  }
0x45: {  	_ =	shalt  }
0x46: {  	_ =	shalt  }
0x47: {  	_ =	shalt  }
0x48: {  	_ =	shalt  }
0x49: {  	_ =	shalt  }
0x4a: {  	_ =	shalt  }
0x4b: {  	_ =	shalt  }
0x4c: {  	_ =	shalt  }
0x4d: {  	_ =	shalt  }
0x4e: {  	_ =	shalt  }
0x4f: {  	_ =	shalt  }
0x50: {  	_ =	shalt  }
0x51: {  	_ =	shalt  }
0x52: {  	_ =	shalt  }
0x53: {  	_ =	shalt  }
0x54: {  	_ =	shalt  }
0x55: {  	_ =	shalt  }
0x56: {  	_ =	shalt  }
0x57: {  	_ =	shalt  }
0x58: {  	_ =	shalt  }
0x59: {  	_ =	shalt  }
0x5a: {  	_ =	shalt  }
0x5b: {  	_ =	shalt  }
0x5c: {  	_ =	shalt  }
0x5d: {  	_ =	shalt  }
0x5e: {  	_ =	shalt  }
0x5f: {  	_ =	shalt  }
0x60: {  	_ =	shalt  }
0x61: {  	_ =	shalt  }
0x62: {  	_ =	shalt  }
0x63: {  	_ =	shalt  }
0x64: {  	_ =	shalt  }
0x65: {  	_ =	shalt  }
0x66: {  	_ =	shalt  }
0x67: {  	_ =	shalt  }
0x68: {  	_ =	shalt  }
0x69: {  	_ =	shalt  }
0x6a: {  	_ =	shalt  }
0x6b: {  	_ =	shalt  }
0x6c: {  	_ =	shalt  }
0x6d: {  	_ =	shalt  }
0x6e: {  	_ =	shalt  }
0x6f: {  	_ =	shalt  }
0x70: {  	_ =	shalt  }
0x71: {  	_ =	shalt  }
0x72: {  	_ =	shalt  }
0x73: {  	_ =	shalt  }
0x74: {  	_ =	shalt  }
0x75: {  	_ =	shalt  }
0x76: {  	_ =	shalt  }
0x77: {  	_ =	shalt  }
0x78: {  	_ =	shalt  }
0x79: {  	_ =	shalt  }
0x7a: {  	_ =	shalt  }
0x7b: {  	_ =	shalt  }
0x7c: {  	_ =	shalt  }
0x7d: {  	_ =	shalt  }
0x7e: {  	_ =	shalt  }
0x7f: {  	_ =	shalt  }
0x80: {  	_ =	shalt  }
0x81: {  	_ =	shalt  }
0x82: {  	_ =	shalt  }
0x83: {  	_ =	shalt  }
0x84: {  	_ =	shalt  }
0x85: {  	_ =	shalt  }
0x86: {  	_ =	shalt  }
0x87: {  	_ =	shalt  }
.Lfunc_end0:
.L_simem_size_0:
called_computation_lowered:
.L_overlay_start_0:
0x88: {  	s2 =	sld [smem:$0x3FD9]  }
0x89: {  	s3 =	sld [smem:$0x3FFE];
	_ =	sdelay $0x1  }
0x8a: {  	s1 =	srdreg.scid  }
0x8b: {  	s0 =	sand.u32 $0x1, s1  }
0x8c: {  	s17 =	sshll.u32 s0, $0xA;
	s2 =	sadd.s32 s3, s2  }
0x8d: {  	s2 =	sadd.s32 s2, s17  }
0x8e: {  	[smem:$0x3FC3] =	sst s2  }
0x8f: {  	_ = 	snop  }
0x90: {  	s2 =	sld [smem:$0x3FC9];
	(tm) =	ssettm $0x1  }
0x91: {  	s18 =	sld [smem:$0x3FFB];
	_ =	sdelay $0x3  }
0x92: {  	_ =	strace s18  }
0x93: {  	s3 =	sld [smem:$0x3FFC];
	_ =	sdelay $0x3  }
0x94: {  	_ =	strace s3  }
0x95: {  	s3 =	sld [smem:$0x3FFD];
	_ =	sdelay $0x3  }
0x96: {  	_ =	strace s3  }
0x97: {  	_ =	strace $0x8FFFFFFF  }
0x98: {  	s19 =	sld [smem:$0x3FDB];
	_ =	sdelay $0x1  }
0x99: {  	s4 =	simm.s32 $_scs_section_size  }
0x9a: {  	s5 =	simm.s32 $_size__tile_overlayer_lowered;
	s6 =	simm.s32 $_tile_overlayer_lowered  }
0x9b: {  	s22 =	simm.s32 $0x1BFF;
	s21 =	sshll.u32 s6, $0x1;
	s3 =	sadd.s32 s4, s19  }
0x9c: {  	s7 =	simm.s32 $0x0;
	s20 =	sshll.u32 s5, $0x1;
	s5 =	sadd.s32 s21, s3  }
0x9d: {  	[timem:s7], [sflag:s22] =	dma.local [hbm:s5], s20  }
0x9e: {  	_ =	swait.ge [sflag:s22], s20  }
0x9f: {  	s4 =	ssub.s32 $0x0, s20;
	[sflag:s22] =	ssyncset.done $0x0  }
0xa0: {  	[sflag:s22] =	ssyncadd.s32 s4;
	_ =	sdelay $0x1  }
0xa1: {  	s23 =	simm.s32 $0x1B8B  }
0xa2: {  	_ =	swait.ge [sflag:s23], $0x1  }
0xa3: {  	[sflag:s23] =	ssyncset.done $0x0  }
0xa4: {  	s25 =	simm.s32 $0x1B8E;
	s24 =	sld [smem:$0x3FFE];
	[sflag:s23] =	ssyncadd.s32 $0xFFFFFFFF  }
0xa5: {  	s26 =	simm.s32 $execute0_lowered;
	[smem:$0x3FD2] =	sst s25  }
0xa6: {  	s5 =	sshll.u32 s26, $0x1;
	_ =	strace $0x80000046;
	[dreg:$0x1] =	wrdreg $0xFFFFFFFF  }
0xa7: {  	s28 =	simm.s32 $_size_execute0_lowered;
	s3 =	sadd.s32 s3, s5;
	[dreg:$0x0] =	wrdreg $0x0  }
0xa8: {  	s5 =	sshll.u32 s28, $0x1;
	[dreg:$0x2] =	wrdreg s3  }
0xa9: {  	[dreg:$0x3] =	wrdreg s5  }
0xaa: {  	[dreg:$0x4] =	wrdreg $0xC0  }
0xab: {  	_ =	task [dreg:s7], $0x5FFFF  }
0xac: {  	[dreg:$0x1] =	wrdreg $0xFFFFFFFF  }
0xad: {  	[dreg:$0x0] =	wrdreg $0x60  }
0xae: {  	[dreg:$0x2] =	wrdreg s2  }
0xaf: {  	[dreg:$0x3] =	wrdreg s24  }
0xb0: {  	[dreg:$0x4] =	wrdreg $0x9  }
0xb1: {  	_ =	task.clear_ibuf [dreg:s7], $0x5FFFF;
	_ =	strace $0x90000046  }
0xb2: {  	s29 =	simm.s32 $0x9;
	_ =	strace $0x80000048  }
0xb3: {  	_ =	swait.ge [sflag:s29], $0x1  }
0xb4: {  	[sflag:s29] =	ssyncadd.s32 $0xFFFFFFFF  }
0xb5: {  	_ =	strace $0x90000048  }
0xb6: {  	_ =	sfence  }
0xb7: {  	s30 =	sld [smem:$0x0];
	_ =	sdelay $0x2  }
0xb8: {  	s31 =	sshll.u32 s1, $0xD;
	s1 =	sshrl.u32 s1, $0x2  }
0xb9: {  	s3 =	sand.u32 $0x4000, s31;
	s1 =	sadd.s32 s1, s30  }
0xba: {  	s0 =	sor.u32 s3, s0;
	s1 =	sshll.u32 s1, $0x11  }
0xbb: {  	s0 =	sor.u32 s1, s0  }
0xbc: {  	s0 =	sadd.s32 $0x8F2B, s0  }
0xbd: {  	[sflag:s0] =	ssyncadd.remote.s32 $0x1  }
0xbe: {  	_ =	sfence.sel $0xFFFF  }
0xbf: {  	[dreg:$0x0] =	wrdreg $0xFFFFFFFF;
	(pc) =	sbr.abs _section_cstart, $3  }
0xc0: {  	[dreg:$0x1] =	wrdreg $0xFFFFFFFF  }
0xc1: {  	_ =	task.clear_ibuf [dreg:s7], $0x2FFFF;
	_ =	strace $0x9FFFFFFF  }
0xc2: {  	(tm) =	ssettm $0x7FFFFFFF  }
0xc3: {  	_ =	shalt  }
tec
execute0_lowered:
.L_overlay_start_1:
0x0: {  	(tag) =	ssettag $0x1  }
0x1: {  	s1 =	rddreg [dreg:$0x0]  }
0x2: {  	s0 =	rddreg [dreg:$0x1];
	s2 =	simm.s32 $0x0  }
0x3: {  	s3 =	srdreg.scid;
	s6 =	stileid.u32;
	s31 =	simm.s32 $0x10  }
0x4: {  	s30 =	simm.s32 $0x1;
	[smem:$0x7FF] =	sst s2;
	s4 =	sadd.s32 $0xCA00, s0  }
0x5: {  	s5 =	sadd.s32 $0x2A00, s0;
	s8 =	sshll.u32 s6, $0x1;
	s6 =	sadd.s32 $0x24CA00, s0  }
0x6: {  	s3 =	sand.u32 $0x1, s3;
	s7 =	sadd.s32 $0x189400, s0;
	s10 =	sadd.s32 $0x16A00, s0  }
0x7: {  	_ =	strace $0x80000047;
	s11 =	sor.u32 s3, s8;
	s3 =	ssub.s32 $0x2, s3  }
0x8: {  	s8 =	sadd.s32 $0x1EA00, s0;
	s9 =	sshll.u32 s11, $0x9;
	s12 =	sshrl.u32 s3, $0x1  }
0x9: {  	s13 =	smul.u32 $0x500, s11;
	s25 =	sshll.u32 s11, $0x6;
	s17 =	sshll.u32 s11, $0xA  }
0xa: {  	s11 =	simm.s32 $0x14E20;
	s14 =	sor.u32 $0x10, s9;
	s21 =	ssub.s32 s3, s12  }
0xb: {  	s12 =	sadd.s32 s1, s25;
	s18 =	sor.u32 $0x20, s9;
	s19 =	sor.u32 $0x30, s9  }
0xc: {  	s25 =	simm.s32 $0x3C0;
	s22 =	smul.u32 $0x14, s14;
	s23 =	sadd.s32 s4, s13  }
0xd: {  	s24 =	sadd.s32 s5, s13;
	[dreg:$0x5] =	wrdreg s12;
	s26 =	sshrl.u32 s14, $0x3  }
0xe: {  	s0 =	smax.u32 s21, $0x1;
	s21 =	simm.s32 $0x3;
	[dreg:$0x3] =	wrdreg s23  }
0xf: {  	s12 =	simm.s32 $0x15020;
	s14 =	simm.s32 $0x0;
	[dreg:$0x4] =	wrdreg s24  }
.Ltmp0:
0x10: {  	s29 =	sadd.s32 s1, s26;
	[dreg:$0x9] =	wrdreg s0;
	(pc) =	sbr.rel .LBB2_1-.Ltmp0, $4  }
0x11: {  	s24 =	simm.s32 $0x50;
	s26 =	simm.s32 $0x510;
	s3 =	sshrl.u32 s22, $0x3  }
0x12: {  	s0 =	simm.s32 $0x14D20;
	[dreg:$0x8] =	wrdreg s29;
	s28 =	sadd.s32 s4, s3  }
0x13: {  	s23 =	simm.s32 $0x2;
	s3 =	sadd.s32 s5, s3;
	[dreg:$0x6] =	wrdreg s28  }
0x14: {  	s22 =	simm.s32 $0x14F20;
	[dreg:$0x7] =	wrdreg s3;
	s3 =	simm.s32 $0x140  }
.LBB2_8:
0x15: {  	s14 =	rddreg [dreg:$0xa]  }
0x16: {  	s13 =	rddreg [dreg:$0x9];
	s14 =	sadd.s32 $0x1, s14  }
0x17: {  	p0 =	sne.s32 s14, s13  }
.Ltmp1:
0x18: {  	_ = 	snop;
	(pc) =	sbr.rel @!p0 .LBB2_9-.Ltmp1, $1  }
0x19: {  	_ =	sdelay $0x3  }
.LBB2_1:
0x1a: {  	[dreg:$0xa] =	wrdreg s14  }
0x1b: {  	s13 =	rddreg [dreg:$0x3]  }
0x1c: {  	[tilespmem:s2], [sflag:$0x3] =	stream.linear.gather [hbm4b:s13+s2], $0x140, $0x38;
	[tilespmem:$0x15120] =	vst v63  }
0x1d: {  	_ =	swait.ge [sflag:s21], $0x140  }
0x1e: {  	[sflag:s21] =	ssyncset.done $0x0  }
0x1f: {  	s16 =	simm.s32 $0x280;
	s15 =	rddreg [dreg:$0x4];
	[sflag:s21] =	ssyncadd.s32 $0xFFFFFEC0  }
0x20: {  	[tilespmem:s16], [sflag:$0x3] =	stream.linear.gather [hbm4b:s15+s2], $0x140, $0x38;
	[tilespmem:$0x15120] =	vst v63  }
0x21: {  	_ =	swait.ge [sflag:s21], $0x140  }
0x22: {  	[sflag:s21] =	ssyncset.done $0x0  }
0x23: {  	s15 =	simm.s32 $0x500;
	s20 =	rddreg [dreg:$0x5];
	[sflag:s21] =	ssyncadd.s32 $0xFFFFFEC0  }
0x24: {  	[tilespmem:s15], [sflag:$0x3] =	stream.linear.gather [hbm4b:s20+s2], $0x10, $0x38;
	[tilespmem:$0x15120] =	vst v63  }
0x25: {  	_ =	swait.ge [sflag:s21], $0x10  }
0x26: {  	[sflag:s21] =	ssyncset.done $0x0  }
0x27: {  	s28 =	simm.s32 $0x520;
	[sflag:s21] =	ssyncadd.s32 $0xFFFFFFF0  }
0x28: {  	[tilespmem:s28], [sflag:$0x1] =	stream.indirect.gather [hbm4b:s7+s24], $0x40, s2, s24, $0xb8;
	[tilespmem:$0x15120] =	vst v63  }
0x29: {  	s29 =	simm.s32 $0xA520  }
0x2a: {  	[tilespmem:s29], [sflag:$0x1] =	stream.indirect.gather [hbm4b:s7+s24], $0x40, s16, s24, $0xb8;
	[tilespmem:$0x15120] =	vst v63  }
0x2b: {  	s14 =	simm.s32 $0x1920  }
0x2c: {  	[tilespmem:s14], [sflag:$0x1] =	stream.indirect.gather [hbm4b:s7+s24], $0x40, s24, s24, $0xb8;
	[tilespmem:$0x15120] =	vst v63  }
0x2d: {  	s20 =	simm.s32 $0xB920;
	s16 =	simm.s32 $0x2D0  }
0x2e: {  	[tilespmem:s20], [sflag:$0x1] =	stream.indirect.gather [hbm4b:s7+s24], $0x40, s16, s24, $0xb8;
	[tilespmem:$0x15120] =	vst v63  }
0x2f: {  	s28 =	simm.s32 $0xA0;
	s29 =	simm.s32 $0x2D20  }
0x30: {  	[tilespmem:s29], [sflag:$0x1] =	stream.indirect.gather [hbm4b:s7+s24], $0x40, s28, s24, $0xb8;
	[tilespmem:$0x15120] =	vst v63  }
0x31: {  	s16 =	simm.s32 $0x320;
	s20 =	simm.s32 $0xCD20  }
0x32: {  	[tilespmem:s20], [sflag:$0x1] =	stream.indirect.gather [hbm4b:s7+s24], $0x40, s16, s24, $0xb8;
	[tilespmem:$0x15120] =	vst v63  }
0x33: {  	s28 =	simm.s32 $0xF0;
	s29 =	simm.s32 $0x4120  }
0x34: {  	[tilespmem:s29], [sflag:$0x1] =	stream.indirect.gather [hbm4b:s7+s24], $0x40, s28, s24, $0xb8;
	[tilespmem:$0x15120] =	vst v63  }
0x35: {  	s16 =	simm.s32 $0x370;
	s20 =	simm.s32 $0xE120  }
0x36: {  	[tilespmem:s20], [sflag:$0x1] =	stream.indirect.gather [hbm4b:s7+s24], $0x40, s16, s24, $0xb8;
	[tilespmem:$0x15120] =	vst v63  }
0x37: {  	s28 =	simm.s32 $0x14520  }
0x38: {  	[tilespmem:s28], [sflag:$0x1] =	stream.indirect.gather [hbm4b:s6+s31], $0x40, s15, s31, $0xb8;
	[tilespmem:$0x15120] =	vst v63  }
0x39: {  	s29 =	rddreg [dreg:$0x6]  }
0x3a: {  	[tilespmem:s3], [sflag:$0x3] =	stream.linear.gather [hbm4b:s29+s2], $0x140, $0x38;
	[tilespmem:$0x15120] =	vst v63  }
0x3b: {  	_ =	swait.ge [sflag:s21], $0x140  }
0x3c: {  	[sflag:s21] =	ssyncset.done $0x0  }
0x3d: {  	s14 =	rddreg [dreg:$0x7];
	[sflag:s21] =	ssyncadd.s32 $0xFFFFFEC0  }
0x3e: {  	[tilespmem:s25], [sflag:$0x3] =	stream.linear.gather [hbm4b:s14+s2], $0x140, $0x38;
	[tilespmem:$0x15120] =	vst v63  }
0x3f: {  	_ =	swait.ge [sflag:s21], $0x140  }
0x40: {  	[sflag:s21] =	ssyncset.done $0x0  }
0x41: {  	s15 =	rddreg [dreg:$0x8];
	[sflag:s21] =	ssyncadd.s32 $0xFFFFFEC0  }
0x42: {  	[tilespmem:s26], [sflag:$0x3] =	stream.linear.gather [hbm4b:s15+s2], $0x10, $0x38;
	[tilespmem:$0x15120] =	vst v63  }
0x43: {  	_ =	swait.ge [sflag:s21], $0x10  }
0x44: {  	[sflag:s21] =	ssyncset.done $0x0  }
0x45: {  	s16 =	simm.s32 $0x5520;
	[sflag:s21] =	ssyncadd.s32 $0xFFFFFFF0  }
0x46: {  	[tilespmem:s16], [sflag:$0x2] =	stream.indirect.gather [hbm4b:s7+s24], $0x40, s3, s24, $0xb8;
	[tilespmem:$0x15120] =	vst v63  }
0x47: {  	s20 =	simm.s32 $0xF520  }
0x48: {  	[tilespmem:s20], [sflag:$0x2] =	stream.indirect.gather [hbm4b:s7+s24], $0x40, s25, s24, $0xb8;
	[tilespmem:$0x15120] =	vst v63  }
0x49: {  	s28 =	simm.s32 $0x190;
	s29 =	simm.s32 $0x6920  }
0x4a: {  	[tilespmem:s29], [sflag:$0x2] =	stream.indirect.gather [hbm4b:s7+s24], $0x40, s28, s24, $0xb8;
	[tilespmem:$0x15120] =	vst v63  }
0x4b: {  	s14 =	simm.s32 $0x410;
	s15 =	simm.s32 $0x10920  }
0x4c: {  	[tilespmem:s15], [sflag:$0x2] =	stream.indirect.gather [hbm4b:s7+s24], $0x40, s14, s24, $0xb8;
	[tilespmem:$0x15120] =	vst v63  }
0x4d: {  	s16 =	simm.s32 $0x1E0;
	s20 =	simm.s32 $0x7D20  }
0x4e: {  	[tilespmem:s20], [sflag:$0x2] =	stream.indirect.gather [hbm4b:s7+s24], $0x40, s16, s24, $0xb8;
	[tilespmem:$0x15120] =	vst v63  }
0x4f: {  	s28 =	simm.s32 $0x460;
	s29 =	simm.s32 $0x11D20  }
0x50: {  	[tilespmem:s29], [sflag:$0x2] =	stream.indirect.gather [hbm4b:s7+s24], $0x40, s28, s24, $0xb8;
	[tilespmem:$0x15120] =	vst v63  }
0x51: {  	s15 =	simm.s32 $0x230;
	s16 =	simm.s32 $0x9120  }
0x52: {  	[tilespmem:s16], [sflag:$0x2] =	stream.indirect.gather [hbm4b:s7+s24], $0x40, s15, s24, $0xb8;
	[tilespmem:$0x15120] =	vst v63  }
0x53: {  	s20 =	simm.s32 $0x4B0;
	s28 =	simm.s32 $0x13120  }
0x54: {  	[tilespmem:s28], [sflag:$0x2] =	stream.indirect.gather [hbm4b:s7+s24], $0x40, s20, s24, $0xb8;
	[tilespmem:$0x15120] =	vst v63  }
0x55: {  	s13 =	simm.s32 $0x0;
	s29 =	simm.s32 $0x14920  }
0x56: {  	[tilespmem:s29], [sflag:$0x2] =	stream.indirect.gather [hbm4b:s6+s31], $0x40, s26, s31, $0xb8;
	[tilespmem:$0x15120] =	vst v63  }
.LBB2_2:
0x57: {  	_ =	swait.ge [sflag:s30], $0x1400  }
0x58: {  	[sflag:s30] =	ssyncset.done $0x0  }
0x59: {  	[sflag:s30] =	ssyncadd.s32 $0xFFFFEC00  }
0x5a: {  	_ =	swait.ge [sflag:s30], $0x1400  }
0x5b: {  	[sflag:s30] =	ssyncset.done $0x0  }
0x5c: {  	[sflag:s30] =	ssyncadd.s32 $0xFFFFEC00  }
0x5d: {  	_ =	swait.ge [sflag:s30], $0x1400  }
0x5e: {  	[sflag:s30] =	ssyncset.done $0x0  }
0x5f: {  	[sflag:s30] =	ssyncadd.s32 $0xFFFFEC00  }
0x60: {  	_ =	swait.ge [sflag:s30], $0x1400  }
0x61: {  	[sflag:s30] =	ssyncset.done $0x0  }
0x62: {  	[sflag:s30] =	ssyncadd.s32 $0xFFFFEC00  }
0x63: {  	_ =	swait.ge [sflag:s30], $0x1400  }
0x64: {  	[sflag:s30] =	ssyncset.done $0x0  }
0x65: {  	[sflag:s30] =	ssyncadd.s32 $0xFFFFEC00  }
0x66: {  	_ =	swait.ge [sflag:s30], $0x1400  }
0x67: {  	[sflag:s30] =	ssyncset.done $0x0  }
0x68: {  	[sflag:s30] =	ssyncadd.s32 $0xFFFFEC00  }
0x69: {  	_ =	swait.ge [sflag:s30], $0x1400  }
0x6a: {  	[sflag:s30] =	ssyncset.done $0x0  }
0x6b: {  	[sflag:s30] =	ssyncadd.s32 $0xFFFFEC00  }
0x6c: {  	_ =	swait.ge [sflag:s30], $0x1400  }
0x6d: {  	[sflag:s30] =	ssyncset.done $0x0  }
0x6e: {  	[sflag:s30] =	ssyncadd.s32 $0xFFFFEC00  }
0x6f: {  	_ =	swait.ge [sflag:s30], $0x400  }
0x70: {  	s14 =	simm.s32 $0x0;
	s15 =	simm.s32 $0x14540;
	[sflag:s30] =	ssyncset.done $0x0  }
0x71: {  	s16 =	simm.s32 $0x7A0;
	s20 =	simm.s32 $0xA7A0;
	[sflag:s30] =	ssyncadd.s32 $0xFFFFFC00  }
.LBB2_3:
0x72: {  	v16 =	vld [tilespmem:s16+$0xFFFFFD80]  }
0x73: {  	v17 =	vld [tilespmem:s20+$0xFFFFFD80]  }
0x74: {  	v18 =	vld [tilespmem:s16+$0xFFFFFDC0]  }
0x75: {  	v19 =	vld [tilespmem:s20+$0xFFFFFDC0]  }
0x76: {  	v20 =	vld [tilespmem:s16+$0xFFFFFE00]  }
0x77: {  	v21 =	vld [tilespmem:s20+$0xFFFFFE00]  }
0x78: {  	v22 =	vld [tilespmem:s16+$0xFFFFFE40]  }
0x79: {  	v23 =	vld [tilespmem:s20+$0xFFFFFE40]  }
0x7a: {  	v24 =	vld [tilespmem:s16+$0xFFFFFE80]  }
0x7b: {  	v25 =	vld [tilespmem:s20+$0xFFFFFE80]  }
0x7c: {  	v26 =	vld [tilespmem:s16+$0xFFFFFEC0]  }
0x7d: {  	v27 =	vld [tilespmem:s20+$0xFFFFFEC0]  }
0x7e: {  	v28 =	vld [tilespmem:s16+$0xFFFFFF00]  }
0x7f: {  	v29 =	vld [tilespmem:s20+$0xFFFFFF00]  }
0x80: {  	v30 =	vld [tilespmem:s16+$0xFFFFFF40]  }
0x81: {  	v31 =	vld [tilespmem:s20+$0xFFFFFF40]  }
0x82: {  	v32 =	vld [tilespmem:s16+$0xFFFFFF80]  }
0x83: {  	v33 =	vld [tilespmem:s20+$0xFFFFFF80]  }
0x84: {  	v34 =	vld [tilespmem:s16+$0xFFFFFFC0]  }
0x85: {  	v35 =	vld [tilespmem:s20+$0xFFFFFFC0]  }
0x86: {  	v36 =	vld [tilespmem:s16+$0x0]  }
0x87: {  	v39 =	vld [tilespmem:s20+$0x0]  }
0x88: {  	v0 =	vld [tilespmem:s16+$0x40]  }
0x89: {  	v56 =	vld [tilespmem:s20+$0x40]  }
0x8a: {  	v57 =	vld [tilespmem:s16+$0x80]  }
0x8b: {  	v58 =	vld [tilespmem:s20+$0x80]  }
0x8c: {  	v59 =	vld [tilespmem:s16+$0xC0]  }
0x8d: {  	v60 =	vld [tilespmem:s20+$0xC0]  }
0x8e: {  	v61 =	vld [tilespmem:s16+$0x100]  }
0x8f: {  	v62 =	vld [tilespmem:s20+$0x100]  }
0x90: {  	v63 =	vld [tilespmem:s16+$0x140]  }
0x91: {  	v4 =	vld [tilespmem:s20+$0x140]  }
0x92: {  	v5 =	vld [tilespmem:s16+$0x180]  }
0x93: {  	v6 =	vld [tilespmem:s20+$0x180]  }
0x94: {  	v7 =	vld [tilespmem:s16+$0x1C0]  }
0x95: {  	v8 =	vld [tilespmem:s20+$0x1C0]  }
0x96: {  	v9 =	vld [tilespmem:s16+$0x200]  }
0x97: {  	v10 =	vld [tilespmem:s20+$0x200]  }
0x98: {  	v11 =	vld [tilespmem:s16+$0x240]  }
0x99: {  	v12 =	vld [tilespmem:s20+$0x240]  }
0x9a: {  	v13 =	vld [tilespmem:s15+$0xFFFFFFE0]  }
0x9b: {  	v42 =	vld [tilespmem:s16+$0xFFFFFD90]  }
0x9c: {  	v43 =	vld [tilespmem:s20+$0xFFFFFD90]  }
0x9d: {  	v44 =	vld [tilespmem:s16+$0xFFFFFDD0]  }
0x9e: {  	v45 =	vld [tilespmem:s20+$0xFFFFFDD0]  }
0x9f: {  	v46 =	vld [tilespmem:s16+$0xFFFFFE10]  }
0xa0: {  	v47 =	vld [tilespmem:s20+$0xFFFFFE10]  }
0xa1: {  	v48 =	vld [tilespmem:s16+$0xFFFFFE50]  }
0xa2: {  	v49 =	vld [tilespmem:s20+$0xFFFFFE50]  }
0xa3: {  	v50 =	vld [tilespmem:s16+$0xFFFFFE90]  }
0xa4: {  	v51 =	vld [tilespmem:s20+$0xFFFFFE90]  }
0xa5: {  	v52 =	vld [tilespmem:s16+$0xFFFFFED0]  }
0xa6: {  	v53 =	vld [tilespmem:s20+$0xFFFFFED0]  }
0xa7: {  	v54 =	vld [tilespmem:s16+$0xFFFFFF10]  }
0xa8: {  	v55 =	vld [tilespmem:s20+$0xFFFFFF10]  }
0xa9: {  	v1 =	vld [tilespmem:s20+$0x50]  }
0xaa: {  	v2 =	vld [tilespmem:s16+$0x90]  }
0xab: {  	v3 =	vld [tilespmem:s20+$0x90]  }
0xac: {  	v15 =	vld [tilespmem:s16+$0x1D0]  }
0xad: {  	v40 =	vld [tilespmem:s20+$0x1D0]  }
0xae: {  	v14 =	vld [tilespmem:s20+$0x210]  }
0xaf: {  	v37 =	vld [tilespmem:s16+$0x250]  }
0xb0: {  	v38 =	vld [tilespmem:s20+$0x250]  }
0xb1: {  	v41 =	vld [tilespmem:s15+$0xFFFFFFF0]  }
0xb2: {  	[tilespmem:$0x1FE80] =	vst v56;
	v56 =	vld [tilespmem:s16+$0xFFFFFF50]  }
0xb3: {  	[tilespmem:$0x1FE90] =	vst v57;
	v57 =	vld [tilespmem:s20+$0xFFFFFF50]  }
0xb4: {  	[tilespmem:$0x1FEA0] =	vst v58;
	v58 =	vld [tilespmem:s16+$0xFFFFFF90]  }
0xb5: {  	[tilespmem:$0x1FEB0] =	vst v59;
	v59 =	vld [tilespmem:s20+$0xFFFFFF90]  }
0xb6: {  	[tilespmem:$0x1FEC0] =	vst v60;
	v60 =	vld [tilespmem:s16+$0xFFFFFFD0]  }
0xb7: {  	[tilespmem:$0x1FED0] =	vst v61;
	v61 =	vld [tilespmem:s20+$0xFFFFFFD0]  }
0xb8: {  	[tilespmem:$0x1FEE0] =	vst v62;
	v62 =	vld [tilespmem:s16+$0x10]  }
0xb9: {  	[tilespmem:$0x1FEF0] =	vst v63;
	v63 =	vld [tilespmem:s20+$0x10]  }
0xba: {  	[tilespmem:$0x1FE70] =	vst v0;
	v0 =	vld [tilespmem:s16+$0x50]  }
0xbb: {  	[tilespmem:$0x1FF00] =	vst v4;
	v4 =	vld [tilespmem:s16+$0xD0]  }
0xbc: {  	[tilespmem:$0x1FF10] =	vst v5;
	v5 =	vld [tilespmem:s20+$0xD0]  }
0xbd: {  	[tilespmem:$0x1FF20] =	vst v6;
	v6 =	vld [tilespmem:s16+$0x110]  }
0xbe: {  	[tilespmem:$0x1FF30] =	vst v7;
	v7 =	vld [tilespmem:s20+$0x110]  }
0xbf: {  	[tilespmem:$0x1FF40] =	vst v8;
	v8 =	vld [tilespmem:s16+$0x150]  }
0xc0: {  	[tilespmem:$0x1FF50] =	vst v9;
	v9 =	vld [tilespmem:s20+$0x150]  }
0xc1: {  	[tilespmem:$0x1FF60] =	vst v10;
	v10 =	vld [tilespmem:s16+$0x190]  }
0xc2: {  	[tilespmem:$0x1FF80] =	vst v12;
	v12 =	vld [tilespmem:s20+$0x190]  }
0xc3: {  	[tilespmem:$0x1FF70] =	vst v11;
	v11 =	vld [tilespmem:s16+$0x210]  }
0xc4: {  	[tilespmem:$0x1FFE0] =	vst v13;
	v13 =	vld [tilespmem:s16+$0xFFFFFDA0]  }
0xc5: {  	[tilespmem:$0x1FFB0] =	vst v37;
	v37 =	vld [tilespmem:s20+$0xFFFFFDA0]  }
0xc6: {  	[tilespmem:$0x1FFA0] =	vst v14;
	v14 =	vld [tilespmem:s20+$0xFFFFFDE0]  }
0xc7: {  	[tilespmem:$0x1FFC0] =	vst v38;
	v38 =	vld [tilespmem:s16+$0xFFFFFE20]  }
0xc8: {  	[tilespmem:$0x1FFF0] =	vst v41;
	v41 =	vld [tilespmem:s20+$0xFFFFFE20]  }
0xc9: {  	v16 =	vadd.f32 v18, v16;
	v18 =	vld [tilespmem:s16+$0xFFFFFE60]  }
0xca: {  	v17 =	vadd.f32 v19, v17;
	v19 =	vld [tilespmem:s20+$0xFFFFFE60]  }
0xcb: {  	v45 =	vadd.f32 v45, v43;
	v43 =	vld [tilespmem:s20+$0xFFFFFEE0]  }
0xcc: {  	v16 =	vadd.f32 v20, v16;
	v20 =	vld [tilespmem:s16+$0xFFFFFEA0]  }
0xcd: {  	v17 =	vadd.f32 v21, v17;
	v21 =	vld [tilespmem:s20+$0xFFFFFEA0]  }
0xce: {  	v16 =	vadd.f32 v22, v16;
	v22 =	vadd.f32 v44, v42;
	v42 =	vld [tilespmem:s16+$0xFFFFFEE0]  }
0xcf: {  	v44 =	vld [tilespmem:s16+$0xE0]  }
0xd0: {  	v17 =	vadd.f32 v23, v17;
	v23 =	vadd.f32 v47, v45;
	v45 =	vld [tilespmem:s20+$0xE0]  }
0xd1: {  	v47 =	vld [tilespmem:s20+$0x120]  }
0xd2: {  	[tilespmem:$0x1FF90] =	vst v11;
	v11 =	vld [tilespmem:s16+$0xFFFFFDE0]  }
0xd3: {  	[tilespmem:$0x1FFD0] =	vst v41;
	v41 =	vld [tilespmem:$0x1FEF0]  }
0xd4: {  	v14 =	vadd.f32 v14, v37;
	v37 =	vld [tilespmem:s20+$0xB0]  }
0xd5: {  	v16 =	vadd.f32 v24, v16;
	v24 =	vld [tilespmem:s16+$0xFFFFFF20]  }
0xd6: {  	v17 =	vadd.f32 v25, v17;
	v25 =	vld [tilespmem:s20+$0xFFFFFF20]  }
0xd7: {  	v22 =	vadd.f32 v46, v22;
	v46 =	vld [tilespmem:s16+$0x120]  }
0xd8: {  	v23 =	vadd.f32 v49, v23;
	v49 =	vld [tilespmem:$0x1FF90]  }
0xd9: {  	v16 =	vadd.f32 v26, v16;
	v26 =	vld [tilespmem:s16+$0xFFFFFF60]  }
0xda: {  	v17 =	vadd.f32 v27, v17;
	v27 =	vld [tilespmem:s20+$0xFFFFFF60]  }
0xdb: {  	v22 =	vadd.f32 v48, v22;
	v48 =	vld [tilespmem:s20+$0x1E0]  }
0xdc: {  	v23 =	vadd.f32 v51, v23;
	v51 =	vld [tilespmem:$0x1FFA0]  }
0xdd: {  	v16 =	vadd.f32 v28, v16;
	v28 =	vld [tilespmem:s16+$0xFFFFFFA0]  }
0xde: {  	v17 =	vadd.f32 v29, v17;
	v29 =	vld [tilespmem:s20+$0xFFFFFFA0]  }
0xdf: {  	v23 =	vadd.f32 v53, v23;
	v53 =	vld [tilespmem:$0x1FF10]  }
0xe0: {  	v22 =	vadd.f32 v50, v22;
	v50 =	vld [tilespmem:s20+$0xFFFFFDF0]  }
0xe1: {  	v16 =	vadd.f32 v30, v16;
	v30 =	vld [tilespmem:s16+$0xFFFFFFE0]  }
0xe2: {  	v17 =	vadd.f32 v31, v17;
	v31 =	vld [tilespmem:s20+$0xFFFFFFE0]  }
0xe3: {  	v11 =	vadd.f32 v11, v13;
	v22 =	vadd.f32 v52, v22;
	v52 =	vld [tilespmem:$0x1FF00]  }
0xe4: {  	v23 =	vadd.f32 v55, v23;
	v55 =	vld [tilespmem:$0x1FF30]  }
0xe5: {  	v11 =	vadd.f32 v38, v11;
	v38 =	vld [tilespmem:s16+$0xF0]  }
0xe6: {  	v16 =	vadd.f32 v32, v16;
	v32 =	vld [tilespmem:s16+$0x20]  }
0xe7: {  	v17 =	vadd.f32 v33, v17;
	v33 =	vld [tilespmem:s20+$0x20]  }
0xe8: {  	v23 =	vadd.f32 v57, v23;
	v57 =	vld [tilespmem:$0x1FE80]  }
0xe9: {  	v22 =	vadd.f32 v54, v22;
	v54 =	vld [tilespmem:$0x1FF20]  }
0xea: {  	v16 =	vadd.f32 v34, v16;
	v34 =	vld [tilespmem:s16+$0x60]  }
0xeb: {  	v17 =	vadd.f32 v35, v17;
	v35 =	vld [tilespmem:s20+$0x60]  }
0xec: {  	v22 =	vadd.f32 v56, v22;
	v56 =	vld [tilespmem:$0x1FE70]  }
0xed: {  	v23 =	vadd.f32 v59, v23;
	v59 =	vld [tilespmem:$0x1FEA0]  }
0xee: {  	v11 =	vadd.f32 v18, v11;
	v16 =	vadd.f32 v36, v16;
	v36 =	vld [tilespmem:s16+$0xA0]  }
0xef: {  	v17 =	vadd.f32 v39, v17;
	v39 =	vld [tilespmem:s20+$0xA0]  }
0xf0: {  	v11 =	vadd.f32 v20, v11;
	v22 =	vadd.f32 v58, v22;
	v58 =	vld [tilespmem:$0x1FE90]  }
0xf1: {  	v23 =	vadd.f32 v61, v23;
	v61 =	vld [tilespmem:$0x1FEC0]  }
0xf2: {  	v11 =	vadd.f32 v42, v11;
	v42 =	vld [tilespmem:s16+$0x170]  }
0xf3: {  	v22 =	vadd.f32 v60, v22;
	v60 =	vld [tilespmem:$0x1FEB0]  }
0xf4: {  	v23 =	vadd.f32 v63, v23;
	v63 =	vld [tilespmem:$0x1FEE0]  }
0xf5: {  	v17 =	vadd.f32 v57, v17;
	v57 =	vld [tilespmem:$0x1FF50]  }
0xf6: {  	v11 =	vadd.f32 v24, v11;
	v24 =	vld [tilespmem:s20+$0xFFFFFF30]  }
0xf7: {  	v16 =	vadd.f32 v56, v16;
	v56 =	vld [tilespmem:$0x1FF40]  }
0xf8: {  	v1 =	vadd.f32 v1, v23;
	v23 =	vld [tilespmem:s20+$0x160]  }
0xf9: {  	v22 =	vadd.f32 v62, v22;
	v62 =	vld [tilespmem:$0x1FED0]  }
0xfa: {  	v17 =	vadd.f32 v59, v17;
	v59 =	vld [tilespmem:s16+$0xFFFFFDB0]  }
0xfb: {  	v11 =	vadd.f32 v26, v11;
	v26 =	vld [tilespmem:s20+$0xFFFFFF70]  }
0xfc: {  	v16 =	vadd.f32 v58, v16;
	v58 =	vld [tilespmem:$0x1FF60]  }
0xfd: {  	v0 =	vadd.f32 v0, v22;
	v22 =	vld [tilespmem:s16+$0x160]  }
0xfe: {  	v1 =	vadd.f32 v3, v1;
	v3 =	vld [tilespmem:s20+$0x1A0]  }
0xff: {  	v17 =	vadd.f32 v61, v17;
	v61 =	vld [tilespmem:s20+$0xFFFFFDB0];
	v16 =	vadd.f32 v60, v16  }
0x100: {  	v11 =	vadd.f32 v28, v11;
	v28 =	vld [tilespmem:s20+$0xFFFFFFB0]  }
0x101: {  	v60 =	vld [tilespmem:$0x1FF70];
	v17 =	vadd.f32 v63, v17;
	v16 =	vadd.f32 v62, v16  }
0x102: {  	v0 =	vadd.f32 v2, v0;
	v2 =	vld [tilespmem:s16+$0x1A0]  }
0x103: {  	v63 =	vld [tilespmem:s16+$0xFFFFFDF0];
	v17 =	vadd.f32 v52, v17;
	v16 =	vadd.f32 v41, v16  }
0x104: {  	v1 =	vadd.f32 v5, v1;
	v11 =	vadd.f32 v30, v11;
	v30 =	vld [tilespmem:s20+$0xFFFFFFF0]  }
0x105: {  	v62 =	vld [tilespmem:$0x1FF80];
	v5 =	vadd.f32 v53, v16;
	v16 =	vadd.f32 v54, v17  }
0x106: {  	v0 =	vadd.f32 v4, v0;
	v4 =	vld [tilespmem:s16+$0x1E0]  }
0x107: {  	v1 =	vadd.f32 v7, v1;
	v16 =	vadd.f32 v56, v16;
	v56 =	vld [tilespmem:$0x1FFD0]  }
0x108: {  	v7 =	vld [tilespmem:s20+$0x220];
	v11 =	vadd.f32 v32, v11;
	v0 =	vadd.f32 v6, v0  }
0x109: {  	v52 =	vld [tilespmem:s16+$0xFFFFFE30];
	v13 =	vadd.f32 v50, v61;
	v1 =	vadd.f32 v9, v1  }
0x10a: {  	v32 =	vld [tilespmem:s20+$0x30];
	v0 =	vadd.f32 v8, v0;
	v5 =	vadd.f32 v55, v5  }
0x10b: {  	v54 =	vld [tilespmem:s20+$0xFFFFFE30];
	v1 =	vadd.f32 v12, v1;
	v12 =	vadd.f32 v63, v59  }
0x10c: {  	v17 =	vadd.f32 v57, v5;
	v57 =	vld [tilespmem:s16+$0xFFFFFE70];
	v14 =	vadd.f32 v56, v14  }
0x10d: {  	v0 =	vadd.f32 v10, v0;
	v10 =	vadd.f32 v58, v16;
	v58 =	vld [tilespmem:s20+$0xFFFFFE70]  }
0x10e: {  	v11 =	vadd.f32 v34, v11;
	v59 =	vld [tilespmem:s16+$0xFFFFFEB0];
	v14 =	vadd.f32 v19, v14  }
0x10f: {  	v12 =	vadd.f32 v52, v12;
	v16 =	vadd.f32 v60, v17;
	v60 =	vld [tilespmem:s20+$0xFFFFFEB0]  }
0x110: {  	v61 =	vld [tilespmem:s16+$0xFFFFFEF0];
	v13 =	vadd.f32 v54, v13;
	v14 =	vadd.f32 v21, v14  }
0x111: {  	v10 =	vadd.f32 v62, v10;
	v62 =	vld [tilespmem:s20+$0xFFFFFEF0];
	v12 =	vadd.f32 v57, v12  }
0x112: {  	v63 =	vld [tilespmem:s16+$0xFFFFFF30];
	v13 =	vadd.f32 v58, v13;
	v14 =	vadd.f32 v43, v14  }
0x113: {  	v41 =	vld [tilespmem:s20+$0x130];
	v11 =	vadd.f32 v36, v11;
	v12 =	vadd.f32 v59, v12  }
0x114: {  	v13 =	vadd.f32 v60, v13;
	v14 =	vadd.f32 v25, v14;
	v25 =	vld [tilespmem:s16+$0xFFFFFF70]  }
0x115: {  	v50 =	vld [tilespmem:s20+$0x1F0];
	v1 =	vadd.f32 v40, v1;
	v12 =	vadd.f32 v61, v12  }
0x116: {  	v13 =	vadd.f32 v62, v13;
	v14 =	vadd.f32 v27, v14;
	v27 =	vld [tilespmem:s16+$0xFFFFFFB0]  }
0x117: {  	v6 =	vld [tilespmem:s16+$0x220];
	v11 =	vadd.f32 v44, v11;
	v12 =	vadd.f32 v63, v12  }
0x118: {  	v13 =	vadd.f32 v24, v13;
	v14 =	vadd.f32 v29, v14;
	v29 =	vld [tilespmem:s16+$0xFFFFFFF0]  }
0x119: {  	v34 =	vld [tilespmem:s20+$0x70];
	v0 =	vadd.f32 v15, v0;
	v12 =	vadd.f32 v25, v12  }
0x11a: {  	v13 =	vadd.f32 v26, v13;
	v14 =	vadd.f32 v31, v14;
	v31 =	vld [tilespmem:s16+$0x30]  }
0x11b: {  	v55 =	vld [tilespmem:$0x1FFC0];
	v1 =	vadd.f32 v51, v1;
	v12 =	vadd.f32 v27, v12  }
0x11c: {  	v13 =	vadd.f32 v28, v13;
	v14 =	vadd.f32 v33, v14;
	v33 =	vld [tilespmem:s16+$0x70]  }
0x11d: {  	v53 =	vld [tilespmem:$0x1FFB0];
	v11 =	vadd.f32 v46, v11;
	v12 =	vadd.f32 v29, v12  }
0x11e: {  	v13 =	vadd.f32 v30, v13;
	v14 =	vadd.f32 v35, v14;
	v35 =	vld [tilespmem:s16+$0xB0]  }
0x11f: {  	v9 =	vld [tilespmem:s20+$0x260];
	v0 =	vadd.f32 v49, v0;
	v12 =	vadd.f32 v31, v12  }
0x120: {  	v8 =	vld [tilespmem:s16+$0x260];
	v1 =	vadd.f32 v55, v1;
	v13 =	vadd.f32 v32, v13  }
0x121: {  	v14 =	vadd.f32 v39, v14;
	v39 =	vld [tilespmem:s20+$0xF0];
	v12 =	vadd.f32 v33, v12  }
0x122: {  	v40 =	vld [tilespmem:s16+$0x130];
	v11 =	vadd.f32 v22, v11;
	v13 =	vadd.f32 v34, v13  }
0x123: {  	v44 =	vld [tilespmem:s16+$0x1B0];
	v0 =	vadd.f32 v53, v0;
	v12 =	vadd.f32 v35, v12  }
0x124: {  	v55 =	vld [tilespmem:$0x1FFE0];
	v13 =	vadd.f32 v37, v13;
	v14 =	vadd.f32 v45, v14  }
0x125: {  	v2 =	vadd.f32 v2, v11;
	v43 =	vld [tilespmem:s20+$0x170];
	v12 =	vadd.f32 v38, v12  }
0x126: {  	v52 =	vld [tilespmem:s20+$0x230];
	v14 =	vadd.f32 v47, v14;
	v13 =	vadd.f32 v39, v13  }
0x127: {  	v46 =	vld [tilespmem:s20+$0x1B0];
	v2 =	vadd.f32 v4, v2;
	v45 =	vadd.f32 v40, v12  }
0x128: {  	v47 =	vld [tilespmem:s16+$0x1F0];
	v14 =	vadd.f32 v23, v14;
	v13 =	vadd.f32 v41, v13  }
0x129: {  	v51 =	vld [tilespmem:s16+$0x230];
	v10 =	vmul.f32 v10, v55;
	v2 =	vadd.f32 v6, v2;
	v49 =	vadd.f32 v42, v45  }
0x12a: {  	v59 =	vld [tilespmem:$0x1FFF0];
	v3 =	vadd.f32 v3, v14;
	v13 =	vadd.f32 v43, v13  }
0x12b: {  	v5 =	vld [tilespmem:s15+$0x0];
	v60 =	vadd.f32 $0.0e+00, v10;
	v4 =	vadd.f32 v44, v49  }
0x12c: {  	v54 =	vld [tilespmem:s16+$0x270];
	v3 =	vadd.f32 v48, v3;
	v53 =	vadd.f32 v46, v13  }
0x12d: {  	v57 =	vld [tilespmem:s20+$0x270];
	v56 =	vmul.f32 v55, v16;
	v2 =	vadd.f32 v8, v2;
	v4 =	vadd.f32 v47, v4  }
0x12e: {  	v58 =	vld [tilespmem:s15+$0x10];
	v3 =	vadd.f32 v7, v3;
	v7 =	vadd.f32 v50, v53  }
0x12f: {  	v8 =	vadd.f32 $0.0e+00, v56;
	v0 =	vmul.f32 v59, v0;
	v4 =	vadd.f32 v51, v4  }
0x130: {  	v1 =	vmul.f32 v1, v59;
	v3 =	vadd.f32 v9, v3;
	v6 =	vadd.f32 v52, v7  }
0x131: {  	v2 =	vmul.f32 v5, v2;
	v0 =	vadd.f32 v0, v8;
	v4 =	vadd.f32 v54, v4  }
0x132: {  	v1 =	vadd.f32 v1, v60;
	v3 =	vmul.f32 v3, v5;
	v61 =	vadd.f32 v57, v6  }
0x133: {  	p0 =	sne.s32 s14, $0x3C0;
	v0 =	vadd.f32 v2, v0;
	v62 =	vmul.f32 v58, v4  }
.Ltmp2:
0x134: {  	v1 =	vadd.f32 v3, v1;
	v63 =	vmul.f32 v61, v58;
	(pc) =	sbr.rel @p0 .LBB2_3-.Ltmp2, $4  }
0x135: {  	v0 =	vadd.f32 v62, v0  }
0x136: {  	s28 =	sshra.s32 s14, $0x2;
	v1 =	vadd.f32 v63, v1  }
0x137: {  	s14 =	sadd.s32 $0x40, s14;
	[tilespmem:s28+$0x14D20] =	vst v0  }
0x138: {  	s15 =	sadd.s32 $0x40, s15;
	s20 =	sadd.s32 $0x500, s20;
	s16 =	sadd.s32 $0x500, s16;
	[tilespmem:s28+$0x14F20] =	vst v1  }
0x139: {  	s14 =	sshll.u32 s13, $0x6  }
0x13a: {  	s14 =	sadd.s32 s17, s14  }
0x13b: {  	s15 =	sadd.s32 s8, s14  }
0x13c: {  	[hbm4b:s15+s2] =	stream.linear.scatter [tilespmem:s0], [sflag:$0x3], $0x100, $0x38;
	[tilespmem:$0x15120] =	vst v63  }
0x13d: {  	_ =	swait.ge [sflag:s21], $0x100  }
0x13e: {  	[sflag:s21] =	ssyncset.done $0x0  }
0x13f: {  	s14 =	sadd.s32 s10, s14;
	[sflag:s21] =	ssyncadd.s32 $0xFFFFFF00  }
0x140: {  	[hbm4b:s14+s2] =	stream.linear.scatter [tilespmem:s22], [sflag:$0x3], $0x100, $0x38;
	[tilespmem:$0x15120] =	vst v63  }
0x141: {  	p0 =	seq.s32 s13, $0xF;
	s14 =	sshll.u32 s13, $0x5  }
0x142: {  	s15 =	sadd.s32 @!p0 s14, s18  }
0x143: {  	s16 =	smul.u32 @!p0 $0x14, s15  }
0x144: {  	_ =	swait.ge [sflag:s21], $0x100  }
0x145: {  	[sflag:s21] =	ssyncset.done $0x0;
	s16 =	sshrl.u32 @!p0 s16, $0x3  }
0x146: {  	s28 =	simm.s32 @!p0 $0x0;
	[sflag:s21] =	ssyncadd.s32 $0xFFFFFF00;
	s20 =	sadd.s32 @!p0 s4, s16  }
0x147: {  	[tilespmem:s28], [sflag:$0x3] =	stream.linear.gather @!p0 [hbm4b:s20+s28], $0x140, $0x38;
	[tilespmem:$0x15120] =	vst v63  }
0x148: {  	s20 =	simm.s32 @!p0 $0x3  }
0x149: {  	_ =	swait.ge @!p0 [sflag:s20], $0x140  }
0x14a: {  	[sflag:s20] =	ssyncset.done @!p0 $0x0  }
0x14b: {  	s29 =	simm.s32 @!p0 $0x280;
	s16 =	sadd.s32 @!p0 s5, s16;
	[sflag:s20] =	ssyncadd.s32 @!p0 $0xFFFFFEC0  }
0x14c: {  	[tilespmem:s29], [sflag:$0x3] =	stream.linear.gather @!p0 [hbm4b:s16+s28], $0x140, $0x38;
	[tilespmem:$0x15120] =	vst v63  }
0x14d: {  	_ =	swait.ge @!p0 [sflag:s20], $0x140  }
0x14e: {  	s15 =	sshrl.u32 @!p0 s15, $0x3;
	[sflag:s20] =	ssyncset.done @!p0 $0x0  }
0x14f: {  	s15 =	sadd.s32 @!p0 s1, s15;
	s16 =	simm.s32 @!p0 $0x500;
	[sflag:s20] =	ssyncadd.s32 @!p0 $0xFFFFFEC0  }
0x150: {  	[tilespmem:s16], [sflag:$0x3] =	stream.linear.gather @!p0 [hbm4b:s15+s28], $0x10, $0x38;
	[tilespmem:$0x15120] =	vst v63  }
0x151: {  	_ =	swait.ge @!p0 [sflag:s20], $0x10  }
0x152: {  	[sflag:s20] =	ssyncset.done @!p0 $0x0  }
0x153: {  	s15 =	simm.s32 @!p0 $0x50;
	[sflag:s20] =	ssyncadd.s32 @!p0 $0xFFFFFFF0;
	s20 =	simm.s32 @!p0 $0x520  }
0x154: {  	[tilespmem:s20], [sflag:$0x1] =	stream.indirect.gather @!p0 [hbm4b:s7+s15], $0x40, s28, s15, $0xb8;
	[tilespmem:$0x15120] =	vst v63  }
0x155: {  	s20 =	simm.s32 @!p0 $0xA520  }
0x156: {  	[tilespmem:s20], [sflag:$0x1] =	stream.indirect.gather @!p0 [hbm4b:s7+s15], $0x40, s29, s15, $0xb8;
	[tilespmem:$0x15120] =	vst v63  }
0x157: {  	s20 =	simm.s32 @!p0 $0x1920  }
0x158: {  	[tilespmem:s20], [sflag:$0x1] =	stream.indirect.gather @!p0 [hbm4b:s7+s15], $0x40, s15, s15, $0xb8;
	[tilespmem:$0x15120] =	vst v63  }
0x159: {  	s28 =	simm.s32 @!p0 $0xB920;
	s20 =	simm.s32 @!p0 $0x2D0  }
0x15a: {  	[tilespmem:s28], [sflag:$0x1] =	stream.indirect.gather @!p0 [hbm4b:s7+s15], $0x40, s20, s15, $0xb8;
	[tilespmem:$0x15120] =	vst v63  }
0x15b: {  	s20 =	simm.s32 @!p0 $0xA0;
	s28 =	simm.s32 @!p0 $0x2D20  }
0x15c: {  	[tilespmem:s28], [sflag:$0x1] =	stream.indirect.gather @!p0 [hbm4b:s7+s15], $0x40, s20, s15, $0xb8;
	[tilespmem:$0x15120] =	vst v63  }
0x15d: {  	s20 =	simm.s32 @!p0 $0x320;
	s28 =	simm.s32 @!p0 $0xCD20  }
0x15e: {  	[tilespmem:s28], [sflag:$0x1] =	stream.indirect.gather @!p0 [hbm4b:s7+s15], $0x40, s20, s15, $0xb8;
	[tilespmem:$0x15120] =	vst v63  }
0x15f: {  	s20 =	simm.s32 @!p0 $0xF0;
	s28 =	simm.s32 @!p0 $0x4120  }
0x160: {  	[tilespmem:s28], [sflag:$0x1] =	stream.indirect.gather @!p0 [hbm4b:s7+s15], $0x40, s20, s15, $0xb8;
	[tilespmem:$0x15120] =	vst v63  }
0x161: {  	s20 =	simm.s32 @!p0 $0x370;
	s28 =	simm.s32 @!p0 $0xE120  }
0x162: {  	[tilespmem:s28], [sflag:$0x1] =	stream.indirect.gather @!p0 [hbm4b:s7+s15], $0x40, s20, s15, $0xb8;
	[tilespmem:$0x15120] =	vst v63  }
0x163: {  	s15 =	simm.s32 @!p0 $0x10;
	s20 =	simm.s32 @!p0 $0x14520  }
0x164: {  	[tilespmem:s20], [sflag:$0x1] =	stream.indirect.gather @!p0 [hbm4b:s6+s15], $0x40, s16, s15, $0xb8;
	[tilespmem:$0x15120] =	vst v63  }
0x165: {  	_ =	swait.ge [sflag:s23], $0x1400  }
0x166: {  	[sflag:s23] =	ssyncset.done $0x0  }
0x167: {  	[sflag:s23] =	ssyncadd.s32 $0xFFFFEC00  }
0x168: {  	_ =	swait.ge [sflag:s23], $0x1400  }
0x169: {  	[sflag:s23] =	ssyncset.done $0x0  }
0x16a: {  	[sflag:s23] =	ssyncadd.s32 $0xFFFFEC00  }
0x16b: {  	_ =	swait.ge [sflag:s23], $0x1400  }
0x16c: {  	[sflag:s23] =	ssyncset.done $0x0  }
0x16d: {  	[sflag:s23] =	ssyncadd.s32 $0xFFFFEC00  }
0x16e: {  	_ =	swait.ge [sflag:s23], $0x1400  }
0x16f: {  	[sflag:s23] =	ssyncset.done $0x0  }
0x170: {  	[sflag:s23] =	ssyncadd.s32 $0xFFFFEC00  }
0x171: {  	_ =	swait.ge [sflag:s23], $0x1400  }
0x172: {  	[sflag:s23] =	ssyncset.done $0x0  }
0x173: {  	[sflag:s23] =	ssyncadd.s32 $0xFFFFEC00  }
0x174: {  	_ =	swait.ge [sflag:s23], $0x1400  }
0x175: {  	[sflag:s23] =	ssyncset.done $0x0  }
0x176: {  	[sflag:s23] =	ssyncadd.s32 $0xFFFFEC00  }
0x177: {  	_ =	swait.ge [sflag:s23], $0x1400  }
0x178: {  	[sflag:s23] =	ssyncset.done $0x0  }
0x179: {  	[sflag:s23] =	ssyncadd.s32 $0xFFFFEC00  }
0x17a: {  	_ =	swait.ge [sflag:s23], $0x1400  }
0x17b: {  	[sflag:s23] =	ssyncset.done $0x0  }
0x17c: {  	[sflag:s23] =	ssyncadd.s32 $0xFFFFEC00  }
0x17d: {  	_ =	swait.ge [sflag:s23], $0x400  }
0x17e: {  	s28 =	simm.s32 $0xF7A0;
	s15 =	simm.s32 $0x0;
	[sflag:s23] =	ssyncset.done $0x0  }
0x17f: {  	s16 =	simm.s32 $0x14940;
	s20 =	simm.s32 $0x57A0;
	[sflag:s23] =	ssyncadd.s32 $0xFFFFFC00  }
.LBB2_5:
0x180: {  	v16 =	vld [tilespmem:s20+$0xFFFFFD80]  }
0x181: {  	v17 =	vld [tilespmem:s28+$0xFFFFFD80]  }
0x182: {  	v18 =	vld [tilespmem:s20+$0xFFFFFDC0]  }
0x183: {  	v19 =	vld [tilespmem:s28+$0xFFFFFDC0]  }
0x184: {  	v20 =	vld [tilespmem:s20+$0xFFFFFE00]  }
0x185: {  	v21 =	vld [tilespmem:s28+$0xFFFFFE00]  }
0x186: {  	v22 =	vld [tilespmem:s20+$0xFFFFFE40]  }
0x187: {  	v23 =	vld [tilespmem:s28+$0xFFFFFE40]  }
0x188: {  	v24 =	vld [tilespmem:s20+$0xFFFFFE80]  }
0x189: {  	v25 =	vld [tilespmem:s28+$0xFFFFFE80]  }
0x18a: {  	v26 =	vld [tilespmem:s20+$0xFFFFFEC0]  }
0x18b: {  	v27 =	vld [tilespmem:s28+$0xFFFFFEC0]  }
0x18c: {  	v28 =	vld [tilespmem:s20+$0xFFFFFF00]  }
0x18d: {  	v29 =	vld [tilespmem:s28+$0xFFFFFF00]  }
0x18e: {  	v30 =	vld [tilespmem:s20+$0xFFFFFF40]  }
0x18f: {  	v31 =	vld [tilespmem:s28+$0xFFFFFF40]  }
0x190: {  	v32 =	vld [tilespmem:s20+$0xFFFFFF80]  }
0x191: {  	v33 =	vld [tilespmem:s28+$0xFFFFFF80]  }
0x192: {  	v34 =	vld [tilespmem:s20+$0xFFFFFFC0]  }
0x193: {  	v35 =	vld [tilespmem:s28+$0xFFFFFFC0]  }
0x194: {  	v36 =	vld [tilespmem:s20+$0x0]  }
0x195: {  	v39 =	vld [tilespmem:s28+$0x0]  }
0x196: {  	v0 =	vld [tilespmem:s20+$0x40]  }
0x197: {  	v56 =	vld [tilespmem:s28+$0x40]  }
0x198: {  	v57 =	vld [tilespmem:s20+$0x80]  }
0x199: {  	v58 =	vld [tilespmem:s28+$0x80]  }
0x19a: {  	v59 =	vld [tilespmem:s20+$0xC0]  }
0x19b: {  	v60 =	vld [tilespmem:s28+$0xC0]  }
0x19c: {  	v61 =	vld [tilespmem:s20+$0x100]  }
0x19d: {  	v62 =	vld [tilespmem:s28+$0x100]  }
0x19e: {  	v63 =	vld [tilespmem:s20+$0x140]  }
0x19f: {  	v4 =	vld [tilespmem:s28+$0x140]  }
0x1a0: {  	v5 =	vld [tilespmem:s20+$0x180]  }
0x1a1: {  	v6 =	vld [tilespmem:s28+$0x180]  }
0x1a2: {  	v7 =	vld [tilespmem:s20+$0x1C0]  }
0x1a3: {  	v8 =	vld [tilespmem:s28+$0x1C0]  }
0x1a4: {  	v9 =	vld [tilespmem:s20+$0x200]  }
0x1a5: {  	v10 =	vld [tilespmem:s28+$0x200]  }
0x1a6: {  	v11 =	vld [tilespmem:s20+$0x240]  }
0x1a7: {  	v12 =	vld [tilespmem:s28+$0x240]  }
0x1a8: {  	v13 =	vld [tilespmem:s16+$0xFFFFFFE0]  }
0x1a9: {  	v42 =	vld [tilespmem:s20+$0xFFFFFD90]  }
0x1aa: {  	v43 =	vld [tilespmem:s28+$0xFFFFFD90]  }
0x1ab: {  	v44 =	vld [tilespmem:s20+$0xFFFFFDD0]  }
0x1ac: {  	v45 =	vld [tilespmem:s28+$0xFFFFFDD0]  }
0x1ad: {  	v46 =	vld [tilespmem:s20+$0xFFFFFE10]  }
0x1ae: {  	v47 =	vld [tilespmem:s28+$0xFFFFFE10]  }
0x1af: {  	v48 =	vld [tilespmem:s20+$0xFFFFFE50]  }
0x1b0: {  	v49 =	vld [tilespmem:s28+$0xFFFFFE50]  }
0x1b1: {  	v50 =	vld [tilespmem:s20+$0xFFFFFE90]  }
0x1b2: {  	v51 =	vld [tilespmem:s28+$0xFFFFFE90]  }
0x1b3: {  	v52 =	vld [tilespmem:s20+$0xFFFFFED0]  }
0x1b4: {  	v53 =	vld [tilespmem:s28+$0xFFFFFED0]  }
0x1b5: {  	v54 =	vld [tilespmem:s20+$0xFFFFFF10]  }
0x1b6: {  	v55 =	vld [tilespmem:s28+$0xFFFFFF10]  }
0x1b7: {  	v1 =	vld [tilespmem:s28+$0x50]  }
0x1b8: {  	v2 =	vld [tilespmem:s20+$0x90]  }
0x1b9: {  	v3 =	vld [tilespmem:s28+$0x90]  }
0x1ba: {  	v15 =	vld [tilespmem:s20+$0x1D0]  }
0x1bb: {  	v40 =	vld [tilespmem:s28+$0x1D0]  }
0x1bc: {  	v14 =	vld [tilespmem:s28+$0x210]  }
0x1bd: {  	v37 =	vld [tilespmem:s20+$0x250]  }
0x1be: {  	v38 =	vld [tilespmem:s28+$0x250]  }
0x1bf: {  	v41 =	vld [tilespmem:s16+$0xFFFFFFF0]  }
0x1c0: {  	[tilespmem:$0x1FCF0] =	vst v56;
	v56 =	vld [tilespmem:s20+$0xFFFFFF50]  }
0x1c1: {  	[tilespmem:$0x1FD00] =	vst v57;
	v57 =	vld [tilespmem:s28+$0xFFFFFF50]  }
0x1c2: {  	[tilespmem:$0x1FD10] =	vst v58;
	v58 =	vld [tilespmem:s20+$0xFFFFFF90]  }
0x1c3: {  	[tilespmem:$0x1FD20] =	vst v59;
	v59 =	vld [tilespmem:s28+$0xFFFFFF90]  }
0x1c4: {  	[tilespmem:$0x1FD30] =	vst v60;
	v60 =	vld [tilespmem:s20+$0xFFFFFFD0]  }
0x1c5: {  	[tilespmem:$0x1FD40] =	vst v61;
	v61 =	vld [tilespmem:s28+$0xFFFFFFD0]  }
0x1c6: {  	[tilespmem:$0x1FD50] =	vst v62;
	v62 =	vld [tilespmem:s20+$0x10]  }
0x1c7: {  	[tilespmem:$0x1FD60] =	vst v63;
	v63 =	vld [tilespmem:s28+$0x10]  }
0x1c8: {  	[tilespmem:$0x1FCE0] =	vst v0;
	v0 =	vld [tilespmem:s20+$0x50]  }
0x1c9: {  	[tilespmem:$0x1FD70] =	vst v4;
	v4 =	vld [tilespmem:s20+$0xD0]  }
0x1ca: {  	[tilespmem:$0x1FD80] =	vst v5;
	v5 =	vld [tilespmem:s28+$0xD0]  }
0x1cb: {  	[tilespmem:$0x1FD90] =	vst v6;
	v6 =	vld [tilespmem:s20+$0x110]  }
0x1cc: {  	[tilespmem:$0x1FDA0] =	vst v7;
	v7 =	vld [tilespmem:s28+$0x110]  }
0x1cd: {  	[tilespmem:$0x1FDB0] =	vst v8;
	v8 =	vld [tilespmem:s20+$0x150]  }
0x1ce: {  	[tilespmem:$0x1FDC0] =	vst v9;
	v9 =	vld [tilespmem:s28+$0x150]  }
0x1cf: {  	[tilespmem:$0x1FDD0] =	vst v10;
	v10 =	vld [tilespmem:s20+$0x190]  }
0x1d0: {  	[tilespmem:$0x1FDF0] =	vst v12;
	v12 =	vld [tilespmem:s28+$0x190]  }
0x1d1: {  	[tilespmem:$0x1FDE0] =	vst v11;
	v11 =	vld [tilespmem:s20+$0x210]  }
0x1d2: {  	[tilespmem:$0x1FE50] =	vst v13;
	v13 =	vld [tilespmem:s20+$0xFFFFFDA0]  }
0x1d3: {  	[tilespmem:$0x1FE20] =	vst v37;
	v37 =	vld [tilespmem:s28+$0xFFFFFDA0]  }
0x1d4: {  	[tilespmem:$0x1FE10] =	vst v14;
	v14 =	vld [tilespmem:s28+$0xFFFFFDE0]  }
0x1d5: {  	[tilespmem:$0x1FE30] =	vst v38;
	v38 =	vld [tilespmem:s20+$0xFFFFFE20]  }
0x1d6: {  	[tilespmem:$0x1FE60] =	vst v41;
	v41 =	vld [tilespmem:s28+$0xFFFFFE20]  }
0x1d7: {  	v16 =	vadd.f32 v18, v16;
	v18 =	vld [tilespmem:s20+$0xFFFFFE60]  }
0x1d8: {  	v17 =	vadd.f32 v19, v17;
	v19 =	vld [tilespmem:s28+$0xFFFFFE60]  }
0x1d9: {  	v45 =	vadd.f32 v45, v43;
	v43 =	vld [tilespmem:s28+$0xFFFFFEE0]  }
0x1da: {  	v16 =	vadd.f32 v20, v16;
	v20 =	vld [tilespmem:s20+$0xFFFFFEA0]  }
0x1db: {  	v17 =	vadd.f32 v21, v17;
	v21 =	vld [tilespmem:s28+$0xFFFFFEA0]  }
0x1dc: {  	v16 =	vadd.f32 v22, v16;
	v22 =	vadd.f32 v44, v42;
	v42 =	vld [tilespmem:s20+$0xFFFFFEE0]  }
0x1dd: {  	v44 =	vld [tilespmem:s20+$0xE0]  }
0x1de: {  	v17 =	vadd.f32 v23, v17;
	v23 =	vadd.f32 v47, v45;
	v45 =	vld [tilespmem:s28+$0xE0]  }
0x1df: {  	v47 =	vld [tilespmem:s28+$0x120]  }
0x1e0: {  	[tilespmem:$0x1FE00] =	vst v11;
	v11 =	vld [tilespmem:s20+$0xFFFFFDE0]  }
0x1e1: {  	[tilespmem:$0x1FE40] =	vst v41;
	v41 =	vld [tilespmem:$0x1FD60]  }
0x1e2: {  	v14 =	vadd.f32 v14, v37;
	v37 =	vld [tilespmem:s28+$0xB0]  }
0x1e3: {  	v16 =	vadd.f32 v24, v16;
	v24 =	vld [tilespmem:s20+$0xFFFFFF20]  }
0x1e4: {  	v17 =	vadd.f32 v25, v17;
	v25 =	vld [tilespmem:s28+$0xFFFFFF20]  }
0x1e5: {  	v22 =	vadd.f32 v46, v22;
	v46 =	vld [tilespmem:s20+$0x120]  }
0x1e6: {  	v23 =	vadd.f32 v49, v23;
	v49 =	vld [tilespmem:$0x1FE00]  }
0x1e7: {  	v16 =	vadd.f32 v26, v16;
	v26 =	vld [tilespmem:s20+$0xFFFFFF60]  }
0x1e8: {  	v17 =	vadd.f32 v27, v17;
	v27 =	vld [tilespmem:s28+$0xFFFFFF60]  }
0x1e9: {  	v22 =	vadd.f32 v48, v22;
	v48 =	vld [tilespmem:s28+$0x1E0]  }
0x1ea: {  	v23 =	vadd.f32 v51, v23;
	v51 =	vld [tilespmem:$0x1FE10]  }
0x1eb: {  	v16 =	vadd.f32 v28, v16;
	v28 =	vld [tilespmem:s20+$0xFFFFFFA0]  }
0x1ec: {  	v17 =	vadd.f32 v29, v17;
	v29 =	vld [tilespmem:s28+$0xFFFFFFA0]  }
0x1ed: {  	v23 =	vadd.f32 v53, v23;
	v53 =	vld [tilespmem:$0x1FD80]  }
0x1ee: {  	v22 =	vadd.f32 v50, v22;
	v50 =	vld [tilespmem:s28+$0xFFFFFDF0]  }
0x1ef: {  	v16 =	vadd.f32 v30, v16;
	v30 =	vld [tilespmem:s20+$0xFFFFFFE0]  }
0x1f0: {  	v17 =	vadd.f32 v31, v17;
	v31 =	vld [tilespmem:s28+$0xFFFFFFE0]  }
0x1f1: {  	v11 =	vadd.f32 v11, v13;
	v22 =	vadd.f32 v52, v22;
	v52 =	vld [tilespmem:$0x1FD70]  }
0x1f2: {  	v23 =	vadd.f32 v55, v23;
	v55 =	vld [tilespmem:$0x1FDA0]  }
0x1f3: {  	v11 =	vadd.f32 v38, v11;
	v38 =	vld [tilespmem:s20+$0xF0]  }
0x1f4: {  	v16 =	vadd.f32 v32, v16;
	v32 =	vld [tilespmem:s20+$0x20]  }
0x1f5: {  	v17 =	vadd.f32 v33, v17;
	v33 =	vld [tilespmem:s28+$0x20]  }
0x1f6: {  	v23 =	vadd.f32 v57, v23;
	v57 =	vld [tilespmem:$0x1FCF0]  }
0x1f7: {  	v22 =	vadd.f32 v54, v22;
	v54 =	vld [tilespmem:$0x1FD90]  }
0x1f8: {  	v16 =	vadd.f32 v34, v16;
	v34 =	vld [tilespmem:s20+$0x60]  }
0x1f9: {  	v17 =	vadd.f32 v35, v17;
	v35 =	vld [tilespmem:s28+$0x60]  }
0x1fa: {  	v22 =	vadd.f32 v56, v22;
	v56 =	vld [tilespmem:$0x1FCE0]  }
0x1fb: {  	v23 =	vadd.f32 v59, v23;
	v59 =	vld [tilespmem:$0x1FD10]  }
0x1fc: {  	v11 =	vadd.f32 v18, v11;
	v16 =	vadd.f32 v36, v16;
	v36 =	vld [tilespmem:s20+$0xA0]  }
0x1fd: {  	v17 =	vadd.f32 v39, v17;
	v39 =	vld [tilespmem:s28+$0xA0]  }
0x1fe: {  	v11 =	vadd.f32 v20, v11;
	v22 =	vadd.f32 v58, v22;
	v58 =	vld [tilespmem:$0x1FD00]  }
0x1ff: {  	v23 =	vadd.f32 v61, v23;
	v61 =	vld [tilespmem:$0x1FD30]  }
0x200: {  	v11 =	vadd.f32 v42, v11;
	v42 =	vld [tilespmem:s20+$0x170]  }
0x201: {  	v22 =	vadd.f32 v60, v22;
	v60 =	vld [tilespmem:$0x1FD20]  }
0x202: {  	v23 =	vadd.f32 v63, v23;
	v63 =	vld [tilespmem:$0x1FD50]  }
0x203: {  	v17 =	vadd.f32 v57, v17;
	v57 =	vld [tilespmem:$0x1FDC0]  }
0x204: {  	v11 =	vadd.f32 v24, v11;
	v24 =	vld [tilespmem:s28+$0xFFFFFF30]  }
0x205: {  	v16 =	vadd.f32 v56, v16;
	v56 =	vld [tilespmem:$0x1FDB0]  }
0x206: {  	v1 =	vadd.f32 v1, v23;
	v23 =	vld [tilespmem:s28+$0x160]  }
0x207: {  	v22 =	vadd.f32 v62, v22;
	v62 =	vld [tilespmem:$0x1FD40]  }
0x208: {  	v17 =	vadd.f32 v59, v17;
	v59 =	vld [tilespmem:s20+$0xFFFFFDB0]  }
0x209: {  	v11 =	vadd.f32 v26, v11;
	v26 =	vld [tilespmem:s28+$0xFFFFFF70]  }
0x20a: {  	v16 =	vadd.f32 v58, v16;
	v58 =	vld [tilespmem:$0x1FDD0]  }
0x20b: {  	v0 =	vadd.f32 v0, v22;
	v22 =	vld [tilespmem:s20+$0x160]  }
0x20c: {  	v1 =	vadd.f32 v3, v1;
	v3 =	vld [tilespmem:s28+$0x1A0]  }
0x20d: {  	v17 =	vadd.f32 v61, v17;
	v61 =	vld [tilespmem:s28+$0xFFFFFDB0];
	v16 =	vadd.f32 v60, v16  }
0x20e: {  	v11 =	vadd.f32 v28, v11;
	v28 =	vld [tilespmem:s28+$0xFFFFFFB0]  }
0x20f: {  	v60 =	vld [tilespmem:$0x1FDE0];
	v17 =	vadd.f32 v63, v17;
	v16 =	vadd.f32 v62, v16  }
0x210: {  	v0 =	vadd.f32 v2, v0;
	v2 =	vld [tilespmem:s20+$0x1A0]  }
0x211: {  	v63 =	vld [tilespmem:s20+$0xFFFFFDF0];
	v17 =	vadd.f32 v52, v17;
	v16 =	vadd.f32 v41, v16  }
0x212: {  	v1 =	vadd.f32 v5, v1;
	v11 =	vadd.f32 v30, v11;
	v30 =	vld [tilespmem:s28+$0xFFFFFFF0]  }
0x213: {  	v62 =	vld [tilespmem:$0x1FDF0];
	v5 =	vadd.f32 v53, v16;
	v16 =	vadd.f32 v54, v17  }
0x214: {  	v0 =	vadd.f32 v4, v0;
	v4 =	vld [tilespmem:s20+$0x1E0]  }
0x215: {  	v1 =	vadd.f32 v7, v1;
	v16 =	vadd.f32 v56, v16;
	v56 =	vld [tilespmem:$0x1FE40]  }
0x216: {  	v7 =	vld [tilespmem:s28+$0x220];
	v11 =	vadd.f32 v32, v11;
	v0 =	vadd.f32 v6, v0  }
0x217: {  	v52 =	vld [tilespmem:s20+$0xFFFFFE30];
	v13 =	vadd.f32 v50, v61;
	v1 =	vadd.f32 v9, v1  }
0x218: {  	v32 =	vld [tilespmem:s28+$0x30];
	v0 =	vadd.f32 v8, v0;
	v5 =	vadd.f32 v55, v5  }
0x219: {  	v54 =	vld [tilespmem:s28+$0xFFFFFE30];
	v1 =	vadd.f32 v12, v1;
	v12 =	vadd.f32 v63, v59  }
0x21a: {  	v17 =	vadd.f32 v57, v5;
	v57 =	vld [tilespmem:s20+$0xFFFFFE70];
	v14 =	vadd.f32 v56, v14  }
0x21b: {  	v0 =	vadd.f32 v10, v0;
	v10 =	vadd.f32 v58, v16;
	v58 =	vld [tilespmem:s28+$0xFFFFFE70]  }
0x21c: {  	v11 =	vadd.f32 v34, v11;
	v59 =	vld [tilespmem:s20+$0xFFFFFEB0];
	v14 =	vadd.f32 v19, v14  }
0x21d: {  	v12 =	vadd.f32 v52, v12;
	v16 =	vadd.f32 v60, v17;
	v60 =	vld [tilespmem:s28+$0xFFFFFEB0]  }
0x21e: {  	v61 =	vld [tilespmem:s20+$0xFFFFFEF0];
	v13 =	vadd.f32 v54, v13;
	v14 =	vadd.f32 v21, v14  }
0x21f: {  	v10 =	vadd.f32 v62, v10;
	v62 =	vld [tilespmem:s28+$0xFFFFFEF0];
	v12 =	vadd.f32 v57, v12  }
0x220: {  	v63 =	vld [tilespmem:s20+$0xFFFFFF30];
	v13 =	vadd.f32 v58, v13;
	v14 =	vadd.f32 v43, v14  }
0x221: {  	v41 =	vld [tilespmem:s28+$0x130];
	v11 =	vadd.f32 v36, v11;
	v12 =	vadd.f32 v59, v12  }
0x222: {  	v13 =	vadd.f32 v60, v13;
	v14 =	vadd.f32 v25, v14;
	v25 =	vld [tilespmem:s20+$0xFFFFFF70]  }
0x223: {  	v50 =	vld [tilespmem:s28+$0x1F0];
	v1 =	vadd.f32 v40, v1;
	v12 =	vadd.f32 v61, v12  }
0x224: {  	v13 =	vadd.f32 v62, v13;
	v14 =	vadd.f32 v27, v14;
	v27 =	vld [tilespmem:s20+$0xFFFFFFB0]  }
0x225: {  	v6 =	vld [tilespmem:s20+$0x220];
	v11 =	vadd.f32 v44, v11;
	v12 =	vadd.f32 v63, v12  }
0x226: {  	v13 =	vadd.f32 v24, v13;
	v14 =	vadd.f32 v29, v14;
	v29 =	vld [tilespmem:s20+$0xFFFFFFF0]  }
0x227: {  	v34 =	vld [tilespmem:s28+$0x70];
	v0 =	vadd.f32 v15, v0;
	v12 =	vadd.f32 v25, v12  }
0x228: {  	v13 =	vadd.f32 v26, v13;
	v14 =	vadd.f32 v31, v14;
	v31 =	vld [tilespmem:s20+$0x30]  }
0x229: {  	v55 =	vld [tilespmem:$0x1FE30];
	v1 =	vadd.f32 v51, v1;
	v12 =	vadd.f32 v27, v12  }
0x22a: {  	v13 =	vadd.f32 v28, v13;
	v14 =	vadd.f32 v33, v14;
	v33 =	vld [tilespmem:s20+$0x70]  }
0x22b: {  	v53 =	vld [tilespmem:$0x1FE20];
	v11 =	vadd.f32 v46, v11;
	v12 =	vadd.f32 v29, v12  }
0x22c: {  	v13 =	vadd.f32 v30, v13;
	v14 =	vadd.f32 v35, v14;
	v35 =	vld [tilespmem:s20+$0xB0]  }
0x22d: {  	v9 =	vld [tilespmem:s28+$0x260];
	v0 =	vadd.f32 v49, v0;
	v12 =	vadd.f32 v31, v12  }
0x22e: {  	v8 =	vld [tilespmem:s20+$0x260];
	v1 =	vadd.f32 v55, v1;
	v13 =	vadd.f32 v32, v13  }
0x22f: {  	v14 =	vadd.f32 v39, v14;
	v39 =	vld [tilespmem:s28+$0xF0];
	v12 =	vadd.f32 v33, v12  }
0x230: {  	v40 =	vld [tilespmem:s20+$0x130];
	v11 =	vadd.f32 v22, v11;
	v13 =	vadd.f32 v34, v13  }
0x231: {  	v44 =	vld [tilespmem:s20+$0x1B0];
	v0 =	vadd.f32 v53, v0;
	v12 =	vadd.f32 v35, v12  }
0x232: {  	v55 =	vld [tilespmem:$0x1FE50];
	v13 =	vadd.f32 v37, v13;
	v14 =	vadd.f32 v45, v14  }
0x233: {  	v2 =	vadd.f32 v2, v11;
	v43 =	vld [tilespmem:s28+$0x170];
	v12 =	vadd.f32 v38, v12  }
0x234: {  	v52 =	vld [tilespmem:s28+$0x230];
	v14 =	vadd.f32 v47, v14;
	v13 =	vadd.f32 v39, v13  }
0x235: {  	v46 =	vld [tilespmem:s28+$0x1B0];
	v2 =	vadd.f32 v4, v2;
	v45 =	vadd.f32 v40, v12  }
0x236: {  	v47 =	vld [tilespmem:s20+$0x1F0];
	v14 =	vadd.f32 v23, v14;
	v13 =	vadd.f32 v41, v13  }
0x237: {  	v51 =	vld [tilespmem:s20+$0x230];
	v10 =	vmul.f32 v10, v55;
	v2 =	vadd.f32 v6, v2;
	v49 =	vadd.f32 v42, v45  }
0x238: {  	v59 =	vld [tilespmem:$0x1FE60];
	v3 =	vadd.f32 v3, v14;
	v13 =	vadd.f32 v43, v13  }
0x239: {  	v5 =	vld [tilespmem:s16+$0x0];
	v60 =	vadd.f32 $0.0e+00, v10;
	v4 =	vadd.f32 v44, v49  }
0x23a: {  	v54 =	vld [tilespmem:s20+$0x270];
	v3 =	vadd.f32 v48, v3;
	v53 =	vadd.f32 v46, v13  }
0x23b: {  	v57 =	vld [tilespmem:s28+$0x270];
	v56 =	vmul.f32 v55, v16;
	v2 =	vadd.f32 v8, v2;
	v4 =	vadd.f32 v47, v4  }
0x23c: {  	v58 =	vld [tilespmem:s16+$0x10];
	v3 =	vadd.f32 v7, v3;
	v7 =	vadd.f32 v50, v53  }
0x23d: {  	v8 =	vadd.f32 $0.0e+00, v56;
	v0 =	vmul.f32 v59, v0;
	v4 =	vadd.f32 v51, v4  }
0x23e: {  	v1 =	vmul.f32 v1, v59;
	v3 =	vadd.f32 v9, v3;
	v6 =	vadd.f32 v52, v7  }
0x23f: {  	v2 =	vmul.f32 v5, v2;
	v0 =	vadd.f32 v0, v8;
	v4 =	vadd.f32 v54, v4  }
0x240: {  	v1 =	vadd.f32 v1, v60;
	v3 =	vmul.f32 v3, v5;
	v61 =	vadd.f32 v57, v6  }
0x241: {  	p1 =	sne.s32 s15, $0x3C0;
	v0 =	vadd.f32 v2, v0;
	v62 =	vmul.f32 v58, v4  }
.Ltmp3:
0x242: {  	v1 =	vadd.f32 v3, v1;
	v63 =	vmul.f32 v61, v58;
	(pc) =	sbr.rel @p1 .LBB2_5-.Ltmp3, $4  }
0x243: {  	v0 =	vadd.f32 v62, v0  }
0x244: {  	s29 =	sshra.s32 s15, $0x2;
	v1 =	vadd.f32 v63, v1  }
0x245: {  	s15 =	sadd.s32 $0x40, s15;
	[tilespmem:s29+$0x14E20] =	vst v0  }
0x246: {  	s16 =	sadd.s32 $0x40, s16;
	s28 =	sadd.s32 $0x500, s28;
	s20 =	sadd.s32 $0x500, s20;
	[tilespmem:s29+$0x15020] =	vst v1  }
0x247: {  	s15 =	sadd.s32 s14, s9  }
0x248: {  	s15 =	sshll.u32 s15, $0x1  }
0x249: {  	s15 =	sadd.s32 $0x20, s15  }
0x24a: {  	s15 =	sand.u32 $0x1FFFFFE0, s15  }
0x24b: {  	s16 =	sadd.s32 s8, s15  }
0x24c: {  	[hbm4b:s16+s2] =	stream.linear.scatter [tilespmem:s11], [sflag:$0x3], $0x100, $0x38;
	[tilespmem:$0x15120] =	vst v63  }
0x24d: {  	_ =	swait.ge [sflag:s21], $0x100  }
0x24e: {  	[sflag:s21] =	ssyncset.done $0x0  }
.Ltmp4:
0x24f: {  	s15 =	sadd.s32 s10, s15;
	[sflag:s21] =	ssyncadd.s32 $0xFFFFFF00;
	(pc) =	sbr.rel @p0 .LBB2_8-.Ltmp4, $4  }
0x250: {  	[hbm4b:s15+s2] =	stream.linear.scatter [tilespmem:s12], [sflag:$0x3], $0x100, $0x38;
	[tilespmem:$0x15120] =	vst v63  }
0x251: {  	_ =	swait.ge [sflag:s21], $0x100  }
0x252: {  	[sflag:s21] =	ssyncset.done $0x0  }
0x253: {  	[sflag:s21] =	ssyncadd.s32 $0xFFFFFF00  }
0x254: {  	s14 =	sadd.s32 s14, s19  }
0x255: {  	s15 =	smul.u32 $0x14, s14;
	_ =	sdelay $0x1  }
0x256: {  	s15 =	sshrl.u32 s15, $0x3  }
0x257: {  	s16 =	sadd.s32 s4, s15  }
0x258: {  	[tilespmem:s3], [sflag:$0x3] =	stream.linear.gather [hbm4b:s16+s2], $0x140, $0x38;
	[tilespmem:$0x15120] =	vst v63  }
0x259: {  	_ =	swait.ge [sflag:s21], $0x140  }
0x25a: {  	[sflag:s21] =	ssyncset.done $0x0  }
0x25b: {  	s15 =	sadd.s32 s5, s15;
	[sflag:s21] =	ssyncadd.s32 $0xFFFFFEC0  }
0x25c: {  	[tilespmem:s25], [sflag:$0x3] =	stream.linear.gather [hbm4b:s15+s2], $0x140, $0x38;
	[tilespmem:$0x15120] =	vst v63  }
0x25d: {  	_ =	swait.ge [sflag:s21], $0x140  }
0x25e: {  	s14 =	sshrl.u32 s14, $0x3;
	[sflag:s21] =	ssyncset.done $0x0  }
0x25f: {  	s14 =	sadd.s32 s1, s14;
	[sflag:s21] =	ssyncadd.s32 $0xFFFFFEC0  }
0x260: {  	[tilespmem:s26], [sflag:$0x3] =	stream.linear.gather [hbm4b:s14+s2], $0x10, $0x38;
	[tilespmem:$0x15120] =	vst v63  }
0x261: {  	_ =	swait.ge [sflag:s21], $0x10  }
0x262: {  	[sflag:s21] =	ssyncset.done $0x0  }
0x263: {  	s29 =	simm.s32 $0x5520;
	[sflag:s21] =	ssyncadd.s32 $0xFFFFFFF0  }
0x264: {  	[tilespmem:s29], [sflag:$0x2] =	stream.indirect.gather [hbm4b:s7+s24], $0x40, s3, s24, $0xb8;
	[tilespmem:$0x15120] =	vst v63  }
0x265: {  	s15 =	simm.s32 $0xF520  }
0x266: {  	[tilespmem:s15], [sflag:$0x2] =	stream.indirect.gather [hbm4b:s7+s24], $0x40, s25, s24, $0xb8;
	[tilespmem:$0x15120] =	vst v63  }
0x267: {  	s20 =	simm.s32 $0x6920;
	s16 =	simm.s32 $0x190  }
0x268: {  	[tilespmem:s20], [sflag:$0x2] =	stream.indirect.gather [hbm4b:s7+s24], $0x40, s16, s24, $0xb8;
	[tilespmem:$0x15120] =	vst v63  }
0x269: {  	s28 =	simm.s32 $0x410;
	s29 =	simm.s32 $0x10920  }
0x26a: {  	[tilespmem:s29], [sflag:$0x2] =	stream.indirect.gather [hbm4b:s7+s24], $0x40, s28, s24, $0xb8;
	[tilespmem:$0x15120] =	vst v63  }
0x26b: {  	s16 =	simm.s32 $0x1E0;
	s20 =	simm.s32 $0x7D20  }
0x26c: {  	[tilespmem:s20], [sflag:$0x2] =	stream.indirect.gather [hbm4b:s7+s24], $0x40, s16, s24, $0xb8;
	[tilespmem:$0x15120] =	vst v63  }
0x26d: {  	s28 =	simm.s32 $0x460;
	s29 =	simm.s32 $0x11D20  }
0x26e: {  	[tilespmem:s29], [sflag:$0x2] =	stream.indirect.gather [hbm4b:s7+s24], $0x40, s28, s24, $0xb8;
	[tilespmem:$0x15120] =	vst v63  }
0x26f: {  	s15 =	simm.s32 $0x230;
	s16 =	simm.s32 $0x9120  }
0x270: {  	[tilespmem:s16], [sflag:$0x2] =	stream.indirect.gather [hbm4b:s7+s24], $0x40, s15, s24, $0xb8;
	[tilespmem:$0x15120] =	vst v63  }
.Ltmp5:
0x271: {  	_ = 	snop;
	(pc) =	sbr.rel .LBB2_2-.Ltmp5, $4  }
0x272: {  	s20 =	simm.s32 $0x4B0;
	s28 =	simm.s32 $0x13120  }
0x273: {  	[tilespmem:s28], [sflag:$0x2] =	stream.indirect.gather [hbm4b:s7+s24], $0x40, s20, s24, $0xb8;
	[tilespmem:$0x15120] =	vst v63  }
0x274: {  	s13 =	sadd.s32 $0x1, s13;
	s29 =	simm.s32 $0x14920  }
0x275: {  	[tilespmem:s29], [sflag:$0x2] =	stream.indirect.gather [hbm4b:s6+s31], $0x40, s26, s31, $0xb8;
	[tilespmem:$0x15120] =	vst v63  }
.LBB2_9:
0x276: {  	_ =	sfence.sel $0x180000  }
0x277: {  	[bflag:$0x0] =	sbarrier.arrive $0xFFFF  }
0x278: {  	_ =	strace $0x90000047  }
0x279: {  	s0 =	stileid.u32;
	[bflag:$0x2] =	sbarrier.arrive $0xFFFF  }
0x27a: {  	p0 =	sne.s32 s0, $0x0;
	s0 =	rddreg [dreg:$0x2]  }
0x27b: {  	s0 =	sadd.s32 @!p0 $0x100000, s0  }
0x27c: {  	[sflag:s0] =	ssyncadd.tile.s32 @!p0 $0x1;
	_ =	shalt  }
.Lfunc_end2:
_tile_overlayer_lowered:
.L_overlay_start_2:
0x27d: {  	(tag) =	ssettag $0x2  }
0x27e: {  	s0 =	rddreg [dreg:$0x0];
	s2 =	stileid.u32  }
0x27f: {  	s1 =	rddreg [dreg:$0x1];
	p0 =	sne.s32 s2, $0x0  }
0x280: {  	s3 =	rddreg [dreg:$0x2];
	[bflag:$0x3] =	sbarrier.arrive $0xFFFF;
	s2 =	simm.s32 @!p0 $0x1C03  }
0x281: {  	[timem:s3], [sflag:s2] =	dma.local @!p0 [hbm:s0], s1  }
0x282: {  	s0 =	simm.s32 @!p0 $0x3  }
0x283: {  	_ =	swait.ge @!p0 [sflag:s0], s1  }
0x284: {  	s1 =	ssub.s32 @!p0 $0x0, s1;
	[sflag:s0] =	ssyncset.done @!p0 $0x0  }
0x285: {  	[sflag:s0] =	ssyncadd.s32 @!p0 s1  }
0x286: {  	[bflag:$0x3] =	sbarrier.arrive $0xFFFF  }
0x287: {  	_ =	shalt  }

</sc_bundles>
